<compile_context>
chip_gen: v7x
topology: tpu7x:2x2x1
jax: 0.10.2.dev20260603
libtpu: 0.0.44.dev20260713+nightly
codegen_flags: <defaults>
</compile_context>

<pallas_src>
import functools

import jax
import jax.numpy as jnp
from jax import lax
from jax.experimental import pallas as pl
from jax.experimental.pallas import tpu as pltpu
from jax.experimental.pallas import tpu_sc as plsc

N, E, H, M, T, NA = 5000, 50000, 128, 6, 30, 2
G = 32
E_PAD = 51200
RT = E_PAD * M
NACC = 30080
BE = 512
BR = 1200
KB = 64
SB = 128
NW = 32
GATHER_BATCHES = E_PAD // (NW * KB)
ROWS_PER_W = E_PAD // NW
SC_ROWS_PER_TILE = RT // 16
SC_BATCHES = SC_ROWS_PER_TILE // SB
ACC_PER_TILE = NACC // 16

_mesh = plsc.VectorSubcoreMesh(core_axis_name="c", subcore_axis_name="s")


@functools.partial(
    pl.kernel, mesh=_mesh,
    out_type=[jax.ShapeDtypeStruct((E_PAD, 384), jnp.float32),
              jax.ShapeDtypeStruct((E_PAD, 128), jnp.float32)],
    scratch_types=[pltpu.VMEM((KB,), jnp.int32),
                   pltpu.VMEM((KB,), jnp.int32),
                   pltpu.VMEM((KB, 384), jnp.float32),
                   pltpu.VMEM((KB, 128), jnp.float32),
                   pltpu.SemaphoreType.DMA,
                   pltpu.SemaphoreType.DMA],
)
def _sc_gather(tsrc, tdst, sidx, didx, out_src, out_dst,
               idx_v, idx2_v, rows_v, rows2_v, sem1, sem2):
    wid = lax.axis_index("s") * 2 + lax.axis_index("c")

    def body(b, carry):
        base = wid * ROWS_PER_W + b * KB
        pltpu.sync_copy(sidx.at[pl.ds(base, KB)], idx_v)
        pltpu.sync_copy(didx.at[pl.ds(base, KB)], idx2_v)
        pltpu.async_copy(tsrc.at[idx_v], rows_v, sem1).wait()
        pltpu.sync_copy(rows_v, out_src.at[pl.ds(base, KB)])
        pltpu.async_copy(tdst.at[idx2_v], rows2_v, sem2).wait()
        pltpu.sync_copy(rows2_v, out_dst.at[pl.ds(base, KB)])
        return carry

    lax.fori_loop(0, GATHER_BATCHES, body, 0)


@functools.partial(
    pl.kernel, mesh=_mesh,
    out_type=jax.ShapeDtypeStruct((4, NACC, 32), jnp.float32),
    scratch_types=[pltpu.VMEM((SB,), jnp.int32),
                   pltpu.VMEM((SB, 32), jnp.float32),
                   pltpu.VMEM_SHARED((NACC, 32), jnp.float32)],
)
def _sc_scatter(wz, dstm, zer, out, idx_v, rows_v, acc_sh):
    sc = lax.axis_index("c")
    sid = lax.axis_index("s")
    zbase = sid * ACC_PER_TILE
    for ql in range(2):
        q = sc * 2 + ql
        pltpu.sync_copy(zer.at[pl.ds(zbase, ACC_PER_TILE)],
                        acc_sh.at[pl.ds(zbase, ACC_PER_TILE)])
        plsc.subcore_barrier()

        def body(b, carry):
            base = sid * SC_ROWS_PER_TILE + b * SB
            pltpu.sync_copy(dstm.at[pl.ds(base, SB)], idx_v)
            pltpu.sync_copy(wz.at[q, pl.ds(base, SB)], rows_v)
            pltpu.sync_copy(rows_v, acc_sh.at[idx_v], add=True)
            return carry

        lax.fori_loop(0, SC_BATCHES, body, 0)
        plsc.subcore_barrier()
        pltpu.sync_copy(acc_sh.at[pl.ds(zbase, ACC_PER_TILE)],
                        out.at[q, pl.ds(zbase, ACC_PER_TILE)])
        plsc.subcore_barrier()


def _gn(x, A, g, b, eps=1e-5):
    mu = jnp.dot(x, A, preferred_element_type=jnp.float32)
    var = jnp.dot(x * x, A, preferred_element_type=jnp.float32) - mu * mu
    return ((x - mu) * jax.lax.rsqrt(var + eps)) * g + b


def _elu(x):
    return jnp.where(x > 0, x, jnp.exp(jnp.minimum(x, 0.0)) - 1.0)


def _mm(a, b):
    return jnp.dot(a, b, preferred_element_type=jnp.float32)


def _sn_body(v_ref, q_ref, o_ref):
    o_ref[...] = _mm(v_ref[...], q_ref[...])


def _edge_body(gsrc_ref, gdst_ref, w1_ref, b1_ref, wc1_ref, n1g_ref, n1b_ref,
               w2_ref, b2_ref, n2g_ref, n2b_ref, wt_ref, bt_ref, wct_ref,
               tng_ref, tnb_ref, atw_ref, atb_ref, fc1_ref, w3_ref, A_ref,
               zm_ref, et_ref):
    A = A_ref[...]
    fd = jnp.concatenate(
        [gsrc_ref[:, m * 60:(m + 1) * 60] for m in range(M)], axis=0)
    ctrs_d = gdst_ref[:, 2:4]
    ctr1 = _mm(ctrs_d, wc1_ref[...])
    ctrt = _mm(ctrs_d, wct_ref[...])
    ctr1_b = jnp.concatenate([ctr1] * M, axis=0)
    ctrt_b = jnp.concatenate([ctrt] * M, axis=0)

    u1 = _mm(fd, w1_ref[...]) - ctr1_b + b1_ref[...]
    u1 = _gn(u1, A, n1g_ref[...], n1b_ref[...])
    u1 = _elu(u1)
    u1 = _mm(u1, w2_ref[...]) + b2_ref[...]
    u1 = _gn(u1, A, n2g_ref[...], n2b_ref[...])
    ut = _mm(fd, wt_ref[...]) - ctrt_b + bt_ref[...]
    ut = _gn(ut, A, tng_ref[...], tnb_ref[...])
    pf = _elu(u1 + ut)

    types = jnp.concatenate([gsrc_ref[:, 360:362], gdst_ref[:, 0:2]], axis=1)
    at = _mm(types, atw_ref[...]) + atb_ref[...]
    at_b = jnp.concatenate([at] * M, axis=0)
    z_m = _mm(pf + at_b, fc1_ref[...])
    zm_ref[...] = z_m

    s_nd = jnp.concatenate(
        [gdst_ref[:, 4 + m:5 + m] for m in range(M)], axis=0)
    e_raw = _mm(z_m, w3_ref[...]) + s_nd
    et_ref[...] = jnp.where(e_raw > 0, e_raw, 0.2 * e_raw)


SW = 512
NBLK = E_PAD // SW
_NEG = -3.4e38


def _seg_scan_block(v, fl, pre, op, fill, reverse):
    k = 1
    while k < SW:
        if not reverse:
            vs = jnp.concatenate(
                [jnp.full((M, k), fill, jnp.float32), v[:, :-k]], axis=1)
            fs = jnp.concatenate(
                [jnp.full((M, k), 1.0, jnp.float32), fl[:, :-k]], axis=1)
            ps = jnp.concatenate(
                [jnp.full((M, k), 0.0, jnp.float32), pre[:, :-k]], axis=1)
        else:
            vs = jnp.concatenate(
                [v[:, k:], jnp.full((M, k), fill, jnp.float32)], axis=1)
            fs = jnp.concatenate(
                [fl[:, k:], jnp.full((M, k), 1.0, jnp.float32)], axis=1)
            ps = jnp.concatenate(
                [pre[:, k:], jnp.full((M, k), 0.0, jnp.float32)], axis=1)
        v = jnp.where(fl > 0.5, v, op(v, vs))
        fl = jnp.maximum(fl, fs)
        pre = jnp.maximum(pre, ps)
        k *= 2
    return v, pre


def _scan_fwd_max(e_ref, f_ref, o_ref, carry_ref):
    @pl.when(pl.program_id(0) == 0)
    def _():
        carry_ref[...] = jnp.full((M, 128), _NEG, jnp.float32)
    f = jnp.broadcast_to(f_ref[...], (M, SW))
    v, pre = _seg_scan_block(e_ref[...], f, f, jnp.maximum, _NEG, False)
    v = jnp.where(pre > 0.5, v, jnp.maximum(v, carry_ref[:, 0:1]))
    carry_ref[:, 0:1] = v[:, SW - 1:SW]
    o_ref[...] = v


def _scan_bwd_max_ex(e_ref, f_ref, mf_ref, o_ref, carry_ref):
    @pl.when(pl.program_id(0) == 0)
    def _():
        carry_ref[...] = jnp.full((M, 128), _NEG, jnp.float32)
    f = jnp.broadcast_to(f_ref[...], (M, SW))
    v0 = e_ref[...]
    v, suf = _seg_scan_block(v0, f, f, jnp.maximum, _NEG, True)
    v = jnp.where(suf > 0.5, v, jnp.maximum(v, carry_ref[:, 0:1]))
    carry_ref[:, 0:1] = v[:, 0:1]
    o_ref[...] = jnp.exp(v0 - jnp.maximum(v, mf_ref[...]))


def _scan_fwd_sum(x_ref, f_ref, o_ref, carry_ref):
    @pl.when(pl.program_id(0) == 0)
    def _():
        carry_ref[...] = jnp.zeros((M, 128), jnp.float32)
    f = jnp.broadcast_to(f_ref[...], (M, SW))
    v, pre = _seg_scan_block(x_ref[...], f, f, jnp.add, 0.0, False)
    v = jnp.where(pre > 0.5, v, v + carry_ref[:, 0:1])
    carry_ref[:, 0:1] = v[:, SW - 1:SW]
    o_ref[...] = v


def _scan_bwd_sum_alpha(x_ref, f_ref, sf_ref, o_ref, carry_ref):
    @pl.when(pl.program_id(0) == 0)
    def _():
        carry_ref[...] = jnp.zeros((M, 128), jnp.float32)
    f = jnp.broadcast_to(f_ref[...], (M, SW))
    x = x_ref[...]
    v, suf = _seg_scan_block(x, f, f, jnp.add, 0.0, True)
    v = jnp.where(suf > 0.5, v, v + carry_ref[:, 0:1])
    carry_ref[:, 0:1] = v[:, 0:1]
    o_ref[...] = x / (v + sf_ref[...] - x)


def _weight_body(zm_ref, a_ref, o_ref):
    wz = zm_ref[...] * a_ref[...]
    o_ref[0] = wz[:, 0:32]
    o_ref[1] = wz[:, 32:64]
    o_ref[2] = wz[:, 64:96]
    o_ref[3] = wz[:, 96:128]


def _node_body(agg_ref, h_ref, wih_ref, bih_ref, whh_ref, bhh_ref,
               l1a_ref, l1bt_ref, l1b_ref, n1g_ref, n1b_ref,
               w2_ref, b2_ref, n2g_ref, n2b_ref,
               ta_ref, tbt_ref, tb_ref, tng_ref, tnb_ref,
               wo_ref, bo_ref, ctr_ref, A_ref,
               hn_ref, d_ref):
    A = A_ref[...]
    gi = _mm(agg_ref[...], wih_ref[...]) + bih_ref[...]
    h = h_ref[...]
    gh = _mm(h, whh_ref[...]) + bhh_ref[...]
    r = jax.nn.sigmoid(gi[:, :H] + gh[:, :H])
    z = jax.nn.sigmoid(gi[:, H:2 * H] + gh[:, H:2 * H])
    n = jnp.tanh(gi[:, 2 * H:] + r * gh[:, 2 * H:])
    h_new = (1.0 - z) * n + z * h
    hn_ref[...] = h_new

    o1 = _mm(h_new, l1a_ref[...]) + l1bt_ref[...] + l1b_ref[...]
    o1 = _gn(o1, A, n1g_ref[...], n1b_ref[...])
    o1 = _elu(o1)
    o1 = _mm(o1, w2_ref[...]) + b2_ref[...]
    o1 = _gn(o1, A, n2g_ref[...], n2b_ref[...])
    ot = _mm(h_new, ta_ref[...]) + tbt_ref[...] + tb_ref[...]
    ot = _gn(ot, A, tng_ref[...], tnb_ref[...])
    dec = _elu(o1 + ot)
    dests = _mm(dec, wo_ref[...]) + bo_ref[...]
    d_ref[...] = dests + ctr_ref[...]


def _rep(shape):
    nd = len(shape)
    return pl.BlockSpec(shape, lambda i: (0,) * nd)


def kernel(v_n, f_decode, agenttypes, ctrs, edge_index, at_W, at_b, ep_l1_W,
           ep_l1_b, ep_n1_g, ep_n1_b, ep_l2_W, ep_l2_b, ep_n2_g, ep_n2_b,
           ep_t_W, ep_t_b, ep_tn_g, ep_tn_b, fo_l1_W, fo_l1_b, fo_n1_g,
           fo_n1_b, fo_l2_W, fo_l2_b, fo_n2_g, fo_n2_b, fo_t_W, fo_t_b,
           fo_tn_g, fo_tn_b, fc1_W, fc2_W, fc3_W, gru_W_ih, gru_W_hh,
           gru_b_ih, gru_b_hh, fo_out_W, fo_out_b):
    f32 = jnp.float32
    src, dst = edge_index[0], edge_index[1]
    order = jnp.argsort(dst)
    src_s = jnp.concatenate([src[order], jnp.zeros((E_PAD - E,), jnp.int32)])
    dst_s = jnp.concatenate([dst[order], jnp.full((E_PAD - E,), N, jnp.int32)])

    Wc1 = ep_l1_W.reshape(H, T, 2).sum(1)
    Wct = ep_t_W.reshape(H, T, 2).sum(1)
    q = fc2_W.T @ fc3_W[0, H:]
    w3m = fc3_W[0, :H].reshape(H, 1)
    A = jnp.kron(jnp.eye(G, dtype=f32), jnp.full((H // G, H // G), G / H, f32))

    vflat = v_n.reshape(N * M, H)
    s_n = pl.pallas_call(
        _sn_body, grid=(25,),
        in_specs=[pl.BlockSpec((BR, H), lambda i: (i, 0)), _rep((H, 1))],
        out_specs=pl.BlockSpec((BR, 1), lambda i: (i, 0)),
        out_shape=jax.ShapeDtypeStruct((N * M, 1), f32),
    )(vflat, q.reshape(H, 1))

    tbl_src = jnp.concatenate(
        [f_decode.reshape(N, 360), agenttypes, jnp.zeros((N, 22), f32)], axis=1)
    tbl_dst = jnp.concatenate(
        [agenttypes, ctrs, s_n.reshape(N, M), jnp.zeros((N, 118), f32)], axis=1)
    tbl_dst = jnp.concatenate([tbl_dst, jnp.zeros((8, 128), f32)], axis=0)
    g_src, g_dst = _sc_gather(tbl_src, tbl_dst, src_s, dst_s)

    bspec = [
        pl.BlockSpec((BE, 384), lambda i: (i, 0)),
        pl.BlockSpec((BE, 128), lambda i: (i, 0)),
        _rep((60, H)), _rep((1, H)), _rep((2, H)), _rep((1, H)), _rep((1, H)),
        _rep((H, H)), _rep((1, H)), _rep((1, H)), _rep((1, H)),
        _rep((60, H)), _rep((1, H)), _rep((2, H)), _rep((1, H)), _rep((1, H)),
        _rep((4, H)), _rep((1, H)), _rep((H, H)), _rep((H, 1)), _rep((H, H)),
    ]
    z_m, e_rows = pl.pallas_call(
        _edge_body, grid=(E_PAD // BE,),
        in_specs=bspec,
        out_specs=[pl.BlockSpec((BE * M, H), lambda i: (i, 0)),
                   pl.BlockSpec((BE * M, 1), lambda i: (i, 0))],
        out_shape=[jax.ShapeDtypeStruct((RT, H), f32),
                   jax.ShapeDtypeStruct((RT, 1), f32)],
    )(g_src, g_dst, ep_l1_W.T, ep_l1_b.reshape(1, H), Wc1.T,
      ep_n1_g.reshape(1, H), ep_n1_b.reshape(1, H), ep_l2_W.T,
      ep_l2_b.reshape(1, H), ep_n2_g.reshape(1, H), ep_n2_b.reshape(1, H),
      ep_t_W.T, ep_t_b.reshape(1, H), Wct.T, ep_tn_g.reshape(1, H),
      ep_tn_b.reshape(1, H), at_W.T, at_b.reshape(1, H), fc1_W.T, w3m, A)

    NB = E_PAD // BE
    e_t = e_rows.reshape(NB, M, BE).transpose(1, 0, 2).reshape(M, E_PAD)
    sflag = jnp.concatenate(
        [jnp.ones((1,), jnp.float32),
         (dst_s[1:] != dst_s[:-1]).astype(jnp.float32)]).reshape(1, E_PAD)
    eflag = jnp.concatenate(
        [(dst_s[:-1] != dst_s[1:]).astype(jnp.float32),
         jnp.ones((1,), jnp.float32)]).reshape(1, E_PAD)

    blk_f = pl.BlockSpec((M, SW), lambda i: (0, i))
    fblk_f = pl.BlockSpec((1, SW), lambda i: (0, i))
    blk_r = pl.BlockSpec((M, SW), lambda i: (0, NBLK - 1 - i))
    fblk_r = pl.BlockSpec((1, SW), lambda i: (0, NBLK - 1 - i))
    scr = [pltpu.VMEM((M, 128), f32)]
    shp = jax.ShapeDtypeStruct((M, E_PAD), f32)

    mf = pl.pallas_call(_scan_fwd_max, grid=(NBLK,),
                        in_specs=[blk_f, fblk_f], out_specs=blk_f,
                        out_shape=shp, scratch_shapes=scr)(e_t, sflag)
    ex = pl.pallas_call(_scan_bwd_max_ex, grid=(NBLK,),
                        in_specs=[blk_r, fblk_r, blk_r], out_specs=blk_r,
                        out_shape=shp, scratch_shapes=scr)(e_t, eflag, mf)
    sfw = pl.pallas_call(_scan_fwd_sum, grid=(NBLK,),
                         in_specs=[blk_f, fblk_f], out_specs=blk_f,
                         out_shape=shp, scratch_shapes=scr)(ex, sflag)
    alpha = pl.pallas_call(_scan_bwd_sum_alpha, grid=(NBLK,),
                           in_specs=[blk_r, fblk_r, blk_r], out_specs=blk_r,
                           out_shape=shp, scratch_shapes=scr)(ex, eflag, sfw)
    a_rows = alpha.reshape(M, NB, BE).transpose(1, 0, 2).reshape(RT, 1)

    wz = pl.pallas_call(
        _weight_body, grid=(E_PAD // BE,),
        in_specs=[pl.BlockSpec((BE * M, H), lambda i: (i, 0)),
                  pl.BlockSpec((BE * M, 1), lambda i: (i, 0))],
        out_specs=pl.BlockSpec((4, BE * M, 32), lambda i: (0, i, 0)),
        out_shape=jax.ShapeDtypeStruct((4, RT, 32), f32),
    )(z_m, a_rows)

    mcol = jnp.arange(M, dtype=jnp.int32)[None, :, None]
    dst_blk = dst_s.reshape(NB, 1, BE)
    dstm = jnp.where(dst_blk >= N, N * M,
                     dst_blk * M + mcol).reshape(RT)
    wzf = jnp.concatenate([wz[0], wz[1], wz[2], wz[3]], axis=1)
    agg = jnp.zeros((NACC, H), f32).at[dstm].add(wzf)[:N * M]

    l1bt = jnp.tile(fo_l1_W[:, H:].T, (BR // M, 1))
    tbt = jnp.tile(fo_t_W[:, H:].T, (BR // M, 1))
    ctr_rows = jnp.tile(jnp.repeat(ctrs, M, axis=0), (1, T))
    nspec = [
        pl.BlockSpec((BR, H), lambda i: (i, 0)),
        pl.BlockSpec((BR, H), lambda i: (i, 0)),
        _rep((H, 3 * H)), _rep((1, 3 * H)), _rep((H, 3 * H)), _rep((1, 3 * H)),
        _rep((H, H)), _rep((BR, H)), _rep((1, H)), _rep((1, H)), _rep((1, H)),
        _rep((H, H)), _rep((1, H)), _rep((1, H)), _rep((1, H)),
        _rep((H, H)), _rep((BR, H)), _rep((1, H)), _rep((1, H)), _rep((1, H)),
        _rep((H, 2 * T)), _rep((1, 2 * T)),
        pl.BlockSpec((BR, 2 * T), lambda i: (i, 0)), _rep((H, H)),
    ]
    h_new, dests = pl.pallas_call(
        _node_body, grid=(N * M // BR,),
        in_specs=nspec,
        out_specs=[pl.BlockSpec((BR, H), lambda i: (i, 0)),
                   pl.BlockSpec((BR, 2 * T), lambda i: (i, 0))],
        out_shape=[jax.ShapeDtypeStruct((N * M, H), f32),
                   jax.ShapeDtypeStruct((N * M, 2 * T), f32)],
    )(agg, vflat, gru_W_ih.T, gru_b_ih.reshape(1, 3 * H), gru_W_hh.T,
      gru_b_hh.reshape(1, 3 * H), fo_l1_W[:, :H].T, l1bt,
      fo_l1_b.reshape(1, H), fo_n1_g.reshape(1, H), fo_n1_b.reshape(1, H),
      fo_l2_W.T, fo_l2_b.reshape(1, H), fo_n2_g.reshape(1, H),
      fo_n2_b.reshape(1, H), fo_t_W[:, :H].T, tbt, fo_t_b.reshape(1, H),
      fo_tn_g.reshape(1, H), fo_tn_b.reshape(1, H), fo_out_W.T,
      fo_out_b.reshape(1, 2 * T), ctr_rows, A)

    return h_new.reshape(N, M, H), dests.reshape(N, M, T, 2)

# --- scband reference (transcript-rebuilt; emitter-appended) ---
"""Pipeline reference for scband-fjmpattention-trajectory-decoder-45861660787501 (READ-ONLY COPY).

The authoritative reference and input builder live on the scoring server;
editing this copy changes nothing except your own understanding.
"""

import jax, jax.numpy as jnp
import numpy as np

N, E, H, M, T, NA = 5000, 50000, 128, 6, 30, 2
G = 32  # gcd(32, 128)


def _group_norm(x, g, b, eps=1e-5):
    B, C = x.shape
    xg = x.reshape(B, G, C // G)
    mu = jnp.mean(xg, axis=-1, keepdims=True)
    var = jnp.var(xg, axis=-1, keepdims=True)
    xn = ((xg - mu) / jnp.sqrt(var + eps)).reshape(B, C)
    return xn * g + b


def _linear_res(x, p, pre):
    out = x @ p[pre + "_l1_W"].T + p[pre + "_l1_b"]
    out = _group_norm(out, p[pre + "_n1_g"], p[pre + "_n1_b"])
    out = jax.nn.elu(out)
    out = out @ p[pre + "_l2_W"].T + p[pre + "_l2_b"]
    out = _group_norm(out, p[pre + "_n2_g"], p[pre + "_n2_b"])
    xt = x @ p[pre + "_t_W"].T + p[pre + "_t_b"]
    xt = _group_norm(xt, p[pre + "_tn_g"], p[pre + "_tn_b"])
    return jax.nn.elu(out + xt)


def _forward(p, edge_index):
    v_n, f_decode = p["v_n"], p["f_decode"]
    agenttypes, ctrs = p["agenttypes"], p["ctrs"]
    src, dst = edge_index[0], edge_index[1]
    # ---- message_func ----
    at = jnp.concatenate([agenttypes[src], agenttypes[dst]], axis=-1) @ p["at_W"].T + p["at_b"]
    at = at[:, None, :]                                   # [E,1,H]
    ctrs_r = ctrs[dst].reshape(-1, 1, 1, 2)               # [E,1,1,2]
    pred_rel = jax.lax.stop_gradient(f_decode)[src] - ctrs_r  # [E,M,T,2] (src f_decode detached)
    pred_flat = pred_rel.reshape(E * M, T * 2)
    pred_feats = _linear_res(pred_flat, p, "ep").reshape(E, M, H)
    feats = pred_feats + at                               # [E,M,H]
    z_m = feats @ p["fc1_W"].T                            # [E,M,H] (single head)
    z_n = v_n[dst] @ p["fc2_W"].T                         # [E,M,H]
    z2 = jnp.concatenate([z_m, z_n], axis=-1)             # [E,M,2H]
    e = jax.nn.leaky_relu(z2 @ p["fc3_W"].T, 0.2)         # [E,M,1]
    # ---- reduce_func: per-dst softmax over incoming edges (mailbox dim) ----
    m = jax.ops.segment_max(e, dst, num_segments=N)
    ex = jnp.exp(e - m[dst])
    s = jax.ops.segment_sum(ex, dst, num_segments=N)
    alpha = ex / s[dst]
    agg = jax.ops.segment_sum(alpha * z_m, dst, num_segments=N)  # [N,M,H]; mean over 1 head = identity
    # ---- GRUCell fc_agg ----
    x = agg.reshape(-1, H)
    h = v_n.reshape(-1, H)
    gi = x @ p["gru_W_ih"].T + p["gru_b_ih"]
    gh = h @ p["gru_W_hh"].T + p["gru_b_hh"]
    r = jax.nn.sigmoid(gi[:, :H] + gh[:, :H])
    z = jax.nn.sigmoid(gi[:, H:2 * H] + gh[:, H:2 * H])
    n = jnp.tanh(gi[:, 2 * H:] + r * gh[:, 2 * H:])
    h_new = (1.0 - z) * n + z * h
    v_n_new = h_new.reshape(N, M, H)
    # ---- f_out decode per joint mode with one-hot mode index ----
    mode_idx = jnp.broadcast_to(jnp.eye(M, dtype=v_n.dtype), (N, M, M))
    out = jnp.concatenate([v_n_new, mode_idx], axis=-1).reshape(N * M, H + M)
    dec = _linear_res(out, p, "fo")
    dests = dec @ p["fo_out_W"].T + p["fo_out_b"]         # [N*M, 2T]
    f_decode_new = dests.reshape(N, M, T, 2) + ctrs.reshape(N, 1, 1, 2)
    return v_n_new, f_decode_new


def setup_inputs(seed: int = 0):
    key = jax.random.key(seed)
    kit = iter(jax.random.split(key, 64))
    def nk():
        return next(kit)
    def xav(o, i):
        return jax.random.normal(nk(), (o, i), jnp.float32) * np.sqrt(2.0 / (o + i))
    inp = {}
    inp["v_n"] = jax.random.normal(nk(), (N, M, H), jnp.float32)
    inp["f_decode"] = jax.random.normal(nk(), (N, M, T, 2), jnp.float32)
    inp["agenttypes"] = jax.random.uniform(nk(), (N, NA), jnp.float32)
    inp["ctrs"] = jax.random.normal(nk(), (N, 2), jnp.float32)
    inp["edge_index"] = jax.random.randint(nk(), (2, E), 0, N, jnp.int32)
    inp["at_W"] = xav(H, 2 * NA); inp["at_b"] = jnp.full((H,), 0.1, jnp.float32)
    def linres(pre, n_in, n_out):
        inp[pre + "_l1_W"] = xav(n_out, n_in); inp[pre + "_l1_b"] = jnp.full((n_out,), 0.1, jnp.float32)
        inp[pre + "_n1_g"] = jnp.ones((n_out,), jnp.float32); inp[pre + "_n1_b"] = jnp.zeros((n_out,), jnp.float32)
        inp[pre + "_l2_W"] = xav(n_out, n_out); inp[pre + "_l2_b"] = jnp.full((n_out,), 0.1, jnp.float32)
        inp[pre + "_n2_g"] = jnp.ones((n_out,), jnp.float32); inp[pre + "_n2_b"] = jnp.zeros((n_out,), jnp.float32)
        inp[pre + "_t_W"] = xav(n_out, n_in); inp[pre + "_t_b"] = jnp.full((n_out,), 0.1, jnp.float32)
        inp[pre + "_tn_g"] = jnp.ones((n_out,), jnp.float32); inp[pre + "_tn_b"] = jnp.zeros((n_out,), jnp.float32)
    linres("ep", 2 * T, H)
    linres("fo", H + M, H)
    inp["fc1_W"] = xav(H, H); inp["fc2_W"] = xav(H, H); inp["fc3_W"] = xav(1, 2 * H)
    inp["gru_W_ih"] = xav(3 * H, H); inp["gru_W_hh"] = xav(3 * H, H)
    inp["gru_b_ih"] = jnp.zeros((3 * H,), jnp.float32); inp["gru_b_hh"] = jnp.zeros((3 * H,), jnp.float32)
    inp["fo_out_W"] = xav(2 * T, H); inp["fo_out_b"] = jnp.full((2 * T,), 0.1, jnp.float32)
    return inp


def reference(v_n, f_decode, agenttypes, ctrs, edge_index, at_W, at_b,
              ep_l1_W, ep_l1_b, ep_n1_g, ep_n1_b, ep_l2_W, ep_l2_b,
              ep_n2_g, ep_n2_b, ep_t_W, ep_t_b, ep_tn_g, ep_tn_b,
              fo_l1_W, fo_l1_b, fo_n1_g, fo_n1_b, fo_l2_W, fo_l2_b,
              fo_n2_g, fo_n2_b, fo_t_W, fo_t_b, fo_tn_g, fo_tn_b,
              fc1_W, fc2_W, fc3_W, gru_W_ih, gru_W_hh, gru_b_ih, gru_b_hh,
              fo_out_W, fo_out_b):
    inp = dict(locals())
    edge_index = inp.pop("edge_index")
    return _forward(inp, edge_index)

if __name__ == "__main__":
    import jax
    _d = setup_inputs()
    print(jax.jit(kernel)(*tuple(_d.values())))

</pallas_src>

<mosaic_0001>
#map = affine_map<(d0, d1) -> (0, 0)>
#map1 = affine_map<(d0, d1) -> (0)>
module attributes {stable_mosaic.version = 14 : i64} {
  func.func @_sc_gather(%arg0: i32, %arg1: i32, %arg2: memref<5000x384xf32, #tpu.memory_space<hbm>>, %arg3: memref<5008x128xf32, #tpu.memory_space<hbm>>, %arg4: memref<51200xi32, #tpu.memory_space<hbm>>, %arg5: memref<51200xi32, #tpu.memory_space<hbm>>, %arg6: memref<51200x384xf32, #tpu.memory_space<hbm>>, %arg7: memref<51200x128xf32, #tpu.memory_space<hbm>>, %arg8: memref<64xi32, #tpu.memory_space<vmem>>, %arg9: memref<64xi32, #tpu.memory_space<vmem>>, %arg10: memref<64x384xf32, #tpu.memory_space<vmem>>, %arg11: memref<64x128xf32, #tpu.memory_space<vmem>>, %arg12: memref<!tpu.dma_semaphore, #tpu.memory_space<semaphore_mem>>, %arg13: memref<!tpu.dma_semaphore, #tpu.memory_space<semaphore_mem>>) attributes {dimension_semantics = [#tpu.dimension_semantics<core_parallel>, #tpu.dimension_semantics<subcore_parallel>], iteration_bounds = array<i64: 2, 16>, scalar_prefetch = 0 : i64, scratch_operands = 6 : i64, tpu.core_type = #tpu.core_type<sc_vector_subcore>, window_params = [{transform_indices = #map}, {transform_indices = #map}, {transform_indices = #map1}, {transform_indices = #map1}, {transform_indices = #map}, {transform_indices = #map}]} {
    %mul3A = arith.constant 2 : i32
    %mul3A_0 = arith.muli %arg1, %mul3A : i32
    %add3A = arith.addi %mul3A_0, %arg0 : i32
    %scan3A = arith.constant 0 : i32
    %scan3A_1 = arith.constant 0 : i32
    %scan3A_2 = arith.constant 25 : i32
    %scan3A_3 = arith.addi %scan3A_1, %scan3A_2 : i32
    %scan3A_4 = arith.constant 1 : i32
    scf.for %scan3A_6 = %scan3A_1 to %scan3A_3 step %scan3A_4  : i32 {
      %mul3A_7 = arith.constant 1600 : i32
      %mul3A_8 = arith.muli %add3A, %mul3A_7 : i32
      %mul3A_9 = arith.constant 64 : i32
      %mul3A_10 = arith.muli %scan3A_6, %mul3A_9 : i32
      %add3A_11 = arith.addi %mul3A_8, %mul3A_10 : i32
      "tpu.region"() ({
        %run_scoped3A = tpu.sem_alloc : memref<!tpu.dma_semaphore, #tpu.memory_space<semaphore_mem>>
        %dma_start3A_22 = tpu.memref_slice %arg4[%add3A_11] : memref<51200xi32, #tpu.memory_space<hbm>> -> memref<64xi32, #tpu.memory_space<hbm>>
        %dma_start3A_23 = tpu.memref_slice %arg4[%add3A_11] : memref<51200xi32, #tpu.memory_space<hbm>> -> memref<64xi32, #tpu.memory_space<hbm>>
        tpu.enqueue_dma source(%dma_start3A_23 : memref<64xi32, #tpu.memory_space<hbm>>) target(%arg8 : memref<64xi32, #tpu.memory_space<vmem>>) target_semaphore(%run_scoped3A : memref<!tpu.dma_semaphore, #tpu.memory_space<semaphore_mem>>)
        %dma_wait3A_24 = tpu.memref_slice %arg4[%add3A_11] : memref<51200xi32, #tpu.memory_space<hbm>> -> memref<64xi32, #tpu.memory_space<hbm>>
        %dma_wait3A_25 = tpu.memref_slice %arg4[%add3A_11] : memref<51200xi32, #tpu.memory_space<hbm>> -> memref<64xi32, #tpu.memory_space<hbm>>
        tpu.wait_dma2 semaphore(%run_scoped3A : memref<!tpu.dma_semaphore, #tpu.memory_space<semaphore_mem>>) src(%dma_wait3A_25 : memref<64xi32, #tpu.memory_space<hbm>>) dst(%arg8 : memref<64xi32, #tpu.memory_space<vmem>>)
        tpu.yield
      }) : () -> ()
      "tpu.region"() ({
        %run_scoped3A = tpu.sem_alloc : memref<!tpu.dma_semaphore, #tpu.memory_space<semaphore_mem>>
        %dma_start3A_22 = tpu.memref_slice %arg5[%add3A_11] : memref<51200xi32, #tpu.memory_space<hbm>> -> memref<64xi32, #tpu.memory_space<hbm>>
        %dma_start3A_23 = tpu.memref_slice %arg5[%add3A_11] : memref<51200xi32, #tpu.memory_space<hbm>> -> memref<64xi32, #tpu.memory_space<hbm>>
        tpu.enqueue_dma source(%dma_start3A_23 : memref<64xi32, #tpu.memory_space<hbm>>) target(%arg9 : memref<64xi32, #tpu.memory_space<vmem>>) target_semaphore(%run_scoped3A : memref<!tpu.dma_semaphore, #tpu.memory_space<semaphore_mem>>)
        %dma_wait3A_24 = tpu.memref_slice %arg5[%add3A_11] : memref<51200xi32, #tpu.memory_space<hbm>> -> memref<64xi32, #tpu.memory_space<hbm>>
        %dma_wait3A_25 = tpu.memref_slice %arg5[%add3A_11] : memref<51200xi32, #tpu.memory_space<hbm>> -> memref<64xi32, #tpu.memory_space<hbm>>
        tpu.wait_dma2 semaphore(%run_scoped3A : memref<!tpu.dma_semaphore, #tpu.memory_space<semaphore_mem>>) src(%dma_wait3A_25 : memref<64xi32, #tpu.memory_space<hbm>>) dst(%arg9 : memref<64xi32, #tpu.memory_space<vmem>>)
        tpu.yield
      }) : () -> ()
      %dma_start3A = arith.constant 0 : i32
      %dma_start3A_12 = arith.constant 0 : i32
      %dma_start3A_13 = tpu.memref_slice %arg2[%dma_start3A, %dma_start3A_12] : memref<5000x384xf32, #tpu.memory_space<hbm>> -> memref<5000x384xf32, #tpu.memory_space<hbm>>
      tpu.enqueue_indirect_dma source(%dma_start3A_13 : memref<5000x384xf32, #tpu.memory_space<hbm>>) target(%arg10 : memref<64x384xf32, #tpu.memory_space<vmem>>) offsets(%arg8 : memref<64xi32, #tpu.memory_space<vmem>>) semaphore(%arg12 : memref<!tpu.dma_semaphore, #tpu.memory_space<semaphore_mem>>)
      %dma_wait3A = arith.constant 0 : i32
      %dma_wait3A_14 = arith.constant 0 : i32
      %dma_wait3A_15 = tpu.memref_slice %arg2[%dma_wait3A, %dma_wait3A_14] : memref<5000x384xf32, #tpu.memory_space<hbm>> -> memref<5000x384xf32, #tpu.memory_space<hbm>>
      tpu.wait_indirect_dma semaphore(%arg12 : memref<!tpu.dma_semaphore, #tpu.memory_space<semaphore_mem>>) src(%dma_wait3A_15 : memref<5000x384xf32, #tpu.memory_space<hbm>>) dst(%arg10 : memref<64x384xf32, #tpu.memory_space<vmem>>)
      "tpu.region"() ({
        %run_scoped3A = tpu.sem_alloc : memref<!tpu.dma_semaphore, #tpu.memory_space<semaphore_mem>>
        %dma_start3A_22 = arith.constant 0 : i32
        %dma_start3A_23 = tpu.memref_slice %arg6[%add3A_11, %dma_start3A_22] : memref<51200x384xf32, #tpu.memory_space<hbm>> -> memref<64x384xf32, #tpu.memory_space<hbm>>
        %dma_start3A_24 = arith.constant 0 : i32
        %dma_start3A_25 = tpu.memref_slice %arg6[%add3A_11, %dma_start3A_24] : memref<51200x384xf32, #tpu.memory_space<hbm>> -> memref<64x384xf32, #tpu.memory_space<hbm>>
        tpu.enqueue_dma source(%arg10 : memref<64x384xf32, #tpu.memory_space<vmem>>) target(%dma_start3A_25 : memref<64x384xf32, #tpu.memory_space<hbm>>) target_semaphore(%run_scoped3A : memref<!tpu.dma_semaphore, #tpu.memory_space<semaphore_mem>>)
        %dma_wait3A_26 = arith.constant 0 : i32
        %dma_wait3A_27 = tpu.memref_slice %arg6[%add3A_11, %dma_wait3A_26] : memref<51200x384xf32, #tpu.memory_space<hbm>> -> memref<64x384xf32, #tpu.memory_space<hbm>>
        %dma_wait3A_28 = arith.constant 0 : i32
        %dma_wait3A_29 = tpu.memref_slice %arg6[%add3A_11, %dma_wait3A_28] : memref<51200x384xf32, #tpu.memory_space<hbm>> -> memref<64x384xf32, #tpu.memory_space<hbm>>
        tpu.wait_dma2 semaphore(%run_scoped3A : memref<!tpu.dma_semaphore, #tpu.memory_space<semaphore_mem>>) src(%arg10 : memref<64x384xf32, #tpu.memory_space<vmem>>) dst(%dma_wait3A_29 : memref<64x384xf32, #tpu.memory_space<hbm>>)
        tpu.yield
      }) : () -> ()
      %dma_start3A_16 = arith.constant 0 : i32
      %dma_start3A_17 = arith.constant 0 : i32
      %dma_start3A_18 = tpu.memref_slice %arg3[%dma_start3A_16, %dma_start3A_17] : memref<5008x128xf32, #tpu.memory_space<hbm>> -> memref<5008x128xf32, #tpu.memory_space<hbm>>
      tpu.enqueue_indirect_dma source(%dma_start3A_18 : memref<5008x128xf32, #tpu.memory_space<hbm>>) target(%arg11 : memref<64x128xf32, #tpu.memory_space<vmem>>) offsets(%arg9 : memref<64xi32, #tpu.memory_space<vmem>>) semaphore(%arg13 : memref<!tpu.dma_semaphore, #tpu.memory_space<semaphore_mem>>)
      %dma_wait3A_19 = arith.constant 0 : i32
      %dma_wait3A_20 = arith.constant 0 : i32
      %dma_wait3A_21 = tpu.memref_slice %arg3[%dma_wait3A_19, %dma_wait3A_20] : memref<5008x128xf32, #tpu.memory_space<hbm>> -> memref<5008x128xf32, #tpu.memory_space<hbm>>
      tpu.wait_indirect_dma semaphore(%arg13 : memref<!tpu.dma_semaphore, #tpu.memory_space<semaphore_mem>>) src(%dma_wait3A_21 : memref<5008x128xf32, #tpu.memory_space<hbm>>) dst(%arg11 : memref<64x128xf32, #tpu.memory_space<vmem>>)
      "tpu.region"() ({
        %run_scoped3A = tpu.sem_alloc : memref<!tpu.dma_semaphore, #tpu.memory_space<semaphore_mem>>
        %dma_start3A_22 = arith.constant 0 : i32
        %dma_start3A_23 = tpu.memref_slice %arg7[%add3A_11, %dma_start3A_22] : memref<51200x128xf32, #tpu.memory_space<hbm>> -> memref<64x128xf32, #tpu.memory_space<hbm>>
        %dma_start3A_24 = arith.constant 0 : i32
        %dma_start3A_25 = tpu.memref_slice %arg7[%add3A_11, %dma_start3A_24] : memref<51200x128xf32, #tpu.memory_space<hbm>> -> memref<64x128xf32, #tpu.memory_space<hbm>>
        tpu.enqueue_dma source(%arg11 : memref<64x128xf32, #tpu.memory_space<vmem>>) target(%dma_start3A_25 : memref<64x128xf32, #tpu.memory_space<hbm>>) target_semaphore(%run_scoped3A : memref<!tpu.dma_semaphore, #tpu.memory_space<semaphore_mem>>)
        %dma_wait3A_26 = arith.constant 0 : i32
        %dma_wait3A_27 = tpu.memref_slice %arg7[%add3A_11, %dma_wait3A_26] : memref<51200x128xf32, #tpu.memory_space<hbm>> -> memref<64x128xf32, #tpu.memory_space<hbm>>
        %dma_wait3A_28 = arith.constant 0 : i32
        %dma_wait3A_29 = tpu.memref_slice %arg7[%add3A_11, %dma_wait3A_28] : memref<51200x128xf32, #tpu.memory_space<hbm>> -> memref<64x128xf32, #tpu.memory_space<hbm>>
        tpu.wait_dma2 semaphore(%run_scoped3A : memref<!tpu.dma_semaphore, #tpu.memory_space<semaphore_mem>>) src(%arg11 : memref<64x128xf32, #tpu.memory_space<vmem>>) dst(%dma_wait3A_29 : memref<64x128xf32, #tpu.memory_space<hbm>>)
        tpu.yield
      }) : () -> ()
    }
    %scan3A_5 = arith.constant 25 : i32
    return
  }
}

module attributes {stable_mosaic.version = 14 : i64} {
  func.func @_sn_body(%arg0: i32, %arg1: memref<1200x128xf32, #tpu.memory_space<vmem>>, %arg2: memref<128x1xf32, #tpu.memory_space<vmem>>, %arg3: memref<1200x1xf32, #tpu.memory_space<vmem>>) attributes {dimension_semantics = [#tpu.dimension_semantics<arbitrary>], iteration_bounds = array<i64: 25>, scalar_prefetch = 0 : i64, scratch_operands = 0 : i64, tpu.core_type = #tpu.core_type<tc>, window_params = [{transform_indices = @transform_0, window_bounds = array<i64: 1200, 128>}, {pipeline_mode = #tpu.pipeline_mode<synchronous>, transform_indices = @transform_1, window_bounds = array<i64: 128, 1>}, {transform_indices = @transform_2, window_bounds = array<i64: 1200, 1>}]} {
    %get3A = arith.constant 0 : index
    %get3A_0 = arith.constant 0 : index
    %get3A_1 = vector.load %arg1[%get3A, %get3A_0] : memref<1200x128xf32, #tpu.memory_space<vmem>>, vector<1200x128xf32>
    %get3A_2 = arith.constant 0 : index
    %get3A_3 = arith.constant 0 : index
    %get3A_4 = vector.load %arg2[%get3A_2, %get3A_3] : memref<128x1xf32, #tpu.memory_space<vmem>>, vector<128x1xf32>
    %dot_general3A = arith.constant dense<0.000000e+00> : vector<1200x1xf32>
    %dot_general3A_5 = tpu.matmul %get3A_1, %get3A_4, %dot_general3A {dimension_numbers = #tpu.dot_dimension_numbers<[1], [0], [0], [1], [0, 0, 1, 1], [], []>, transpose_lhs_hint = false} : vector<1200x128xf32>, vector<128x1xf32>, vector<1200x1xf32> -> vector<1200x1xf32>
    %swap3A = arith.constant 0 : index
    %swap3A_6 = arith.constant 0 : index
    %swap3A_7 = vector.load %arg3[%swap3A, %swap3A_6] : memref<1200x1xf32, #tpu.memory_space<vmem>>, vector<1200x1xf32>
    tpu.vector_store %arg3[%swap3A, %swap3A_6], %dot_general3A_5 {strides = array<i32>} : memref<1200x1xf32, #tpu.memory_space<vmem>>, vector<1200x1xf32>,
    return
  }
  func.func @transform_0(%arg0: i32) -> (i32, i32) {
    %c0_i32 = arith.constant 0 : i32
    %c0_i32_0 = arith.constant 0 : i32
    return %arg0, %c0_i32 : i32, i32
  }
  func.func @transform_1(%arg0: i32) -> (i32, i32) {
    %c0_i32 = arith.constant 0 : i32
    %c0_i32_0 = arith.constant 0 : i32
    %c0_i32_1 = arith.constant 0 : i32
    return %c0_i32, %c0_i32_0 : i32, i32
  }
  func.func @transform_2(%arg0: i32) -> (i32, i32) {
    %c0_i32 = arith.constant 0 : i32
    %c0_i32_0 = arith.constant 0 : i32
    return %arg0, %c0_i32 : i32, i32
  }
}

module attributes {stable_mosaic.version = 14 : i64} {
  func.func @_edge_body(%arg0: i32, %arg1: memref<512x384xf32, #tpu.memory_space<vmem>>, %arg2: memref<512x128xf32, #tpu.memory_space<vmem>>, %arg3: memref<60x128xf32, #tpu.memory_space<vmem>>, %arg4: memref<1x128xf32, #tpu.memory_space<vmem>>, %arg5: memref<2x128xf32, #tpu.memory_space<vmem>>, %arg6: memref<1x128xf32, #tpu.memory_space<vmem>>, %arg7: memref<1x128xf32, #tpu.memory_space<vmem>>, %arg8: memref<128x128xf32, #tpu.memory_space<vmem>>, %arg9: memref<1x128xf32, #tpu.memory_space<vmem>>, %arg10: memref<1x128xf32, #tpu.memory_space<vmem>>, %arg11: memref<1x128xf32, #tpu.memory_space<vmem>>, %arg12: memref<60x128xf32, #tpu.memory_space<vmem>>, %arg13: memref<1x128xf32, #tpu.memory_space<vmem>>, %arg14: memref<2x128xf32, #tpu.memory_space<vmem>>, %arg15: memref<1x128xf32, #tpu.memory_space<vmem>>, %arg16: memref<1x128xf32, #tpu.memory_space<vmem>>, %arg17: memref<4x128xf32, #tpu.memory_space<vmem>>, %arg18: memref<1x128xf32, #tpu.memory_space<vmem>>, %arg19: memref<128x128xf32, #tpu.memory_space<vmem>>, %arg20: memref<128x1xf32, #tpu.memory_space<vmem>>, %arg21: memref<128x128xf32, #tpu.memory_space<vmem>>, %arg22: memref<3072x128xf32, #tpu.memory_space<vmem>>, %arg23: memref<3072x1xf32, #tpu.memory_space<vmem>>) attributes {dimension_semantics = [#tpu.dimension_semantics<arbitrary>], iteration_bounds = array<i64: 100>, scalar_prefetch = 0 : i64, scratch_operands = 0 : i64, tpu.core_type = #tpu.core_type<tc>, window_params = [{transform_indices = @transform_0, window_bounds = array<i64: 512, 384>}, {transform_indices = @transform_1, window_bounds = array<i64: 512, 128>}, {pipeline_mode = #tpu.pipeline_mode<synchronous>, transform_indices = @transform_2, window_bounds = array<i64: 60, 128>}, {pipeline_mode = #tpu.pipeline_mode<synchronous>, transform_indices = @transform_3, window_bounds = array<i64: 1, 128>}, {pipeline_mode = #tpu.pipeline_mode<synchronous>, transform_indices = @transform_4, window_bounds = array<i64: 2, 128>}, {pipeline_mode = #tpu.pipeline_mode<synchronous>, transform_indices = @transform_5, window_bounds = array<i64: 1, 128>}, {pipeline_mode = #tpu.pipeline_mode<synchronous>, transform_indices = @transform_6, window_bounds = array<i64: 1, 128>}, {pipeline_mode = #tpu.pipeline_mode<synchronous>, transform_indices = @transform_7, window_bounds = array<i64: 128, 128>}, {pipeline_mode = #tpu.pipeline_mode<synchronous>, transform_indices = @transform_8, window_bounds = array<i64: 1, 128>}, {pipeline_mode = #tpu.pipeline_mode<synchronous>, transform_indices = @transform_9, window_bounds = array<i64: 1, 128>}, {pipeline_mode = #tpu.pipeline_mode<synchronous>, transform_indices = @transform_10, window_bounds = array<i64: 1, 128>}, {pipeline_mode = #tpu.pipeline_mode<synchronous>, transform_indices = @transform_11, window_bounds = array<i64: 60, 128>}, {pipeline_mode = #tpu.pipeline_mode<synchronous>, transform_indices = @transform_12, window_bounds = array<i64: 1, 128>}, {pipeline_mode = #tpu.pipeline_mode<synchronous>, transform_indices = @transform_13, window_bounds = array<i64: 2, 128>}, {pipeline_mode = #tpu.pipeline_mode<synchronous>, transform_indices = @transform_14, window_bounds = array<i64: 1, 128>}, {pipeline_mode = #tpu.pipeline_mode<synchronous>, transform_indices = @transform_15, window_bounds = array<i64: 1, 128>}, {pipeline_mode = #tpu.pipeline_mode<synchronous>, transform_indices = @transform_16, window_bounds = array<i64: 4, 128>}, {pipeline_mode = #tpu.pipeline_mode<synchronous>, transform_indices = @transform_17, window_bounds = array<i64: 1, 128>}, {pipeline_mode = #tpu.pipeline_mode<synchronous>, transform_indices = @transform_18, window_bounds = array<i64: 128, 128>}, {pipeline_mode = #tpu.pipeline_mode<synchronous>, transform_indices = @transform_19, window_bounds = array<i64: 128, 1>}, {pipeline_mode = #tpu.pipeline_mode<synchronous>, transform_indices = @transform_20, window_bounds = array<i64: 128, 128>}, {transform_indices = @transform_21, window_bounds = array<i64: 3072, 128>}, {transform_indices = @transform_22, window_bounds = array<i64: 3072, 1>}]} {
    %get3A = arith.constant 0 : index
    %get3A_0 = arith.constant 0 : index
    %get3A_1 = vector.load %arg21[%get3A, %get3A_0] : memref<128x128xf32, #tpu.memory_space<vmem>>, vector<128x128xf32>
    %get3A_2 = arith.constant 0 : index
    %get3A_3 = arith.constant 0 : index
    %get3A_4 = vector.load %arg1[%get3A_2, %get3A_3] : memref<512x384xf32, #tpu.memory_space<vmem>>, vector<512x60xf32>
    %get3A_5 = arith.constant 0 : index
    %get3A_6 = arith.constant 60 : index
    %get3A_7 = vector.load %arg1[%get3A_5, %get3A_6] : memref<512x384xf32, #tpu.memory_space<vmem>>, vector<512x60xf32>
    %get3A_8 = arith.constant 0 : index
    %get3A_9 = arith.constant 120 : index
    %get3A_10 = vector.load %arg1[%get3A_8, %get3A_9] : memref<512x384xf32, #tpu.memory_space<vmem>>, vector<512x60xf32>
    %get3A_11 = arith.constant 0 : index
    %get3A_12 = arith.constant 180 : index
    %get3A_13 = vector.load %arg1[%get3A_11, %get3A_12] : memref<512x384xf32, #tpu.memory_space<vmem>>, vector<512x60xf32>
    %get3A_14 = arith.constant 0 : index
    %get3A_15 = arith.constant 240 : index
    %get3A_16 = vector.load %arg1[%get3A_14, %get3A_15] : memref<512x384xf32, #tpu.memory_space<vmem>>, vector<512x60xf32>
    %get3A_17 = arith.constant 0 : index
    %get3A_18 = arith.constant 300 : index
    %get3A_19 = vector.load %arg1[%get3A_17, %get3A_18] : memref<512x384xf32, #tpu.memory_space<vmem>>, vector<512x60xf32>
    %concatenate3A = tpu.concatenate %get3A_4, %get3A_7, %get3A_10, %get3A_13, %get3A_16, %get3A_19 in 0 : vector<512x60xf32>, vector<512x60xf32>, vector<512x60xf32>, vector<512x60xf32>, vector<512x60xf32>, vector<512x60xf32> -> vector<3072x60xf32>
    %get3A_20 = arith.constant 0 : index
    %get3A_21 = arith.constant 2 : index
    %get3A_22 = vector.load %arg2[%get3A_20, %get3A_21] : memref<512x128xf32, #tpu.memory_space<vmem>>, vector<512x2xf32>
    %get3A_23 = arith.constant 0 : index
    %get3A_24 = arith.constant 0 : index
    %get3A_25 = vector.load %arg5[%get3A_23, %get3A_24] : memref<2x128xf32, #tpu.memory_space<vmem>>, vector<2x128xf32>
    %dot_general3A = arith.constant dense<0.000000e+00> : vector<512x128xf32>
    %dot_general3A_26 = tpu.matmul %get3A_22, %get3A_25, %dot_general3A {dimension_numbers = #tpu.dot_dimension_numbers<[1], [0], [0], [1], [0, 0, 1, 1], [], []>, transpose_lhs_hint = false} : vector<512x2xf32>, vector<2x128xf32>, vector<512x128xf32> -> vector<512x128xf32>
    %get3A_27 = arith.constant 0 : index
    %get3A_28 = arith.constant 0 : index
    %get3A_29 = vector.load %arg14[%get3A_27, %get3A_28] : memref<2x128xf32, #tpu.memory_space<vmem>>, vector<2x128xf32>
    %dot_general3A_30 = arith.constant dense<0.000000e+00> : vector<512x128xf32>
    %dot_general3A_31 = tpu.matmul %get3A_22, %get3A_29, %dot_general3A_30 {dimension_numbers = #tpu.dot_dimension_numbers<[1], [0], [0], [1], [0, 0, 1, 1], [], []>, transpose_lhs_hint = false} : vector<512x2xf32>, vector<2x128xf32>, vector<512x128xf32> -> vector<512x128xf32>
    %concatenate3A_32 = tpu.concatenate %dot_general3A_26, %dot_general3A_26, %dot_general3A_26, %dot_general3A_26, %dot_general3A_26, %dot_general3A_26 in 0 : vector<512x128xf32>, vector<512x128xf32>, vector<512x128xf32>, vector<512x128xf32>, vector<512x128xf32>, vector<512x128xf32> -> vector<3072x128xf32>
    %concatenate3A_33 = tpu.concatenate %dot_general3A_31, %dot_general3A_31, %dot_general3A_31, %dot_general3A_31, %dot_general3A_31, %dot_general3A_31 in 0 : vector<512x128xf32>, vector<512x128xf32>, vector<512x128xf32>, vector<512x128xf32>, vector<512x128xf32>, vector<512x128xf32> -> vector<3072x128xf32>
    %get3A_34 = arith.constant 0 : index
    %get3A_35 = arith.constant 0 : index
    %get3A_36 = vector.load %arg3[%get3A_34, %get3A_35] : memref<60x128xf32, #tpu.memory_space<vmem>>, vector<60x128xf32>
    %dot_general3A_37 = arith.constant dense<0.000000e+00> : vector<3072x128xf32>
    %dot_general3A_38 = tpu.matmul %concatenate3A, %get3A_36, %dot_general3A_37 {dimension_numbers = #tpu.dot_dimension_numbers<[1], [0], [0], [1], [0, 0, 1, 1], [], []>, transpose_lhs_hint = false} : vector<3072x60xf32>, vector<60x128xf32>, vector<3072x128xf32> -> vector<3072x128xf32>
    %sub3A = arith.subf %dot_general3A_38, %concatenate3A_32 : vector<3072x128xf32>
    %get3A_39 = arith.constant 0 : index
    %get3A_40 = arith.constant 0 : index
    %get3A_41 = vector.load %arg4[%get3A_39, %get3A_40] : memref<1x128xf32, #tpu.memory_space<vmem>>, vector<1x128xf32>
    %add3A = vector.broadcast %get3A_41 : vector<1x128xf32> to vector<3072x128xf32>
    %add3A_42 = arith.addf %sub3A, %add3A : vector<3072x128xf32>
    %get3A_43 = arith.constant 0 : index
    %get3A_44 = arith.constant 0 : index
    %get3A_45 = vector.load %arg6[%get3A_43, %get3A_44] : memref<1x128xf32, #tpu.memory_space<vmem>>, vector<1x128xf32>
    %get3A_46 = arith.constant 0 : index
    %get3A_47 = arith.constant 0 : index
    %get3A_48 = vector.load %arg7[%get3A_46, %get3A_47] : memref<1x128xf32, #tpu.memory_space<vmem>>, vector<1x128xf32>
    %dot_general3A_49 = arith.constant dense<0.000000e+00> : vector<3072x128xf32>
    %dot_general3A_50 = tpu.matmul %add3A_42, %get3A_1, %dot_general3A_49 {dimension_numbers = #tpu.dot_dimension_numbers<[1], [0], [0], [1], [0, 0, 1, 1], [], []>, transpose_lhs_hint = false} : vector<3072x128xf32>, vector<128x128xf32>, vector<3072x128xf32> -> vector<3072x128xf32>
    %mul3A = arith.mulf %add3A_42, %add3A_42 : vector<3072x128xf32>
    %dot_general3A_51 = arith.constant dense<0.000000e+00> : vector<3072x128xf32>
    %dot_general3A_52 = tpu.matmul %mul3A, %get3A_1, %dot_general3A_51 {dimension_numbers = #tpu.dot_dimension_numbers<[1], [0], [0], [1], [0, 0, 1, 1], [], []>, transpose_lhs_hint = false} : vector<3072x128xf32>, vector<128x128xf32>, vector<3072x128xf32> -> vector<3072x128xf32>
    %mul3A_53 = arith.mulf %dot_general3A_50, %dot_general3A_50 : vector<3072x128xf32>
    %sub3A_54 = arith.subf %dot_general3A_52, %mul3A_53 : vector<3072x128xf32>
    %sub3A_55 = arith.subf %add3A_42, %dot_general3A_50 : vector<3072x128xf32>
    %add3A_56 = arith.constant 9.99999974E-6 : f32
    %add3A_57 = vector.broadcast %add3A_56 : f32 to vector<3072x128xf32>
    %add3A_58 = arith.addf %sub3A_54, %add3A_57 : vector<3072x128xf32>
    %rsqrt3A = math.rsqrt %add3A_58 : vector<3072x128xf32>
    %mul3A_59 = arith.mulf %sub3A_55, %rsqrt3A : vector<3072x128xf32>
    %mul3A_60 = vector.broadcast %get3A_45 : vector<1x128xf32> to vector<3072x128xf32>
    %mul3A_61 = arith.mulf %mul3A_59, %mul3A_60 : vector<3072x128xf32>
    %add3A_62 = vector.broadcast %get3A_48 : vector<1x128xf32> to vector<3072x128xf32>
    %add3A_63 = arith.addf %mul3A_61, %add3A_62 : vector<3072x128xf32>
    %gt3A = arith.constant 0.000000e+00 : f32
    %gt3A_64 = vector.broadcast %gt3A : f32 to vector<3072x128xf32>
    %gt3A_65 = arith.cmpf ogt, %add3A_63, %gt3A_64 : vector<3072x128xf32>
    %min3A = arith.constant 0.000000e+00 : f32
    %min3A_66 = vector.broadcast %min3A : f32 to vector<3072x128xf32>
    %min3A_67 = arith.minimumf %add3A_63, %min3A_66 : vector<3072x128xf32>
    %exp3A = math.exp %min3A_67 : vector<3072x128xf32>
    %sub3A_68 = arith.constant 1.000000e+00 : f32
    %sub3A_69 = vector.broadcast %sub3A_68 : f32 to vector<3072x128xf32>
    %sub3A_70 = arith.subf %exp3A, %sub3A_69 : vector<3072x128xf32>
    %select_n3A = arith.select %gt3A_65, %add3A_63, %sub3A_70 : vector<3072x128xi1>, vector<3072x128xf32>
    %get3A_71 = arith.constant 0 : index
    %get3A_72 = arith.constant 0 : index
    %get3A_73 = vector.load %arg8[%get3A_71, %get3A_72] : memref<128x128xf32, #tpu.memory_space<vmem>>, vector<128x128xf32>
    %dot_general3A_74 = arith.constant dense<0.000000e+00> : vector<3072x128xf32>
    %dot_general3A_75 = tpu.matmul %select_n3A, %get3A_73, %dot_general3A_74 {dimension_numbers = #tpu.dot_dimension_numbers<[1], [0], [0], [1], [0, 0, 1, 1], [], []>, transpose_lhs_hint = false} : vector<3072x128xf32>, vector<128x128xf32>, vector<3072x128xf32> -> vector<3072x128xf32>
    %get3A_76 = arith.constant 0 : index
    %get3A_77 = arith.constant 0 : index
    %get3A_78 = vector.load %arg9[%get3A_76, %get3A_77] : memref<1x128xf32, #tpu.memory_space<vmem>>, vector<1x128xf32>
    %add3A_79 = vector.broadcast %get3A_78 : vector<1x128xf32> to vector<3072x128xf32>
    %add3A_80 = arith.addf %dot_general3A_75, %add3A_79 : vector<3072x128xf32>
    %get3A_81 = arith.constant 0 : index
    %get3A_82 = arith.constant 0 : index
    %get3A_83 = vector.load %arg10[%get3A_81, %get3A_82] : memref<1x128xf32, #tpu.memory_space<vmem>>, vector<1x128xf32>
    %get3A_84 = arith.constant 0 : index
    %get3A_85 = arith.constant 0 : index
    %get3A_86 = vector.load %arg11[%get3A_84, %get3A_85] : memref<1x128xf32, #tpu.memory_space<vmem>>, vector<1x128xf32>
    %dot_general3A_87 = arith.constant dense<0.000000e+00> : vector<3072x128xf32>
    %dot_general3A_88 = tpu.matmul %add3A_80, %get3A_1, %dot_general3A_87 {dimension_numbers = #tpu.dot_dimension_numbers<[1], [0], [0], [1], [0, 0, 1, 1], [], []>, transpose_lhs_hint = false} : vector<3072x128xf32>, vector<128x128xf32>, vector<3072x128xf32> -> vector<3072x128xf32>
    %mul3A_89 = arith.mulf %add3A_80, %add3A_80 : vector<3072x128xf32>
    %dot_general3A_90 = arith.constant dense<0.000000e+00> : vector<3072x128xf32>
    %dot_general3A_91 = tpu.matmul %mul3A_89, %get3A_1, %dot_general3A_90 {dimension_numbers = #tpu.dot_dimension_numbers<[1], [0], [0], [1], [0, 0, 1, 1], [], []>, transpose_lhs_hint = false} : vector<3072x128xf32>, vector<128x128xf32>, vector<3072x128xf32> -> vector<3072x128xf32>
    %mul3A_92 = arith.mulf %dot_general3A_88, %dot_general3A_88 : vector<3072x128xf32>
    %sub3A_93 = arith.subf %dot_general3A_91, %mul3A_92 : vector<3072x128xf32>
    %sub3A_94 = arith.subf %add3A_80, %dot_general3A_88 : vector<3072x128xf32>
    %add3A_95 = arith.constant 9.99999974E-6 : f32
    %add3A_96 = vector.broadcast %add3A_95 : f32 to vector<3072x128xf32>
    %add3A_97 = arith.addf %sub3A_93, %add3A_96 : vector<3072x128xf32>
    %rsqrt3A_98 = math.rsqrt %add3A_97 : vector<3072x128xf32>
    %mul3A_99 = arith.mulf %sub3A_94, %rsqrt3A_98 : vector<3072x128xf32>
    %mul3A_100 = vector.broadcast %get3A_83 : vector<1x128xf32> to vector<3072x128xf32>
    %mul3A_101 = arith.mulf %mul3A_99, %mul3A_100 : vector<3072x128xf32>
    %add3A_102 = vector.broadcast %get3A_86 : vector<1x128xf32> to vector<3072x128xf32>
    %add3A_103 = arith.addf %mul3A_101, %add3A_102 : vector<3072x128xf32>
    %get3A_104 = arith.constant 0 : index
    %get3A_105 = arith.constant 0 : index
    %get3A_106 = vector.load %arg12[%get3A_104, %get3A_105] : memref<60x128xf32, #tpu.memory_space<vmem>>, vector<60x128xf32>
    %dot_general3A_107 = arith.constant dense<0.000000e+00> : vector<3072x128xf32>
    %dot_general3A_108 = tpu.matmul %concatenate3A, %get3A_106, %dot_general3A_107 {dimension_numbers = #tpu.dot_dimension_numbers<[1], [0], [0], [1], [0, 0, 1, 1], [], []>, transpose_lhs_hint = false} : vector<3072x60xf32>, vector<60x128xf32>, vector<3072x128xf32> -> vector<3072x128xf32>
    %sub3A_109 = arith.subf %dot_general3A_108, %concatenate3A_33 : vector<3072x128xf32>
    %get3A_110 = arith.constant 0 : index
    %get3A_111 = arith.constant 0 : index
    %get3A_112 = vector.load %arg13[%get3A_110, %get3A_111] : memref<1x128xf32, #tpu.memory_space<vmem>>, vector<1x128xf32>
    %add3A_113 = vector.broadcast %get3A_112 : vector<1x128xf32> to vector<3072x128xf32>
    %add3A_114 = arith.addf %sub3A_109, %add3A_113 : vector<3072x128xf32>
    %get3A_115 = arith.constant 0 : index
    %get3A_116 = arith.constant 0 : index
    %get3A_117 = vector.load %arg15[%get3A_115, %get3A_116] : memref<1x128xf32, #tpu.memory_space<vmem>>, vector<1x128xf32>
    %get3A_118 = arith.constant 0 : index
    %get3A_119 = arith.constant 0 : index
    %get3A_120 = vector.load %arg16[%get3A_118, %get3A_119] : memref<1x128xf32, #tpu.memory_space<vmem>>, vector<1x128xf32>
    %dot_general3A_121 = arith.constant dense<0.000000e+00> : vector<3072x128xf32>
    %dot_general3A_122 = tpu.matmul %add3A_114, %get3A_1, %dot_general3A_121 {dimension_numbers = #tpu.dot_dimension_numbers<[1], [0], [0], [1], [0, 0, 1, 1], [], []>, transpose_lhs_hint = false} : vector<3072x128xf32>, vector<128x128xf32>, vector<3072x128xf32> -> vector<3072x128xf32>
    %mul3A_123 = arith.mulf %add3A_114, %add3A_114 : vector<3072x128xf32>
    %dot_general3A_124 = arith.constant dense<0.000000e+00> : vector<3072x128xf32>
    %dot_general3A_125 = tpu.matmul %mul3A_123, %get3A_1, %dot_general3A_124 {dimension_numbers = #tpu.dot_dimension_numbers<[1], [0], [0], [1], [0, 0, 1, 1], [], []>, transpose_lhs_hint = false} : vector<3072x128xf32>, vector<128x128xf32>, vector<3072x128xf32> -> vector<3072x128xf32>
    %mul3A_126 = arith.mulf %dot_general3A_122, %dot_general3A_122 : vector<3072x128xf32>
    %sub3A_127 = arith.subf %dot_general3A_125, %mul3A_126 : vector<3072x128xf32>
    %sub3A_128 = arith.subf %add3A_114, %dot_general3A_122 : vector<3072x128xf32>
    %add3A_129 = arith.constant 9.99999974E-6 : f32
    %add3A_130 = vector.broadcast %add3A_129 : f32 to vector<3072x128xf32>
    %add3A_131 = arith.addf %sub3A_127, %add3A_130 : vector<3072x128xf32>
    %rsqrt3A_132 = math.rsqrt %add3A_131 : vector<3072x128xf32>
    %mul3A_133 = arith.mulf %sub3A_128, %rsqrt3A_132 : vector<3072x128xf32>
    %mul3A_134 = vector.broadcast %get3A_117 : vector<1x128xf32> to vector<3072x128xf32>
    %mul3A_135 = arith.mulf %mul3A_133, %mul3A_134 : vector<3072x128xf32>
    %add3A_136 = vector.broadcast %get3A_120 : vector<1x128xf32> to vector<3072x128xf32>
    %add3A_137 = arith.addf %mul3A_135, %add3A_136 : vector<3072x128xf32>
    %add3A_138 = arith.addf %add3A_103, %add3A_137 : vector<3072x128xf32>
    %gt3A_139 = arith.constant 0.000000e+00 : f32
    %gt3A_140 = vector.broadcast %gt3A_139 : f32 to vector<3072x128xf32>
    %gt3A_141 = arith.cmpf ogt, %add3A_138, %gt3A_140 : vector<3072x128xf32>
    %min3A_142 = arith.constant 0.000000e+00 : f32
    %min3A_143 = vector.broadcast %min3A_142 : f32 to vector<3072x128xf32>
    %min3A_144 = arith.minimumf %add3A_138, %min3A_143 : vector<3072x128xf32>
    %exp3A_145 = math.exp %min3A_144 : vector<3072x128xf32>
    %sub3A_146 = arith.constant 1.000000e+00 : f32
    %sub3A_147 = vector.broadcast %sub3A_146 : f32 to vector<3072x128xf32>
    %sub3A_148 = arith.subf %exp3A_145, %sub3A_147 : vector<3072x128xf32>
    %select_n3A_149 = arith.select %gt3A_141, %add3A_138, %sub3A_148 : vector<3072x128xi1>, vector<3072x128xf32>
    %get3A_150 = arith.constant 0 : index
    %get3A_151 = arith.constant 360 : index
    %get3A_152 = vector.load %arg1[%get3A_150, %get3A_151] : memref<512x384xf32, #tpu.memory_space<vmem>>, vector<512x2xf32>
    %get3A_153 = arith.constant 0 : index
    %get3A_154 = arith.constant 0 : index
    %get3A_155 = vector.load %arg2[%get3A_153, %get3A_154] : memref<512x128xf32, #tpu.memory_space<vmem>>, vector<512x2xf32>
    %concatenate3A_156 = tpu.concatenate %get3A_152, %get3A_155 in 1 : vector<512x2xf32>, vector<512x2xf32> -> vector<512x4xf32>
    %get3A_157 = arith.constant 0 : index
    %get3A_158 = arith.constant 0 : index
    %get3A_159 = vector.load %arg17[%get3A_157, %get3A_158] : memref<4x128xf32, #tpu.memory_space<vmem>>, vector<4x128xf32>
    %dot_general3A_160 = arith.constant dense<0.000000e+00> : vector<512x128xf32>
    %dot_general3A_161 = tpu.matmul %concatenate3A_156, %get3A_159, %dot_general3A_160 {dimension_numbers = #tpu.dot_dimension_numbers<[1], [0], [0], [1], [0, 0, 1, 1], [], []>, transpose_lhs_hint = false} : vector<512x4xf32>, vector<4x128xf32>, vector<512x128xf32> -> vector<512x128xf32>
    %get3A_162 = arith.constant 0 : index
    %get3A_163 = arith.constant 0 : index
    %get3A_164 = vector.load %arg18[%get3A_162, %get3A_163] : memref<1x128xf32, #tpu.memory_space<vmem>>, vector<1x128xf32>
    %add3A_165 = vector.broadcast %get3A_164 : vector<1x128xf32> to vector<512x128xf32>
    %add3A_166 = arith.addf %dot_general3A_161, %add3A_165 : vector<512x128xf32>
    %concatenate3A_167 = tpu.concatenate %add3A_166, %add3A_166, %add3A_166, %add3A_166, %add3A_166, %add3A_166 in 0 : vector<512x128xf32>, vector<512x128xf32>, vector<512x128xf32>, vector<512x128xf32>, vector<512x128xf32>, vector<512x128xf32> -> vector<3072x128xf32>
    %add3A_168 = arith.addf %select_n3A_149, %concatenate3A_167 : vector<3072x128xf32>
    %get3A_169 = arith.constant 0 : index
    %get3A_170 = arith.constant 0 : index
    %get3A_171 = vector.load %arg19[%get3A_169, %get3A_170] : memref<128x128xf32, #tpu.memory_space<vmem>>, vector<128x128xf32>
    %dot_general3A_172 = arith.constant dense<0.000000e+00> : vector<3072x128xf32>
    %dot_general3A_173 = tpu.matmul %add3A_168, %get3A_171, %dot_general3A_172 {dimension_numbers = #tpu.dot_dimension_numbers<[1], [0], [0], [1], [0, 0, 1, 1], [], []>, transpose_lhs_hint = false} : vector<3072x128xf32>, vector<128x128xf32>, vector<3072x128xf32> -> vector<3072x128xf32>
    %swap3A = arith.constant 0 : index
    %swap3A_174 = arith.constant 0 : index
    %swap3A_175 = vector.load %arg22[%swap3A, %swap3A_174] : memref<3072x128xf32, #tpu.memory_space<vmem>>, vector<3072x128xf32>
    tpu.vector_store %arg22[%swap3A, %swap3A_174], %dot_general3A_173 {strides = array<i32>} : memref<3072x128xf32, #tpu.memory_space<vmem>>, vector<3072x128xf32>,
    %get3A_176 = arith.constant 0 : index
    %get3A_177 = arith.constant 4 : index
    %get3A_178 = vector.load %arg2[%get3A_176, %get3A_177] : memref<512x128xf32, #tpu.memory_space<vmem>>, vector<512x1xf32>
    %get3A_179 = arith.constant 0 : index
    %get3A_180 = arith.constant 5 : index
    %get3A_181 = vector.load %arg2[%get3A_179, %get3A_180] : memref<512x128xf32, #tpu.memory_space<vmem>>, vector<512x1xf32>
    %get3A_182 = arith.constant 0 : index
    %get3A_183 = arith.constant 6 : index
    %get3A_184 = vector.load %arg2[%get3A_182, %get3A_183] : memref<512x128xf32, #tpu.memory_space<vmem>>, vector<512x1xf32>
    %get3A_185 = arith.constant 0 : index
    %get3A_186 = arith.constant 7 : index
    %get3A_187 = vector.load %arg2[%get3A_185, %get3A_186] : memref<512x128xf32, #tpu.memory_space<vmem>>, vector<512x1xf32>
    %get3A_188 = arith.constant 0 : index
    %get3A_189 = arith.constant 8 : index
    %get3A_190 = vector.load %arg2[%get3A_188, %get3A_189] : memref<512x128xf32, #tpu.memory_space<vmem>>, vector<512x1xf32>
    %get3A_191 = arith.constant 0 : index
    %get3A_192 = arith.constant 9 : index
    %get3A_193 = vector.load %arg2[%get3A_191, %get3A_192] : memref<512x128xf32, #tpu.memory_space<vmem>>, vector<512x1xf32>
    %concatenate3A_194 = tpu.concatenate %get3A_178, %get3A_181, %get3A_184, %get3A_187, %get3A_190, %get3A_193 in 0 : vector<512x1xf32>, vector<512x1xf32>, vector<512x1xf32>, vector<512x1xf32>, vector<512x1xf32>, vector<512x1xf32> -> vector<3072x1xf32>
    %get3A_195 = arith.constant 0 : index
    %get3A_196 = arith.constant 0 : index
    %get3A_197 = vector.load %arg20[%get3A_195, %get3A_196] : memref<128x1xf32, #tpu.memory_space<vmem>>, vector<128x1xf32>
    %dot_general3A_198 = arith.constant dense<0.000000e+00> : vector<3072x1xf32>
    %dot_general3A_199 = tpu.matmul %dot_general3A_173, %get3A_197, %dot_general3A_198 {dimension_numbers = #tpu.dot_dimension_numbers<[1], [0], [0], [1], [0, 0, 1, 1], [], []>, transpose_lhs_hint = false} : vector<3072x128xf32>, vector<128x1xf32>, vector<3072x1xf32> -> vector<3072x1xf32>
    %add3A_200 = arith.addf %dot_general3A_199, %concatenate3A_194 : vector<3072x1xf32>
    %gt3A_201 = arith.constant 0.000000e+00 : f32
    %gt3A_202 = vector.broadcast %gt3A_201 : f32 to vector<3072x1xf32>
    %gt3A_203 = arith.cmpf ogt, %add3A_200, %gt3A_202 : vector<3072x1xf32>
    %mul3A_204 = arith.constant 2.000000e-01 : f32
    %mul3A_205 = vector.broadcast %mul3A_204 : f32 to vector<3072x1xf32>
    %mul3A_206 = arith.mulf %mul3A_205, %add3A_200 : vector<3072x1xf32>
    %select_n3A_207 = arith.select %gt3A_203, %add3A_200, %mul3A_206 : vector<3072x1xi1>, vector<3072x1xf32>
    %swap3A_208 = arith.constant 0 : index
    %swap3A_209 = arith.constant 0 : index
    %swap3A_210 = vector.load %arg23[%swap3A_208, %swap3A_209] : memref<3072x1xf32, #tpu.memory_space<vmem>>, vector<3072x1xf32>
    tpu.vector_store %arg23[%swap3A_208, %swap3A_209], %select_n3A_207 {strides = array<i32>} : memref<3072x1xf32, #tpu.memory_space<vmem>>, vector<3072x1xf32>,
    return
  }
  func.func @transform_0(%arg0: i32) -> (i32, i32) {
    %c0_i32 = arith.constant 0 : i32
    %c0_i32_0 = arith.constant 0 : i32
    return %arg0, %c0_i32 : i32, i32
  }
  func.func @transform_1(%arg0: i32) -> (i32, i32) {
    %c0_i32 = arith.constant 0 : i32
    %c0_i32_0 = arith.constant 0 : i32
    return %arg0, %c0_i32 : i32, i32
  }
  func.func @transform_2(%arg0: i32) -> (i32, i32) {
    %c0_i32 = arith.constant 0 : i32
    %c0_i32_0 = arith.constant 0 : i32
    %c0_i32_1 = arith.constant 0 : i32
    return %c0_i32, %c0_i32_0 : i32, i32
  }
  func.func @transform_3(%arg0: i32) -> (i32, i32) {
    %c0_i32 = arith.constant 0 : i32
    %c0_i32_0 = arith.constant 0 : i32
    %c0_i32_1 = arith.constant 0 : i32
    return %c0_i32, %c0_i32_0 : i32, i32
  }
  func.func @transform_4(%arg0: i32) -> (i32, i32) {
    %c0_i32 = arith.constant 0 : i32
    %c0_i32_0 = arith.constant 0 : i32
    %c0_i32_1 = arith.constant 0 : i32
    return %c0_i32, %c0_i32_0 : i32, i32
  }
  func.func @transform_5(%arg0: i32) -> (i32, i32) {
    %c0_i32 = arith.constant 0 : i32
    %c0_i32_0 = arith.constant 0 : i32
    %c0_i32_1 = arith.constant 0 : i32
    return %c0_i32, %c0_i32_0 : i32, i32
  }
  func.func @transform_6(%arg0: i32) -> (i32, i32) {
    %c0_i32 = arith.constant 0 : i32
    %c0_i32_0 = arith.constant 0 : i32
    %c0_i32_1 = arith.constant 0 : i32
    return %c0_i32, %c0_i32_0 : i32, i32
  }
  func.func @transform_7(%arg0: i32) -> (i32, i32) {
    %c0_i32 = arith.constant 0 : i32
    %c0_i32_0 = arith.constant 0 : i32
    %c0_i32_1 = arith.constant 0 : i32
    return %c0_i32, %c0_i32_0 : i32, i32
  }
  func.func @transform_8(%arg0: i32) -> (i32, i32) {
    %c0_i32 = arith.constant 0 : i32
    %c0_i32_0 = arith.constant 0 : i32
    %c0_i32_1 = arith.constant 0 : i32
    return %c0_i32, %c0_i32_0 : i32, i32
  }
  func.func @transform_9(%arg0: i32) -> (i32, i32) {
    %c0_i32 = arith.constant 0 : i32
    %c0_i32_0 = arith.constant 0 : i32
    %c0_i32_1 = arith.constant 0 : i32
    return %c0_i32, %c0_i32_0 : i32, i32
  }
  func.func @transform_10(%arg0: i32) -> (i32, i32) {
    %c0_i32 = arith.constant 0 : i32
    %c0_i32_0 = arith.constant 0 : i32
    %c0_i32_1 = arith.constant 0 : i32
    return %c0_i32, %c0_i32_0 : i32, i32
  }
  func.func @transform_11(%arg0: i32) -> (i32, i32) {
    %c0_i32 = arith.constant 0 : i32
    %c0_i32_0 = arith.constant 0 : i32
    %c0_i32_1 = arith.constant 0 : i32
    return %c0_i32, %c0_i32_0 : i32, i32
  }
  func.func @transform_12(%arg0: i32) -> (i32, i32) {
    %c0_i32 = arith.constant 0 : i32
    %c0_i32_0 = arith.constant 0 : i32
    %c0_i32_1 = arith.constant 0 : i32
    return %c0_i32, %c0_i32_0 : i32, i32
  }
  func.func @transform_13(%arg0: i32) -> (i32, i32) {
    %c0_i32 = arith.constant 0 : i32
    %c0_i32_0 = arith.constant 0 : i32
    %c0_i32_1 = arith.constant 0 : i32
    return %c0_i32, %c0_i32_0 : i32, i32
  }
  func.func @transform_14(%arg0: i32) -> (i32, i32) {
    %c0_i32 = arith.constant 0 : i32
    %c0_i32_0 = arith.constant 0 : i32
    %c0_i32_1 = arith.constant 0 : i32
    return %c0_i32, %c0_i32_0 : i32, i32
  }
  func.func @transform_15(%arg0: i32) -> (i32, i32) {
    %c0_i32 = arith.constant 0 : i32
    %c0_i32_0 = arith.constant 0 : i32
    %c0_i32_1 = arith.constant 0 : i32
    return %c0_i32, %c0_i32_0 : i32, i32
  }
  func.func @transform_16(%arg0: i32) -> (i32, i32) {
    %c0_i32 = arith.constant 0 : i32
    %c0_i32_0 = arith.constant 0 : i32
    %c0_i32_1 = arith.constant 0 : i32
    return %c0_i32, %c0_i32_0 : i32, i32
  }
  func.func @transform_17(%arg0: i32) -> (i32, i32) {
    %c0_i32 = arith.constant 0 : i32
    %c0_i32_0 = arith.constant 0 : i32
    %c0_i32_1 = arith.constant 0 : i32
    return %c0_i32, %c0_i32_0 : i32, i32
  }
  func.func @transform_18(%arg0: i32) -> (i32, i32) {
    %c0_i32 = arith.constant 0 : i32
    %c0_i32_0 = arith.constant 0 : i32
    %c0_i32_1 = arith.constant 0 : i32
    return %c0_i32, %c0_i32_0 : i32, i32
  }
  func.func @transform_19(%arg0: i32) -> (i32, i32) {
    %c0_i32 = arith.constant 0 : i32
    %c0_i32_0 = arith.constant 0 : i32
    %c0_i32_1 = arith.constant 0 : i32
    return %c0_i32, %c0_i32_0 : i32, i32
  }
  func.func @transform_20(%arg0: i32) -> (i32, i32) {
    %c0_i32 = arith.constant 0 : i32
    %c0_i32_0 = arith.constant 0 : i32
    %c0_i32_1 = arith.constant 0 : i32
    return %c0_i32, %c0_i32_0 : i32, i32
  }
  func.func @transform_21(%arg0: i32) -> (i32, i32) {
    %c0_i32 = arith.constant 0 : i32
    %c0_i32_0 = arith.constant 0 : i32
    return %arg0, %c0_i32 : i32, i32
  }
  func.func @transform_22(%arg0: i32) -> (i32, i32) {
    %c0_i32 = arith.constant 0 : i32
    %c0_i32_0 = arith.constant 0 : i32
    return %arg0, %c0_i32 : i32, i32
  }
}

module attributes {stable_mosaic.version = 14 : i64} {
  func.func @_scan_fwd_max(%arg0: i32, %arg1: memref<6x512xf32, #tpu.memory_space<vmem>>, %arg2: memref<1x512xf32, #tpu.memory_space<vmem>>, %arg3: memref<6x512xf32, #tpu.memory_space<vmem>>, %arg4: memref<6x128xf32, #tpu.memory_space<vmem>>) attributes {dimension_semantics = [#tpu.dimension_semantics<arbitrary>], iteration_bounds = array<i64: 100>, scalar_prefetch = 0 : i64, scratch_operands = 1 : i64, tpu.core_type = #tpu.core_type<tc>, window_params = [{transform_indices = @transform_0, window_bounds = array<i64: 6, 512>}, {transform_indices = @transform_1, window_bounds = array<i64: 1, 512>}, {transform_indices = @transform_2, window_bounds = array<i64: 6, 512>}]} {
    %eq3A = arith.constant 0 : i32
    %eq3A_0 = arith.cmpi eq, %arg0, %eq3A : i32
    %convert_element_type3A = arith.extui %eq3A_0 : i1 to i32
    %cond3A = arith.constant 0 : i32
    %cond3A_1 = arith.cmpi ne, %convert_element_type3A, %cond3A : i32
    scf.if %cond3A_1 {
      %broadcast_in_dim3A_184 = arith.constant -3.400000e+38 : f32
      %broadcast_in_dim3A_185 = vector.broadcast %broadcast_in_dim3A_184 : f32 to vector<6x128xf32>
      %swap3A_186 = arith.constant 0 : index
      %swap3A_187 = arith.constant 0 : index
      %swap3A_188 = vector.load %arg4[%swap3A_186, %swap3A_187] : memref<6x128xf32, #tpu.memory_space<vmem>>, vector<6x128xf32>
      tpu.vector_store %arg4[%swap3A_186, %swap3A_187], %broadcast_in_dim3A_185 {strides = array<i32>} : memref<6x128xf32, #tpu.memory_space<vmem>>, vector<6x128xf32>,
    } else {
    }
    %get3A = arith.constant 0 : index
    %get3A_2 = arith.constant 0 : index
    %get3A_3 = vector.load %arg2[%get3A, %get3A_2] : memref<1x512xf32, #tpu.memory_space<vmem>>, vector<1x512xf32>
    %broadcast_in_dim3A = vector.shape_cast %get3A_3 : vector<1x512xf32> to vector<1x512xf32>
    %broadcast_in_dim3A_4 = vector.broadcast %broadcast_in_dim3A : vector<1x512xf32> to vector<6x512xf32>
    %get3A_5 = arith.constant 0 : index
    %get3A_6 = arith.constant 0 : index
    %get3A_7 = vector.load %arg1[%get3A_5, %get3A_6] : memref<6x512xf32, #tpu.memory_space<vmem>>, vector<6x512xf32>
    %broadcast_in_dim3A_8 = arith.constant -3.400000e+38 : f32
    %broadcast_in_dim3A_9 = vector.broadcast %broadcast_in_dim3A_8 : f32 to vector<6x1xf32>
    %slice3A = vector.extract_strided_slice %get3A_7 {offsets = [0, 0], sizes = [6, 511], strides = [1, 1]} : vector<6x512xf32> to vector<6x511xf32>
    %concatenate3A = tpu.concatenate %broadcast_in_dim3A_9, %slice3A in 1 : vector<6x1xf32>, vector<6x511xf32> -> vector<6x512xf32>
    %broadcast_in_dim3A_10 = arith.constant 1.000000e+00 : f32
    %broadcast_in_dim3A_11 = vector.broadcast %broadcast_in_dim3A_10 : f32 to vector<6x1xf32>
    %slice3A_12 = vector.extract_strided_slice %broadcast_in_dim3A_4 {offsets = [0, 0], sizes = [6, 511], strides = [1, 1]} : vector<6x512xf32> to vector<6x511xf32>
    %concatenate3A_13 = tpu.concatenate %broadcast_in_dim3A_11, %slice3A_12 in 1 : vector<6x1xf32>, vector<6x511xf32> -> vector<6x512xf32>
    %broadcast_in_dim3A_14 = arith.constant 0.000000e+00 : f32
    %broadcast_in_dim3A_15 = vector.broadcast %broadcast_in_dim3A_14 : f32 to vector<6x1xf32>
    %slice3A_16 = vector.extract_strided_slice %broadcast_in_dim3A_4 {offsets = [0, 0], sizes = [6, 511], strides = [1, 1]} : vector<6x512xf32> to vector<6x511xf32>
    %concatenate3A_17 = tpu.concatenate %broadcast_in_dim3A_15, %slice3A_16 in 1 : vector<6x1xf32>, vector<6x511xf32> -> vector<6x512xf32>
    %gt3A = arith.constant 5.000000e-01 : f32
    %gt3A_18 = vector.broadcast %gt3A : f32 to vector<6x512xf32>
    %gt3A_19 = arith.cmpf ogt, %broadcast_in_dim3A_4, %gt3A_18 : vector<6x512xf32>
    %max3A = arith.maximumf %get3A_7, %concatenate3A : vector<6x512xf32>
    %select_n3A = arith.select %gt3A_19, %get3A_7, %max3A : vector<6x512xi1>, vector<6x512xf32>
    %max3A_20 = arith.maximumf %broadcast_in_dim3A_4, %concatenate3A_13 : vector<6x512xf32>
    %max3A_21 = arith.maximumf %broadcast_in_dim3A_4, %concatenate3A_17 : vector<6x512xf32>
    %broadcast_in_dim3A_22 = arith.constant -3.400000e+38 : f32
    %broadcast_in_dim3A_23 = vector.broadcast %broadcast_in_dim3A_22 : f32 to vector<6x2xf32>
    %slice3A_24 = vector.extract_strided_slice %select_n3A {offsets = [0, 0], sizes = [6, 510], strides = [1, 1]} : vector<6x512xf32> to vector<6x510xf32>
    %concatenate3A_25 = tpu.concatenate %broadcast_in_dim3A_23, %slice3A_24 in 1 : vector<6x2xf32>, vector<6x510xf32> -> vector<6x512xf32>
    %broadcast_in_dim3A_26 = arith.constant 1.000000e+00 : f32
    %broadcast_in_dim3A_27 = vector.broadcast %broadcast_in_dim3A_26 : f32 to vector<6x2xf32>
    %slice3A_28 = vector.extract_strided_slice %max3A_20 {offsets = [0, 0], sizes = [6, 510], strides = [1, 1]} : vector<6x512xf32> to vector<6x510xf32>
    %concatenate3A_29 = tpu.concatenate %broadcast_in_dim3A_27, %slice3A_28 in 1 : vector<6x2xf32>, vector<6x510xf32> -> vector<6x512xf32>
    %broadcast_in_dim3A_30 = arith.constant 0.000000e+00 : f32
    %broadcast_in_dim3A_31 = vector.broadcast %broadcast_in_dim3A_30 : f32 to vector<6x2xf32>
    %slice3A_32 = vector.extract_strided_slice %max3A_21 {offsets = [0, 0], sizes = [6, 510], strides = [1, 1]} : vector<6x512xf32> to vector<6x510xf32>
    %concatenate3A_33 = tpu.concatenate %broadcast_in_dim3A_31, %slice3A_32 in 1 : vector<6x2xf32>, vector<6x510xf32> -> vector<6x512xf32>
    %gt3A_34 = arith.constant 5.000000e-01 : f32
    %gt3A_35 = vector.broadcast %gt3A_34 : f32 to vector<6x512xf32>
    %gt3A_36 = arith.cmpf ogt, %max3A_20, %gt3A_35 : vector<6x512xf32>
    %max3A_37 = arith.maximumf %select_n3A, %concatenate3A_25 : vector<6x512xf32>
    %select_n3A_38 = arith.select %gt3A_36, %select_n3A, %max3A_37 : vector<6x512xi1>, vector<6x512xf32>
    %max3A_39 = arith.maximumf %max3A_20, %concatenate3A_29 : vector<6x512xf32>
    %max3A_40 = arith.maximumf %max3A_21, %concatenate3A_33 : vector<6x512xf32>
    %broadcast_in_dim3A_41 = arith.constant -3.400000e+38 : f32
    %broadcast_in_dim3A_42 = vector.broadcast %broadcast_in_dim3A_41 : f32 to vector<6x4xf32>
    %slice3A_43 = vector.extract_strided_slice %select_n3A_38 {offsets = [0, 0], sizes = [6, 508], strides = [1, 1]} : vector<6x512xf32> to vector<6x508xf32>
    %concatenate3A_44 = tpu.concatenate %broadcast_in_dim3A_42, %slice3A_43 in 1 : vector<6x4xf32>, vector<6x508xf32> -> vector<6x512xf32>
    %broadcast_in_dim3A_45 = arith.constant 1.000000e+00 : f32
    %broadcast_in_dim3A_46 = vector.broadcast %broadcast_in_dim3A_45 : f32 to vector<6x4xf32>
    %slice3A_47 = vector.extract_strided_slice %max3A_39 {offsets = [0, 0], sizes = [6, 508], strides = [1, 1]} : vector<6x512xf32> to vector<6x508xf32>
    %concatenate3A_48 = tpu.concatenate %broadcast_in_dim3A_46, %slice3A_47 in 1 : vector<6x4xf32>, vector<6x508xf32> -> vector<6x512xf32>
    %broadcast_in_dim3A_49 = arith.constant 0.000000e+00 : f32
    %broadcast_in_dim3A_50 = vector.broadcast %broadcast_in_dim3A_49 : f32 to vector<6x4xf32>
    %slice3A_51 = vector.extract_strided_slice %max3A_40 {offsets = [0, 0], sizes = [6, 508], strides = [1, 1]} : vector<6x512xf32> to vector<6x508xf32>
    %concatenate3A_52 = tpu.concatenate %broadcast_in_dim3A_50, %slice3A_51 in 1 : vector<6x4xf32>, vector<6x508xf32> -> vector<6x512xf32>
    %gt3A_53 = arith.constant 5.000000e-01 : f32
    %gt3A_54 = vector.broadcast %gt3A_53 : f32 to vector<6x512xf32>
    %gt3A_55 = arith.cmpf ogt, %max3A_39, %gt3A_54 : vector<6x512xf32>
    %max3A_56 = arith.maximumf %select_n3A_38, %concatenate3A_44 : vector<6x512xf32>
    %select_n3A_57 = arith.select %gt3A_55, %select_n3A_38, %max3A_56 : vector<6x512xi1>, vector<6x512xf32>
    %max3A_58 = arith.maximumf %max3A_39, %concatenate3A_48 : vector<6x512xf32>
    %max3A_59 = arith.maximumf %max3A_40, %concatenate3A_52 : vector<6x512xf32>
    %broadcast_in_dim3A_60 = arith.constant -3.400000e+38 : f32
    %broadcast_in_dim3A_61 = vector.broadcast %broadcast_in_dim3A_60 : f32 to vector<6x8xf32>
    %slice3A_62 = vector.extract_strided_slice %select_n3A_57 {offsets = [0, 0], sizes = [6, 504], strides = [1, 1]} : vector<6x512xf32> to vector<6x504xf32>
    %concatenate3A_63 = tpu.concatenate %broadcast_in_dim3A_61, %slice3A_62 in 1 : vector<6x8xf32>, vector<6x504xf32> -> vector<6x512xf32>
    %broadcast_in_dim3A_64 = arith.constant 1.000000e+00 : f32
    %broadcast_in_dim3A_65 = vector.broadcast %broadcast_in_dim3A_64 : f32 to vector<6x8xf32>
    %slice3A_66 = vector.extract_strided_slice %max3A_58 {offsets = [0, 0], sizes = [6, 504], strides = [1, 1]} : vector<6x512xf32> to vector<6x504xf32>
    %concatenate3A_67 = tpu.concatenate %broadcast_in_dim3A_65, %slice3A_66 in 1 : vector<6x8xf32>, vector<6x504xf32> -> vector<6x512xf32>
    %broadcast_in_dim3A_68 = arith.constant 0.000000e+00 : f32
    %broadcast_in_dim3A_69 = vector.broadcast %broadcast_in_dim3A_68 : f32 to vector<6x8xf32>
    %slice3A_70 = vector.extract_strided_slice %max3A_59 {offsets = [0, 0], sizes = [6, 504], strides = [1, 1]} : vector<6x512xf32> to vector<6x504xf32>
    %concatenate3A_71 = tpu.concatenate %broadcast_in_dim3A_69, %slice3A_70 in 1 : vector<6x8xf32>, vector<6x504xf32> -> vector<6x512xf32>
    %gt3A_72 = arith.constant 5.000000e-01 : f32
    %gt3A_73 = vector.broadcast %gt3A_72 : f32 to vector<6x512xf32>
    %gt3A_74 = arith.cmpf ogt, %max3A_58, %gt3A_73 : vector<6x512xf32>
    %max3A_75 = arith.maximumf %select_n3A_57, %concatenate3A_63 : vector<6x512xf32>
    %select_n3A_76 = arith.select %gt3A_74, %select_n3A_57, %max3A_75 : vector<6x512xi1>, vector<6x512xf32>
    %max3A_77 = arith.maximumf %max3A_58, %concatenate3A_67 : vector<6x512xf32>
    %max3A_78 = arith.maximumf %max3A_59, %concatenate3A_71 : vector<6x512xf32>
    %broadcast_in_dim3A_79 = arith.constant -3.400000e+38 : f32
    %broadcast_in_dim3A_80 = vector.broadcast %broadcast_in_dim3A_79 : f32 to vector<6x16xf32>
    %slice3A_81 = vector.extract_strided_slice %select_n3A_76 {offsets = [0, 0], sizes = [6, 496], strides = [1, 1]} : vector<6x512xf32> to vector<6x496xf32>
    %concatenate3A_82 = tpu.concatenate %broadcast_in_dim3A_80, %slice3A_81 in 1 : vector<6x16xf32>, vector<6x496xf32> -> vector<6x512xf32>
    %broadcast_in_dim3A_83 = arith.constant 1.000000e+00 : f32
    %broadcast_in_dim3A_84 = vector.broadcast %broadcast_in_dim3A_83 : f32 to vector<6x16xf32>
    %slice3A_85 = vector.extract_strided_slice %max3A_77 {offsets = [0, 0], sizes = [6, 496], strides = [1, 1]} : vector<6x512xf32> to vector<6x496xf32>
    %concatenate3A_86 = tpu.concatenate %broadcast_in_dim3A_84, %slice3A_85 in 1 : vector<6x16xf32>, vector<6x496xf32> -> vector<6x512xf32>
    %broadcast_in_dim3A_87 = arith.constant 0.000000e+00 : f32
    %broadcast_in_dim3A_88 = vector.broadcast %broadcast_in_dim3A_87 : f32 to vector<6x16xf32>
    %slice3A_89 = vector.extract_strided_slice %max3A_78 {offsets = [0, 0], sizes = [6, 496], strides = [1, 1]} : vector<6x512xf32> to vector<6x496xf32>
    %concatenate3A_90 = tpu.concatenate %broadcast_in_dim3A_88, %slice3A_89 in 1 : vector<6x16xf32>, vector<6x496xf32> -> vector<6x512xf32>
    %gt3A_91 = arith.constant 5.000000e-01 : f32
    %gt3A_92 = vector.broadcast %gt3A_91 : f32 to vector<6x512xf32>
    %gt3A_93 = arith.cmpf ogt, %max3A_77, %gt3A_92 : vector<6x512xf32>
    %max3A_94 = arith.maximumf %select_n3A_76, %concatenate3A_82 : vector<6x512xf32>
    %select_n3A_95 = arith.select %gt3A_93, %select_n3A_76, %max3A_94 : vector<6x512xi1>, vector<6x512xf32>
    %max3A_96 = arith.maximumf %max3A_77, %concatenate3A_86 : vector<6x512xf32>
    %max3A_97 = arith.maximumf %max3A_78, %concatenate3A_90 : vector<6x512xf32>
    %broadcast_in_dim3A_98 = arith.constant -3.400000e+38 : f32
    %broadcast_in_dim3A_99 = vector.broadcast %broadcast_in_dim3A_98 : f32 to vector<6x32xf32>
    %slice3A_100 = vector.extract_strided_slice %select_n3A_95 {offsets = [0, 0], sizes = [6, 480], strides = [1, 1]} : vector<6x512xf32> to vector<6x480xf32>
    %concatenate3A_101 = tpu.concatenate %broadcast_in_dim3A_99, %slice3A_100 in 1 : vector<6x32xf32>, vector<6x480xf32> -> vector<6x512xf32>
    %broadcast_in_dim3A_102 = arith.constant 1.000000e+00 : f32
    %broadcast_in_dim3A_103 = vector.broadcast %broadcast_in_dim3A_102 : f32 to vector<6x32xf32>
    %slice3A_104 = vector.extract_strided_slice %max3A_96 {offsets = [0, 0], sizes = [6, 480], strides = [1, 1]} : vector<6x512xf32> to vector<6x480xf32>
    %concatenate3A_105 = tpu.concatenate %broadcast_in_dim3A_103, %slice3A_104 in 1 : vector<6x32xf32>, vector<6x480xf32> -> vector<6x512xf32>
    %broadcast_in_dim3A_106 = arith.constant 0.000000e+00 : f32
    %broadcast_in_dim3A_107 = vector.broadcast %broadcast_in_dim3A_106 : f32 to vector<6x32xf32>
    %slice3A_108 = vector.extract_strided_slice %max3A_97 {offsets = [0, 0], sizes = [6, 480], strides = [1, 1]} : vector<6x512xf32> to vector<6x480xf32>
    %concatenate3A_109 = tpu.concatenate %broadcast_in_dim3A_107, %slice3A_108 in 1 : vector<6x32xf32>, vector<6x480xf32> -> vector<6x512xf32>
    %gt3A_110 = arith.constant 5.000000e-01 : f32
    %gt3A_111 = vector.broadcast %gt3A_110 : f32 to vector<6x512xf32>
    %gt3A_112 = arith.cmpf ogt, %max3A_96, %gt3A_111 : vector<6x512xf32>
    %max3A_113 = arith.maximumf %select_n3A_95, %concatenate3A_101 : vector<6x512xf32>
    %select_n3A_114 = arith.select %gt3A_112, %select_n3A_95, %max3A_113 : vector<6x512xi1>, vector<6x512xf32>
    %max3A_115 = arith.maximumf %max3A_96, %concatenate3A_105 : vector<6x512xf32>
    %max3A_116 = arith.maximumf %max3A_97, %concatenate3A_109 : vector<6x512xf32>
    %broadcast_in_dim3A_117 = arith.constant -3.400000e+38 : f32
    %broadcast_in_dim3A_118 = vector.broadcast %broadcast_in_dim3A_117 : f32 to vector<6x64xf32>
    %slice3A_119 = vector.extract_strided_slice %select_n3A_114 {offsets = [0, 0], sizes = [6, 448], strides = [1, 1]} : vector<6x512xf32> to vector<6x448xf32>
    %concatenate3A_120 = tpu.concatenate %broadcast_in_dim3A_118, %slice3A_119 in 1 : vector<6x64xf32>, vector<6x448xf32> -> vector<6x512xf32>
    %broadcast_in_dim3A_121 = arith.constant 1.000000e+00 : f32
    %broadcast_in_dim3A_122 = vector.broadcast %broadcast_in_dim3A_121 : f32 to vector<6x64xf32>
    %slice3A_123 = vector.extract_strided_slice %max3A_115 {offsets = [0, 0], sizes = [6, 448], strides = [1, 1]} : vector<6x512xf32> to vector<6x448xf32>
    %concatenate3A_124 = tpu.concatenate %broadcast_in_dim3A_122, %slice3A_123 in 1 : vector<6x64xf32>, vector<6x448xf32> -> vector<6x512xf32>
    %broadcast_in_dim3A_125 = arith.constant 0.000000e+00 : f32
    %broadcast_in_dim3A_126 = vector.broadcast %broadcast_in_dim3A_125 : f32 to vector<6x64xf32>
    %slice3A_127 = vector.extract_strided_slice %max3A_116 {offsets = [0, 0], sizes = [6, 448], strides = [1, 1]} : vector<6x512xf32> to vector<6x448xf32>
    %concatenate3A_128 = tpu.concatenate %broadcast_in_dim3A_126, %slice3A_127 in 1 : vector<6x64xf32>, vector<6x448xf32> -> vector<6x512xf32>
    %gt3A_129 = arith.constant 5.000000e-01 : f32
    %gt3A_130 = vector.broadcast %gt3A_129 : f32 to vector<6x512xf32>
    %gt3A_131 = arith.cmpf ogt, %max3A_115, %gt3A_130 : vector<6x512xf32>
    %max3A_132 = arith.maximumf %select_n3A_114, %concatenate3A_120 : vector<6x512xf32>
    %select_n3A_133 = arith.select %gt3A_131, %select_n3A_114, %max3A_132 : vector<6x512xi1>, vector<6x512xf32>
    %max3A_134 = arith.maximumf %max3A_115, %concatenate3A_124 : vector<6x512xf32>
    %max3A_135 = arith.maximumf %max3A_116, %concatenate3A_128 : vector<6x512xf32>
    %broadcast_in_dim3A_136 = arith.constant -3.400000e+38 : f32
    %broadcast_in_dim3A_137 = vector.broadcast %broadcast_in_dim3A_136 : f32 to vector<6x128xf32>
    %slice3A_138 = vector.extract_strided_slice %select_n3A_133 {offsets = [0, 0], sizes = [6, 384], strides = [1, 1]} : vector<6x512xf32> to vector<6x384xf32>
    %concatenate3A_139 = tpu.concatenate %broadcast_in_dim3A_137, %slice3A_138 in 1 : vector<6x128xf32>, vector<6x384xf32> -> vector<6x512xf32>
    %broadcast_in_dim3A_140 = arith.constant 1.000000e+00 : f32
    %broadcast_in_dim3A_141 = vector.broadcast %broadcast_in_dim3A_140 : f32 to vector<6x128xf32>
    %slice3A_142 = vector.extract_strided_slice %max3A_134 {offsets = [0, 0], sizes = [6, 384], strides = [1, 1]} : vector<6x512xf32> to vector<6x384xf32>
    %concatenate3A_143 = tpu.concatenate %broadcast_in_dim3A_141, %slice3A_142 in 1 : vector<6x128xf32>, vector<6x384xf32> -> vector<6x512xf32>
    %broadcast_in_dim3A_144 = arith.constant 0.000000e+00 : f32
    %broadcast_in_dim3A_145 = vector.broadcast %broadcast_in_dim3A_144 : f32 to vector<6x128xf32>
    %slice3A_146 = vector.extract_strided_slice %max3A_135 {offsets = [0, 0], sizes = [6, 384], strides = [1, 1]} : vector<6x512xf32> to vector<6x384xf32>
    %concatenate3A_147 = tpu.concatenate %broadcast_in_dim3A_145, %slice3A_146 in 1 : vector<6x128xf32>, vector<6x384xf32> -> vector<6x512xf32>
    %gt3A_148 = arith.constant 5.000000e-01 : f32
    %gt3A_149 = vector.broadcast %gt3A_148 : f32 to vector<6x512xf32>
    %gt3A_150 = arith.cmpf ogt, %max3A_134, %gt3A_149 : vector<6x512xf32>
    %max3A_151 = arith.maximumf %select_n3A_133, %concatenate3A_139 : vector<6x512xf32>
    %select_n3A_152 = arith.select %gt3A_150, %select_n3A_133, %max3A_151 : vector<6x512xi1>, vector<6x512xf32>
    %max3A_153 = arith.maximumf %max3A_134, %concatenate3A_143 : vector<6x512xf32>
    %max3A_154 = arith.maximumf %max3A_135, %concatenate3A_147 : vector<6x512xf32>
    %broadcast_in_dim3A_155 = arith.constant -3.400000e+38 : f32
    %broadcast_in_dim3A_156 = vector.broadcast %broadcast_in_dim3A_155 : f32 to vector<6x256xf32>
    %slice3A_157 = vector.extract_strided_slice %select_n3A_152 {offsets = [0, 0], sizes = [6, 256], strides = [1, 1]} : vector<6x512xf32> to vector<6x256xf32>
    %concatenate3A_158 = tpu.concatenate %broadcast_in_dim3A_156, %slice3A_157 in 1 : vector<6x256xf32>, vector<6x256xf32> -> vector<6x512xf32>
    %broadcast_in_dim3A_159 = arith.constant 0.000000e+00 : f32
    %broadcast_in_dim3A_160 = vector.broadcast %broadcast_in_dim3A_159 : f32 to vector<6x256xf32>
    %slice3A_161 = vector.extract_strided_slice %max3A_154 {offsets = [0, 0], sizes = [6, 256], strides = [1, 1]} : vector<6x512xf32> to vector<6x256xf32>
    %concatenate3A_162 = tpu.concatenate %broadcast_in_dim3A_160, %slice3A_161 in 1 : vector<6x256xf32>, vector<6x256xf32> -> vector<6x512xf32>
    %gt3A_163 = arith.constant 5.000000e-01 : f32
    %gt3A_164 = vector.broadcast %gt3A_163 : f32 to vector<6x512xf32>
    %gt3A_165 = arith.cmpf ogt, %max3A_153, %gt3A_164 : vector<6x512xf32>
    %max3A_166 = arith.maximumf %select_n3A_152, %concatenate3A_158 : vector<6x512xf32>
    %select_n3A_167 = arith.select %gt3A_165, %select_n3A_152, %max3A_166 : vector<6x512xi1>, vector<6x512xf32>
    %max3A_168 = arith.maximumf %max3A_154, %concatenate3A_162 : vector<6x512xf32>
    %gt3A_169 = arith.constant 5.000000e-01 : f32
    %gt3A_170 = vector.broadcast %gt3A_169 : f32 to vector<6x512xf32>
    %gt3A_171 = arith.cmpf ogt, %max3A_168, %gt3A_170 : vector<6x512xf32>
    %get3A_172 = arith.constant 0 : index
    %get3A_173 = arith.constant 0 : index
    %get3A_174 = vector.load %arg4[%get3A_172, %get3A_173] : memref<6x128xf32, #tpu.memory_space<vmem>>, vector<6x1xf32>
    %max3A_175 = vector.broadcast %get3A_174 : vector<6x1xf32> to vector<6x512xf32>
    %max3A_176 = arith.maximumf %select_n3A_167, %max3A_175 : vector<6x512xf32>
    %select_n3A_177 = arith.select %gt3A_171, %select_n3A_167, %max3A_176 : vector<6x512xi1>, vector<6x512xf32>
    %slice3A_178 = vector.extract_strided_slice %select_n3A_177 {offsets = [0, 511], sizes = [6, 1], strides = [1, 1]} : vector<6x512xf32> to vector<6x1xf32>
    %swap3A = arith.constant 0 : index
    %swap3A_179 = arith.constant 0 : index
    %swap3A_180 = vector.load %arg4[%swap3A, %swap3A_179] : memref<6x128xf32, #tpu.memory_space<vmem>>, vector<6x1xf32>
    tpu.vector_store %arg4[%swap3A, %swap3A_179], %slice3A_178 {strides = array<i32>} : memref<6x128xf32, #tpu.memory_space<vmem>>, vector<6x1xf32>,
    %swap3A_181 = arith.constant 0 : index
    %swap3A_182 = arith.constant 0 : index
    %swap3A_183 = vector.load %arg3[%swap3A_181, %swap3A_182] : memref<6x512xf32, #tpu.memory_space<vmem>>, vector<6x512xf32>
    tpu.vector_store %arg3[%swap3A_181, %swap3A_182], %select_n3A_177 {strides = array<i32>} : memref<6x512xf32, #tpu.memory_space<vmem>>, vector<6x512xf32>,
    return
  }
  func.func @transform_0(%arg0: i32) -> (i32, i32) {
    %c0_i32 = arith.constant 0 : i32
    %c0_i32_0 = arith.constant 0 : i32
    return %c0_i32, %arg0 : i32, i32
  }
  func.func @transform_1(%arg0: i32) -> (i32, i32) {
    %c0_i32 = arith.constant 0 : i32
    %c0_i32_0 = arith.constant 0 : i32
    return %c0_i32, %arg0 : i32, i32
  }
  func.func @transform_2(%arg0: i32) -> (i32, i32) {
    %c0_i32 = arith.constant 0 : i32
    %c0_i32_0 = arith.constant 0 : i32
    return %c0_i32, %arg0 : i32, i32
  }
}

module attributes {stable_mosaic.version = 14 : i64} {
  func.func @_scan_bwd_max_ex(%arg0: i32, %arg1: memref<6x512xf32, #tpu.memory_space<vmem>>, %arg2: memref<1x512xf32, #tpu.memory_space<vmem>>, %arg3: memref<6x512xf32, #tpu.memory_space<vmem>>, %arg4: memref<6x512xf32, #tpu.memory_space<vmem>>, %arg5: memref<6x128xf32, #tpu.memory_space<vmem>>) attributes {dimension_semantics = [#tpu.dimension_semantics<arbitrary>], iteration_bounds = array<i64: 100>, scalar_prefetch = 0 : i64, scratch_operands = 1 : i64, tpu.core_type = #tpu.core_type<tc>, window_params = [{transform_indices = @transform_0, window_bounds = array<i64: 6, 512>}, {transform_indices = @transform_1, window_bounds = array<i64: 1, 512>}, {transform_indices = @transform_2, window_bounds = array<i64: 6, 512>}, {transform_indices = @transform_3, window_bounds = array<i64: 6, 512>}]} {
    %eq3A = arith.constant 0 : i32
    %eq3A_0 = arith.cmpi eq, %arg0, %eq3A : i32
    %convert_element_type3A = arith.extui %eq3A_0 : i1 to i32
    %cond3A = arith.constant 0 : i32
    %cond3A_1 = arith.cmpi ne, %convert_element_type3A, %cond3A : i32
    scf.if %cond3A_1 {
      %broadcast_in_dim3A_188 = arith.constant -3.400000e+38 : f32
      %broadcast_in_dim3A_189 = vector.broadcast %broadcast_in_dim3A_188 : f32 to vector<6x128xf32>
      %swap3A_190 = arith.constant 0 : index
      %swap3A_191 = arith.constant 0 : index
      %swap3A_192 = vector.load %arg5[%swap3A_190, %swap3A_191] : memref<6x128xf32, #tpu.memory_space<vmem>>, vector<6x128xf32>
      tpu.vector_store %arg5[%swap3A_190, %swap3A_191], %broadcast_in_dim3A_189 {strides = array<i32>} : memref<6x128xf32, #tpu.memory_space<vmem>>, vector<6x128xf32>,
    } else {
    }
    %get3A = arith.constant 0 : index
    %get3A_2 = arith.constant 0 : index
    %get3A_3 = vector.load %arg2[%get3A, %get3A_2] : memref<1x512xf32, #tpu.memory_space<vmem>>, vector<1x512xf32>
    %broadcast_in_dim3A = vector.shape_cast %get3A_3 : vector<1x512xf32> to vector<1x512xf32>
    %broadcast_in_dim3A_4 = vector.broadcast %broadcast_in_dim3A : vector<1x512xf32> to vector<6x512xf32>
    %get3A_5 = arith.constant 0 : index
    %get3A_6 = arith.constant 0 : index
    %get3A_7 = vector.load %arg1[%get3A_5, %get3A_6] : memref<6x512xf32, #tpu.memory_space<vmem>>, vector<6x512xf32>
    %slice3A = vector.extract_strided_slice %get3A_7 {offsets = [0, 1], sizes = [6, 511], strides = [1, 1]} : vector<6x512xf32> to vector<6x511xf32>
    %broadcast_in_dim3A_8 = arith.constant -3.400000e+38 : f32
    %broadcast_in_dim3A_9 = vector.broadcast %broadcast_in_dim3A_8 : f32 to vector<6x1xf32>
    %concatenate3A = tpu.concatenate %slice3A, %broadcast_in_dim3A_9 in 1 : vector<6x511xf32>, vector<6x1xf32> -> vector<6x512xf32>
    %slice3A_10 = vector.extract_strided_slice %broadcast_in_dim3A_4 {offsets = [0, 1], sizes = [6, 511], strides = [1, 1]} : vector<6x512xf32> to vector<6x511xf32>
    %broadcast_in_dim3A_11 = arith.constant 1.000000e+00 : f32
    %broadcast_in_dim3A_12 = vector.broadcast %broadcast_in_dim3A_11 : f32 to vector<6x1xf32>
    %concatenate3A_13 = tpu.concatenate %slice3A_10, %broadcast_in_dim3A_12 in 1 : vector<6x511xf32>, vector<6x1xf32> -> vector<6x512xf32>
    %slice3A_14 = vector.extract_strided_slice %broadcast_in_dim3A_4 {offsets = [0, 1], sizes = [6, 511], strides = [1, 1]} : vector<6x512xf32> to vector<6x511xf32>
    %broadcast_in_dim3A_15 = arith.constant 0.000000e+00 : f32
    %broadcast_in_dim3A_16 = vector.broadcast %broadcast_in_dim3A_15 : f32 to vector<6x1xf32>
    %concatenate3A_17 = tpu.concatenate %slice3A_14, %broadcast_in_dim3A_16 in 1 : vector<6x511xf32>, vector<6x1xf32> -> vector<6x512xf32>
    %gt3A = arith.constant 5.000000e-01 : f32
    %gt3A_18 = vector.broadcast %gt3A : f32 to vector<6x512xf32>
    %gt3A_19 = arith.cmpf ogt, %broadcast_in_dim3A_4, %gt3A_18 : vector<6x512xf32>
    %max3A = arith.maximumf %get3A_7, %concatenate3A : vector<6x512xf32>
    %select_n3A = arith.select %gt3A_19, %get3A_7, %max3A : vector<6x512xi1>, vector<6x512xf32>
    %max3A_20 = arith.maximumf %broadcast_in_dim3A_4, %concatenate3A_13 : vector<6x512xf32>
    %max3A_21 = arith.maximumf %broadcast_in_dim3A_4, %concatenate3A_17 : vector<6x512xf32>
    %slice3A_22 = vector.extract_strided_slice %select_n3A {offsets = [0, 2], sizes = [6, 510], strides = [1, 1]} : vector<6x512xf32> to vector<6x510xf32>
    %broadcast_in_dim3A_23 = arith.constant -3.400000e+38 : f32
    %broadcast_in_dim3A_24 = vector.broadcast %broadcast_in_dim3A_23 : f32 to vector<6x2xf32>
    %concatenate3A_25 = tpu.concatenate %slice3A_22, %broadcast_in_dim3A_24 in 1 : vector<6x510xf32>, vector<6x2xf32> -> vector<6x512xf32>
    %slice3A_26 = vector.extract_strided_slice %max3A_20 {offsets = [0, 2], sizes = [6, 510], strides = [1, 1]} : vector<6x512xf32> to vector<6x510xf32>
    %broadcast_in_dim3A_27 = arith.constant 1.000000e+00 : f32
    %broadcast_in_dim3A_28 = vector.broadcast %broadcast_in_dim3A_27 : f32 to vector<6x2xf32>
    %concatenate3A_29 = tpu.concatenate %slice3A_26, %broadcast_in_dim3A_28 in 1 : vector<6x510xf32>, vector<6x2xf32> -> vector<6x512xf32>
    %slice3A_30 = vector.extract_strided_slice %max3A_21 {offsets = [0, 2], sizes = [6, 510], strides = [1, 1]} : vector<6x512xf32> to vector<6x510xf32>
    %broadcast_in_dim3A_31 = arith.constant 0.000000e+00 : f32
    %broadcast_in_dim3A_32 = vector.broadcast %broadcast_in_dim3A_31 : f32 to vector<6x2xf32>
    %concatenate3A_33 = tpu.concatenate %slice3A_30, %broadcast_in_dim3A_32 in 1 : vector<6x510xf32>, vector<6x2xf32> -> vector<6x512xf32>
    %gt3A_34 = arith.constant 5.000000e-01 : f32
    %gt3A_35 = vector.broadcast %gt3A_34 : f32 to vector<6x512xf32>
    %gt3A_36 = arith.cmpf ogt, %max3A_20, %gt3A_35 : vector<6x512xf32>
    %max3A_37 = arith.maximumf %select_n3A, %concatenate3A_25 : vector<6x512xf32>
    %select_n3A_38 = arith.select %gt3A_36, %select_n3A, %max3A_37 : vector<6x512xi1>, vector<6x512xf32>
    %max3A_39 = arith.maximumf %max3A_20, %concatenate3A_29 : vector<6x512xf32>
    %max3A_40 = arith.maximumf %max3A_21, %concatenate3A_33 : vector<6x512xf32>
    %slice3A_41 = vector.extract_strided_slice %select_n3A_38 {offsets = [0, 4], sizes = [6, 508], strides = [1, 1]} : vector<6x512xf32> to vector<6x508xf32>
    %broadcast_in_dim3A_42 = arith.constant -3.400000e+38 : f32
    %broadcast_in_dim3A_43 = vector.broadcast %broadcast_in_dim3A_42 : f32 to vector<6x4xf32>
    %concatenate3A_44 = tpu.concatenate %slice3A_41, %broadcast_in_dim3A_43 in 1 : vector<6x508xf32>, vector<6x4xf32> -> vector<6x512xf32>
    %slice3A_45 = vector.extract_strided_slice %max3A_39 {offsets = [0, 4], sizes = [6, 508], strides = [1, 1]} : vector<6x512xf32> to vector<6x508xf32>
    %broadcast_in_dim3A_46 = arith.constant 1.000000e+00 : f32
    %broadcast_in_dim3A_47 = vector.broadcast %broadcast_in_dim3A_46 : f32 to vector<6x4xf32>
    %concatenate3A_48 = tpu.concatenate %slice3A_45, %broadcast_in_dim3A_47 in 1 : vector<6x508xf32>, vector<6x4xf32> -> vector<6x512xf32>
    %slice3A_49 = vector.extract_strided_slice %max3A_40 {offsets = [0, 4], sizes = [6, 508], strides = [1, 1]} : vector<6x512xf32> to vector<6x508xf32>
    %broadcast_in_dim3A_50 = arith.constant 0.000000e+00 : f32
    %broadcast_in_dim3A_51 = vector.broadcast %broadcast_in_dim3A_50 : f32 to vector<6x4xf32>
    %concatenate3A_52 = tpu.concatenate %slice3A_49, %broadcast_in_dim3A_51 in 1 : vector<6x508xf32>, vector<6x4xf32> -> vector<6x512xf32>
    %gt3A_53 = arith.constant 5.000000e-01 : f32
    %gt3A_54 = vector.broadcast %gt3A_53 : f32 to vector<6x512xf32>
    %gt3A_55 = arith.cmpf ogt, %max3A_39, %gt3A_54 : vector<6x512xf32>
    %max3A_56 = arith.maximumf %select_n3A_38, %concatenate3A_44 : vector<6x512xf32>
    %select_n3A_57 = arith.select %gt3A_55, %select_n3A_38, %max3A_56 : vector<6x512xi1>, vector<6x512xf32>
    %max3A_58 = arith.maximumf %max3A_39, %concatenate3A_48 : vector<6x512xf32>
    %max3A_59 = arith.maximumf %max3A_40, %concatenate3A_52 : vector<6x512xf32>
    %slice3A_60 = vector.extract_strided_slice %select_n3A_57 {offsets = [0, 8], sizes = [6, 504], strides = [1, 1]} : vector<6x512xf32> to vector<6x504xf32>
    %broadcast_in_dim3A_61 = arith.constant -3.400000e+38 : f32
    %broadcast_in_dim3A_62 = vector.broadcast %broadcast_in_dim3A_61 : f32 to vector<6x8xf32>
    %concatenate3A_63 = tpu.concatenate %slice3A_60, %broadcast_in_dim3A_62 in 1 : vector<6x504xf32>, vector<6x8xf32> -> vector<6x512xf32>
    %slice3A_64 = vector.extract_strided_slice %max3A_58 {offsets = [0, 8], sizes = [6, 504], strides = [1, 1]} : vector<6x512xf32> to vector<6x504xf32>
    %broadcast_in_dim3A_65 = arith.constant 1.000000e+00 : f32
    %broadcast_in_dim3A_66 = vector.broadcast %broadcast_in_dim3A_65 : f32 to vector<6x8xf32>
    %concatenate3A_67 = tpu.concatenate %slice3A_64, %broadcast_in_dim3A_66 in 1 : vector<6x504xf32>, vector<6x8xf32> -> vector<6x512xf32>
    %slice3A_68 = vector.extract_strided_slice %max3A_59 {offsets = [0, 8], sizes = [6, 504], strides = [1, 1]} : vector<6x512xf32> to vector<6x504xf32>
    %broadcast_in_dim3A_69 = arith.constant 0.000000e+00 : f32
    %broadcast_in_dim3A_70 = vector.broadcast %broadcast_in_dim3A_69 : f32 to vector<6x8xf32>
    %concatenate3A_71 = tpu.concatenate %slice3A_68, %broadcast_in_dim3A_70 in 1 : vector<6x504xf32>, vector<6x8xf32> -> vector<6x512xf32>
    %gt3A_72 = arith.constant 5.000000e-01 : f32
    %gt3A_73 = vector.broadcast %gt3A_72 : f32 to vector<6x512xf32>
    %gt3A_74 = arith.cmpf ogt, %max3A_58, %gt3A_73 : vector<6x512xf32>
    %max3A_75 = arith.maximumf %select_n3A_57, %concatenate3A_63 : vector<6x512xf32>
    %select_n3A_76 = arith.select %gt3A_74, %select_n3A_57, %max3A_75 : vector<6x512xi1>, vector<6x512xf32>
    %max3A_77 = arith.maximumf %max3A_58, %concatenate3A_67 : vector<6x512xf32>
    %max3A_78 = arith.maximumf %max3A_59, %concatenate3A_71 : vector<6x512xf32>
    %slice3A_79 = vector.extract_strided_slice %select_n3A_76 {offsets = [0, 16], sizes = [6, 496], strides = [1, 1]} : vector<6x512xf32> to vector<6x496xf32>
    %broadcast_in_dim3A_80 = arith.constant -3.400000e+38 : f32
    %broadcast_in_dim3A_81 = vector.broadcast %broadcast_in_dim3A_80 : f32 to vector<6x16xf32>
    %concatenate3A_82 = tpu.concatenate %slice3A_79, %broadcast_in_dim3A_81 in 1 : vector<6x496xf32>, vector<6x16xf32> -> vector<6x512xf32>
    %slice3A_83 = vector.extract_strided_slice %max3A_77 {offsets = [0, 16], sizes = [6, 496], strides = [1, 1]} : vector<6x512xf32> to vector<6x496xf32>
    %broadcast_in_dim3A_84 = arith.constant 1.000000e+00 : f32
    %broadcast_in_dim3A_85 = vector.broadcast %broadcast_in_dim3A_84 : f32 to vector<6x16xf32>
    %concatenate3A_86 = tpu.concatenate %slice3A_83, %broadcast_in_dim3A_85 in 1 : vector<6x496xf32>, vector<6x16xf32> -> vector<6x512xf32>
    %slice3A_87 = vector.extract_strided_slice %max3A_78 {offsets = [0, 16], sizes = [6, 496], strides = [1, 1]} : vector<6x512xf32> to vector<6x496xf32>
    %broadcast_in_dim3A_88 = arith.constant 0.000000e+00 : f32
    %broadcast_in_dim3A_89 = vector.broadcast %broadcast_in_dim3A_88 : f32 to vector<6x16xf32>
    %concatenate3A_90 = tpu.concatenate %slice3A_87, %broadcast_in_dim3A_89 in 1 : vector<6x496xf32>, vector<6x16xf32> -> vector<6x512xf32>
    %gt3A_91 = arith.constant 5.000000e-01 : f32
    %gt3A_92 = vector.broadcast %gt3A_91 : f32 to vector<6x512xf32>
    %gt3A_93 = arith.cmpf ogt, %max3A_77, %gt3A_92 : vector<6x512xf32>
    %max3A_94 = arith.maximumf %select_n3A_76, %concatenate3A_82 : vector<6x512xf32>
    %select_n3A_95 = arith.select %gt3A_93, %select_n3A_76, %max3A_94 : vector<6x512xi1>, vector<6x512xf32>
    %max3A_96 = arith.maximumf %max3A_77, %concatenate3A_86 : vector<6x512xf32>
    %max3A_97 = arith.maximumf %max3A_78, %concatenate3A_90 : vector<6x512xf32>
    %slice3A_98 = vector.extract_strided_slice %select_n3A_95 {offsets = [0, 32], sizes = [6, 480], strides = [1, 1]} : vector<6x512xf32> to vector<6x480xf32>
    %broadcast_in_dim3A_99 = arith.constant -3.400000e+38 : f32
    %broadcast_in_dim3A_100 = vector.broadcast %broadcast_in_dim3A_99 : f32 to vector<6x32xf32>
    %concatenate3A_101 = tpu.concatenate %slice3A_98, %broadcast_in_dim3A_100 in 1 : vector<6x480xf32>, vector<6x32xf32> -> vector<6x512xf32>
    %slice3A_102 = vector.extract_strided_slice %max3A_96 {offsets = [0, 32], sizes = [6, 480], strides = [1, 1]} : vector<6x512xf32> to vector<6x480xf32>
    %broadcast_in_dim3A_103 = arith.constant 1.000000e+00 : f32
    %broadcast_in_dim3A_104 = vector.broadcast %broadcast_in_dim3A_103 : f32 to vector<6x32xf32>
    %concatenate3A_105 = tpu.concatenate %slice3A_102, %broadcast_in_dim3A_104 in 1 : vector<6x480xf32>, vector<6x32xf32> -> vector<6x512xf32>
    %slice3A_106 = vector.extract_strided_slice %max3A_97 {offsets = [0, 32], sizes = [6, 480], strides = [1, 1]} : vector<6x512xf32> to vector<6x480xf32>
    %broadcast_in_dim3A_107 = arith.constant 0.000000e+00 : f32
    %broadcast_in_dim3A_108 = vector.broadcast %broadcast_in_dim3A_107 : f32 to vector<6x32xf32>
    %concatenate3A_109 = tpu.concatenate %slice3A_106, %broadcast_in_dim3A_108 in 1 : vector<6x480xf32>, vector<6x32xf32> -> vector<6x512xf32>
    %gt3A_110 = arith.constant 5.000000e-01 : f32
    %gt3A_111 = vector.broadcast %gt3A_110 : f32 to vector<6x512xf32>
    %gt3A_112 = arith.cmpf ogt, %max3A_96, %gt3A_111 : vector<6x512xf32>
    %max3A_113 = arith.maximumf %select_n3A_95, %concatenate3A_101 : vector<6x512xf32>
    %select_n3A_114 = arith.select %gt3A_112, %select_n3A_95, %max3A_113 : vector<6x512xi1>, vector<6x512xf32>
    %max3A_115 = arith.maximumf %max3A_96, %concatenate3A_105 : vector<6x512xf32>
    %max3A_116 = arith.maximumf %max3A_97, %concatenate3A_109 : vector<6x512xf32>
    %slice3A_117 = vector.extract_strided_slice %select_n3A_114 {offsets = [0, 64], sizes = [6, 448], strides = [1, 1]} : vector<6x512xf32> to vector<6x448xf32>
    %broadcast_in_dim3A_118 = arith.constant -3.400000e+38 : f32
    %broadcast_in_dim3A_119 = vector.broadcast %broadcast_in_dim3A_118 : f32 to vector<6x64xf32>
    %concatenate3A_120 = tpu.concatenate %slice3A_117, %broadcast_in_dim3A_119 in 1 : vector<6x448xf32>, vector<6x64xf32> -> vector<6x512xf32>
    %slice3A_121 = vector.extract_strided_slice %max3A_115 {offsets = [0, 64], sizes = [6, 448], strides = [1, 1]} : vector<6x512xf32> to vector<6x448xf32>
    %broadcast_in_dim3A_122 = arith.constant 1.000000e+00 : f32
    %broadcast_in_dim3A_123 = vector.broadcast %broadcast_in_dim3A_122 : f32 to vector<6x64xf32>
    %concatenate3A_124 = tpu.concatenate %slice3A_121, %broadcast_in_dim3A_123 in 1 : vector<6x448xf32>, vector<6x64xf32> -> vector<6x512xf32>
    %slice3A_125 = vector.extract_strided_slice %max3A_116 {offsets = [0, 64], sizes = [6, 448], strides = [1, 1]} : vector<6x512xf32> to vector<6x448xf32>
    %broadcast_in_dim3A_126 = arith.constant 0.000000e+00 : f32
    %broadcast_in_dim3A_127 = vector.broadcast %broadcast_in_dim3A_126 : f32 to vector<6x64xf32>
    %concatenate3A_128 = tpu.concatenate %slice3A_125, %broadcast_in_dim3A_127 in 1 : vector<6x448xf32>, vector<6x64xf32> -> vector<6x512xf32>
    %gt3A_129 = arith.constant 5.000000e-01 : f32
    %gt3A_130 = vector.broadcast %gt3A_129 : f32 to vector<6x512xf32>
    %gt3A_131 = arith.cmpf ogt, %max3A_115, %gt3A_130 : vector<6x512xf32>
    %max3A_132 = arith.maximumf %select_n3A_114, %concatenate3A_120 : vector<6x512xf32>
    %select_n3A_133 = arith.select %gt3A_131, %select_n3A_114, %max3A_132 : vector<6x512xi1>, vector<6x512xf32>
    %max3A_134 = arith.maximumf %max3A_115, %concatenate3A_124 : vector<6x512xf32>
    %max3A_135 = arith.maximumf %max3A_116, %concatenate3A_128 : vector<6x512xf32>
    %slice3A_136 = vector.extract_strided_slice %select_n3A_133 {offsets = [0, 128], sizes = [6, 384], strides = [1, 1]} : vector<6x512xf32> to vector<6x384xf32>
    %broadcast_in_dim3A_137 = arith.constant -3.400000e+38 : f32
    %broadcast_in_dim3A_138 = vector.broadcast %broadcast_in_dim3A_137 : f32 to vector<6x128xf32>
    %concatenate3A_139 = tpu.concatenate %slice3A_136, %broadcast_in_dim3A_138 in 1 : vector<6x384xf32>, vector<6x128xf32> -> vector<6x512xf32>
    %slice3A_140 = vector.extract_strided_slice %max3A_134 {offsets = [0, 128], sizes = [6, 384], strides = [1, 1]} : vector<6x512xf32> to vector<6x384xf32>
    %broadcast_in_dim3A_141 = arith.constant 1.000000e+00 : f32
    %broadcast_in_dim3A_142 = vector.broadcast %broadcast_in_dim3A_141 : f32 to vector<6x128xf32>
    %concatenate3A_143 = tpu.concatenate %slice3A_140, %broadcast_in_dim3A_142 in 1 : vector<6x384xf32>, vector<6x128xf32> -> vector<6x512xf32>
    %slice3A_144 = vector.extract_strided_slice %max3A_135 {offsets = [0, 128], sizes = [6, 384], strides = [1, 1]} : vector<6x512xf32> to vector<6x384xf32>
    %broadcast_in_dim3A_145 = arith.constant 0.000000e+00 : f32
    %broadcast_in_dim3A_146 = vector.broadcast %broadcast_in_dim3A_145 : f32 to vector<6x128xf32>
    %concatenate3A_147 = tpu.concatenate %slice3A_144, %broadcast_in_dim3A_146 in 1 : vector<6x384xf32>, vector<6x128xf32> -> vector<6x512xf32>
    %gt3A_148 = arith.constant 5.000000e-01 : f32
    %gt3A_149 = vector.broadcast %gt3A_148 : f32 to vector<6x512xf32>
    %gt3A_150 = arith.cmpf ogt, %max3A_134, %gt3A_149 : vector<6x512xf32>
    %max3A_151 = arith.maximumf %select_n3A_133, %concatenate3A_139 : vector<6x512xf32>
    %select_n3A_152 = arith.select %gt3A_150, %select_n3A_133, %max3A_151 : vector<6x512xi1>, vector<6x512xf32>
    %max3A_153 = arith.maximumf %max3A_134, %concatenate3A_143 : vector<6x512xf32>
    %max3A_154 = arith.maximumf %max3A_135, %concatenate3A_147 : vector<6x512xf32>
    %slice3A_155 = vector.extract_strided_slice %select_n3A_152 {offsets = [0, 256], sizes = [6, 256], strides = [1, 1]} : vector<6x512xf32> to vector<6x256xf32>
    %broadcast_in_dim3A_156 = arith.constant -3.400000e+38 : f32
    %broadcast_in_dim3A_157 = vector.broadcast %broadcast_in_dim3A_156 : f32 to vector<6x256xf32>
    %concatenate3A_158 = tpu.concatenate %slice3A_155, %broadcast_in_dim3A_157 in 1 : vector<6x256xf32>, vector<6x256xf32> -> vector<6x512xf32>
    %slice3A_159 = vector.extract_strided_slice %max3A_154 {offsets = [0, 256], sizes = [6, 256], strides = [1, 1]} : vector<6x512xf32> to vector<6x256xf32>
    %broadcast_in_dim3A_160 = arith.constant 0.000000e+00 : f32
    %broadcast_in_dim3A_161 = vector.broadcast %broadcast_in_dim3A_160 : f32 to vector<6x256xf32>
    %concatenate3A_162 = tpu.concatenate %slice3A_159, %broadcast_in_dim3A_161 in 1 : vector<6x256xf32>, vector<6x256xf32> -> vector<6x512xf32>
    %gt3A_163 = arith.constant 5.000000e-01 : f32
    %gt3A_164 = vector.broadcast %gt3A_163 : f32 to vector<6x512xf32>
    %gt3A_165 = arith.cmpf ogt, %max3A_153, %gt3A_164 : vector<6x512xf32>
    %max3A_166 = arith.maximumf %select_n3A_152, %concatenate3A_158 : vector<6x512xf32>
    %select_n3A_167 = arith.select %gt3A_165, %select_n3A_152, %max3A_166 : vector<6x512xi1>, vector<6x512xf32>
    %max3A_168 = arith.maximumf %max3A_154, %concatenate3A_162 : vector<6x512xf32>
    %gt3A_169 = arith.constant 5.000000e-01 : f32
    %gt3A_170 = vector.broadcast %gt3A_169 : f32 to vector<6x512xf32>
    %gt3A_171 = arith.cmpf ogt, %max3A_168, %gt3A_170 : vector<6x512xf32>
    %get3A_172 = arith.constant 0 : index
    %get3A_173 = arith.constant 0 : index
    %get3A_174 = vector.load %arg5[%get3A_172, %get3A_173] : memref<6x128xf32, #tpu.memory_space<vmem>>, vector<6x1xf32>
    %max3A_175 = vector.broadcast %get3A_174 : vector<6x1xf32> to vector<6x512xf32>
    %max3A_176 = arith.maximumf %select_n3A_167, %max3A_175 : vector<6x512xf32>
    %select_n3A_177 = arith.select %gt3A_171, %select_n3A_167, %max3A_176 : vector<6x512xi1>, vector<6x512xf32>
    %slice3A_178 = vector.extract_strided_slice %select_n3A_177 {offsets = [0, 0], sizes = [6, 1], strides = [1, 1]} : vector<6x512xf32> to vector<6x1xf32>
    %swap3A = arith.constant 0 : index
    %swap3A_179 = arith.constant 0 : index
    %swap3A_180 = vector.load %arg5[%swap3A, %swap3A_179] : memref<6x128xf32, #tpu.memory_space<vmem>>, vector<6x1xf32>
    tpu.vector_store %arg5[%swap3A, %swap3A_179], %slice3A_178 {strides = array<i32>} : memref<6x128xf32, #tpu.memory_space<vmem>>, vector<6x1xf32>,
    %get3A_181 = arith.constant 0 : index
    %get3A_182 = arith.constant 0 : index
    %get3A_183 = vector.load %arg3[%get3A_181, %get3A_182] : memref<6x512xf32, #tpu.memory_space<vmem>>, vector<6x512xf32>
    %max3A_184 = arith.maximumf %select_n3A_177, %get3A_183 : vector<6x512xf32>
    %sub3A = arith.subf %get3A_7, %max3A_184 : vector<6x512xf32>
    %exp3A = math.exp %sub3A : vector<6x512xf32>
    %swap3A_185 = arith.constant 0 : index
    %swap3A_186 = arith.constant 0 : index
    %swap3A_187 = vector.load %arg4[%swap3A_185, %swap3A_186] : memref<6x512xf32, #tpu.memory_space<vmem>>, vector<6x512xf32>
    tpu.vector_store %arg4[%swap3A_185, %swap3A_186], %exp3A {strides = array<i32>} : memref<6x512xf32, #tpu.memory_space<vmem>>, vector<6x512xf32>,
    return
  }
  func.func @transform_0(%arg0: i32) -> (i32, i32) {
    %sub3A = arith.constant 99 : i32
    %sub3A_0 = arith.subi %sub3A, %arg0 : i32
    %c0_i32 = arith.constant 0 : i32
    %c0_i32_1 = arith.constant 0 : i32
    return %c0_i32, %sub3A_0 : i32, i32
  }
  func.func @transform_1(%arg0: i32) -> (i32, i32) {
    %sub3A = arith.constant 99 : i32
    %sub3A_0 = arith.subi %sub3A, %arg0 : i32
    %c0_i32 = arith.constant 0 : i32
    %c0_i32_1 = arith.constant 0 : i32
    return %c0_i32, %sub3A_0 : i32, i32
  }
  func.func @transform_2(%arg0: i32) -> (i32, i32) {
    %sub3A = arith.constant 99 : i32
    %sub3A_0 = arith.subi %sub3A, %arg0 : i32
    %c0_i32 = arith.constant 0 : i32
    %c0_i32_1 = arith.constant 0 : i32
    return %c0_i32, %sub3A_0 : i32, i32
  }
  func.func @transform_3(%arg0: i32) -> (i32, i32) {
    %sub3A = arith.constant 99 : i32
    %sub3A_0 = arith.subi %sub3A, %arg0 : i32
    %c0_i32 = arith.constant 0 : i32
    %c0_i32_1 = arith.constant 0 : i32
    return %c0_i32, %sub3A_0 : i32, i32
  }
}

module attributes {stable_mosaic.version = 14 : i64} {
  func.func @_scan_fwd_sum(%arg0: i32, %arg1: memref<6x512xf32, #tpu.memory_space<vmem>>, %arg2: memref<1x512xf32, #tpu.memory_space<vmem>>, %arg3: memref<6x512xf32, #tpu.memory_space<vmem>>, %arg4: memref<6x128xf32, #tpu.memory_space<vmem>>) attributes {dimension_semantics = [#tpu.dimension_semantics<arbitrary>], iteration_bounds = array<i64: 100>, scalar_prefetch = 0 : i64, scratch_operands = 1 : i64, tpu.core_type = #tpu.core_type<tc>, window_params = [{transform_indices = @transform_0, window_bounds = array<i64: 6, 512>}, {transform_indices = @transform_1, window_bounds = array<i64: 1, 512>}, {transform_indices = @transform_2, window_bounds = array<i64: 6, 512>}]} {
    %eq3A = arith.constant 0 : i32
    %eq3A_0 = arith.cmpi eq, %arg0, %eq3A : i32
    %convert_element_type3A = arith.extui %eq3A_0 : i1 to i32
    %cond3A = arith.constant 0 : i32
    %cond3A_1 = arith.cmpi ne, %convert_element_type3A, %cond3A : i32
    scf.if %cond3A_1 {
      %broadcast_in_dim3A_183 = arith.constant 0.000000e+00 : f32
      %broadcast_in_dim3A_184 = vector.broadcast %broadcast_in_dim3A_183 : f32 to vector<6x128xf32>
      %swap3A_185 = arith.constant 0 : index
      %swap3A_186 = arith.constant 0 : index
      %swap3A_187 = vector.load %arg4[%swap3A_185, %swap3A_186] : memref<6x128xf32, #tpu.memory_space<vmem>>, vector<6x128xf32>
      tpu.vector_store %arg4[%swap3A_185, %swap3A_186], %broadcast_in_dim3A_184 {strides = array<i32>} : memref<6x128xf32, #tpu.memory_space<vmem>>, vector<6x128xf32>,
    } else {
    }
    %get3A = arith.constant 0 : index
    %get3A_2 = arith.constant 0 : index
    %get3A_3 = vector.load %arg2[%get3A, %get3A_2] : memref<1x512xf32, #tpu.memory_space<vmem>>, vector<1x512xf32>
    %broadcast_in_dim3A = vector.shape_cast %get3A_3 : vector<1x512xf32> to vector<1x512xf32>
    %broadcast_in_dim3A_4 = vector.broadcast %broadcast_in_dim3A : vector<1x512xf32> to vector<6x512xf32>
    %get3A_5 = arith.constant 0 : index
    %get3A_6 = arith.constant 0 : index
    %get3A_7 = vector.load %arg1[%get3A_5, %get3A_6] : memref<6x512xf32, #tpu.memory_space<vmem>>, vector<6x512xf32>
    %broadcast_in_dim3A_8 = arith.constant 0.000000e+00 : f32
    %broadcast_in_dim3A_9 = vector.broadcast %broadcast_in_dim3A_8 : f32 to vector<6x1xf32>
    %slice3A = vector.extract_strided_slice %get3A_7 {offsets = [0, 0], sizes = [6, 511], strides = [1, 1]} : vector<6x512xf32> to vector<6x511xf32>
    %concatenate3A = tpu.concatenate %broadcast_in_dim3A_9, %slice3A in 1 : vector<6x1xf32>, vector<6x511xf32> -> vector<6x512xf32>
    %broadcast_in_dim3A_10 = arith.constant 1.000000e+00 : f32
    %broadcast_in_dim3A_11 = vector.broadcast %broadcast_in_dim3A_10 : f32 to vector<6x1xf32>
    %slice3A_12 = vector.extract_strided_slice %broadcast_in_dim3A_4 {offsets = [0, 0], sizes = [6, 511], strides = [1, 1]} : vector<6x512xf32> to vector<6x511xf32>
    %concatenate3A_13 = tpu.concatenate %broadcast_in_dim3A_11, %slice3A_12 in 1 : vector<6x1xf32>, vector<6x511xf32> -> vector<6x512xf32>
    %broadcast_in_dim3A_14 = arith.constant 0.000000e+00 : f32
    %broadcast_in_dim3A_15 = vector.broadcast %broadcast_in_dim3A_14 : f32 to vector<6x1xf32>
    %slice3A_16 = vector.extract_strided_slice %broadcast_in_dim3A_4 {offsets = [0, 0], sizes = [6, 511], strides = [1, 1]} : vector<6x512xf32> to vector<6x511xf32>
    %concatenate3A_17 = tpu.concatenate %broadcast_in_dim3A_15, %slice3A_16 in 1 : vector<6x1xf32>, vector<6x511xf32> -> vector<6x512xf32>
    %gt3A = arith.constant 5.000000e-01 : f32
    %gt3A_18 = vector.broadcast %gt3A : f32 to vector<6x512xf32>
    %gt3A_19 = arith.cmpf ogt, %broadcast_in_dim3A_4, %gt3A_18 : vector<6x512xf32>
    %add3A = arith.addf %get3A_7, %concatenate3A : vector<6x512xf32>
    %select_n3A = arith.select %gt3A_19, %get3A_7, %add3A : vector<6x512xi1>, vector<6x512xf32>
    %max3A = arith.maximumf %broadcast_in_dim3A_4, %concatenate3A_13 : vector<6x512xf32>
    %max3A_20 = arith.maximumf %broadcast_in_dim3A_4, %concatenate3A_17 : vector<6x512xf32>
    %broadcast_in_dim3A_21 = arith.constant 0.000000e+00 : f32
    %broadcast_in_dim3A_22 = vector.broadcast %broadcast_in_dim3A_21 : f32 to vector<6x2xf32>
    %slice3A_23 = vector.extract_strided_slice %select_n3A {offsets = [0, 0], sizes = [6, 510], strides = [1, 1]} : vector<6x512xf32> to vector<6x510xf32>
    %concatenate3A_24 = tpu.concatenate %broadcast_in_dim3A_22, %slice3A_23 in 1 : vector<6x2xf32>, vector<6x510xf32> -> vector<6x512xf32>
    %broadcast_in_dim3A_25 = arith.constant 1.000000e+00 : f32
    %broadcast_in_dim3A_26 = vector.broadcast %broadcast_in_dim3A_25 : f32 to vector<6x2xf32>
    %slice3A_27 = vector.extract_strided_slice %max3A {offsets = [0, 0], sizes = [6, 510], strides = [1, 1]} : vector<6x512xf32> to vector<6x510xf32>
    %concatenate3A_28 = tpu.concatenate %broadcast_in_dim3A_26, %slice3A_27 in 1 : vector<6x2xf32>, vector<6x510xf32> -> vector<6x512xf32>
    %broadcast_in_dim3A_29 = arith.constant 0.000000e+00 : f32
    %broadcast_in_dim3A_30 = vector.broadcast %broadcast_in_dim3A_29 : f32 to vector<6x2xf32>
    %slice3A_31 = vector.extract_strided_slice %max3A_20 {offsets = [0, 0], sizes = [6, 510], strides = [1, 1]} : vector<6x512xf32> to vector<6x510xf32>
    %concatenate3A_32 = tpu.concatenate %broadcast_in_dim3A_30, %slice3A_31 in 1 : vector<6x2xf32>, vector<6x510xf32> -> vector<6x512xf32>
    %gt3A_33 = arith.constant 5.000000e-01 : f32
    %gt3A_34 = vector.broadcast %gt3A_33 : f32 to vector<6x512xf32>
    %gt3A_35 = arith.cmpf ogt, %max3A, %gt3A_34 : vector<6x512xf32>
    %add3A_36 = arith.addf %select_n3A, %concatenate3A_24 : vector<6x512xf32>
    %select_n3A_37 = arith.select %gt3A_35, %select_n3A, %add3A_36 : vector<6x512xi1>, vector<6x512xf32>
    %max3A_38 = arith.maximumf %max3A, %concatenate3A_28 : vector<6x512xf32>
    %max3A_39 = arith.maximumf %max3A_20, %concatenate3A_32 : vector<6x512xf32>
    %broadcast_in_dim3A_40 = arith.constant 0.000000e+00 : f32
    %broadcast_in_dim3A_41 = vector.broadcast %broadcast_in_dim3A_40 : f32 to vector<6x4xf32>
    %slice3A_42 = vector.extract_strided_slice %select_n3A_37 {offsets = [0, 0], sizes = [6, 508], strides = [1, 1]} : vector<6x512xf32> to vector<6x508xf32>
    %concatenate3A_43 = tpu.concatenate %broadcast_in_dim3A_41, %slice3A_42 in 1 : vector<6x4xf32>, vector<6x508xf32> -> vector<6x512xf32>
    %broadcast_in_dim3A_44 = arith.constant 1.000000e+00 : f32
    %broadcast_in_dim3A_45 = vector.broadcast %broadcast_in_dim3A_44 : f32 to vector<6x4xf32>
    %slice3A_46 = vector.extract_strided_slice %max3A_38 {offsets = [0, 0], sizes = [6, 508], strides = [1, 1]} : vector<6x512xf32> to vector<6x508xf32>
    %concatenate3A_47 = tpu.concatenate %broadcast_in_dim3A_45, %slice3A_46 in 1 : vector<6x4xf32>, vector<6x508xf32> -> vector<6x512xf32>
    %broadcast_in_dim3A_48 = arith.constant 0.000000e+00 : f32
    %broadcast_in_dim3A_49 = vector.broadcast %broadcast_in_dim3A_48 : f32 to vector<6x4xf32>
    %slice3A_50 = vector.extract_strided_slice %max3A_39 {offsets = [0, 0], sizes = [6, 508], strides = [1, 1]} : vector<6x512xf32> to vector<6x508xf32>
    %concatenate3A_51 = tpu.concatenate %broadcast_in_dim3A_49, %slice3A_50 in 1 : vector<6x4xf32>, vector<6x508xf32> -> vector<6x512xf32>
    %gt3A_52 = arith.constant 5.000000e-01 : f32
    %gt3A_53 = vector.broadcast %gt3A_52 : f32 to vector<6x512xf32>
    %gt3A_54 = arith.cmpf ogt, %max3A_38, %gt3A_53 : vector<6x512xf32>
    %add3A_55 = arith.addf %select_n3A_37, %concatenate3A_43 : vector<6x512xf32>
    %select_n3A_56 = arith.select %gt3A_54, %select_n3A_37, %add3A_55 : vector<6x512xi1>, vector<6x512xf32>
    %max3A_57 = arith.maximumf %max3A_38, %concatenate3A_47 : vector<6x512xf32>
    %max3A_58 = arith.maximumf %max3A_39, %concatenate3A_51 : vector<6x512xf32>
    %broadcast_in_dim3A_59 = arith.constant 0.000000e+00 : f32
    %broadcast_in_dim3A_60 = vector.broadcast %broadcast_in_dim3A_59 : f32 to vector<6x8xf32>
    %slice3A_61 = vector.extract_strided_slice %select_n3A_56 {offsets = [0, 0], sizes = [6, 504], strides = [1, 1]} : vector<6x512xf32> to vector<6x504xf32>
    %concatenate3A_62 = tpu.concatenate %broadcast_in_dim3A_60, %slice3A_61 in 1 : vector<6x8xf32>, vector<6x504xf32> -> vector<6x512xf32>
    %broadcast_in_dim3A_63 = arith.constant 1.000000e+00 : f32
    %broadcast_in_dim3A_64 = vector.broadcast %broadcast_in_dim3A_63 : f32 to vector<6x8xf32>
    %slice3A_65 = vector.extract_strided_slice %max3A_57 {offsets = [0, 0], sizes = [6, 504], strides = [1, 1]} : vector<6x512xf32> to vector<6x504xf32>
    %concatenate3A_66 = tpu.concatenate %broadcast_in_dim3A_64, %slice3A_65 in 1 : vector<6x8xf32>, vector<6x504xf32> -> vector<6x512xf32>
    %broadcast_in_dim3A_67 = arith.constant 0.000000e+00 : f32
    %broadcast_in_dim3A_68 = vector.broadcast %broadcast_in_dim3A_67 : f32 to vector<6x8xf32>
    %slice3A_69 = vector.extract_strided_slice %max3A_58 {offsets = [0, 0], sizes = [6, 504], strides = [1, 1]} : vector<6x512xf32> to vector<6x504xf32>
    %concatenate3A_70 = tpu.concatenate %broadcast_in_dim3A_68, %slice3A_69 in 1 : vector<6x8xf32>, vector<6x504xf32> -> vector<6x512xf32>
    %gt3A_71 = arith.constant 5.000000e-01 : f32
    %gt3A_72 = vector.broadcast %gt3A_71 : f32 to vector<6x512xf32>
    %gt3A_73 = arith.cmpf ogt, %max3A_57, %gt3A_72 : vector<6x512xf32>
    %add3A_74 = arith.addf %select_n3A_56, %concatenate3A_62 : vector<6x512xf32>
    %select_n3A_75 = arith.select %gt3A_73, %select_n3A_56, %add3A_74 : vector<6x512xi1>, vector<6x512xf32>
    %max3A_76 = arith.maximumf %max3A_57, %concatenate3A_66 : vector<6x512xf32>
    %max3A_77 = arith.maximumf %max3A_58, %concatenate3A_70 : vector<6x512xf32>
    %broadcast_in_dim3A_78 = arith.constant 0.000000e+00 : f32
    %broadcast_in_dim3A_79 = vector.broadcast %broadcast_in_dim3A_78 : f32 to vector<6x16xf32>
    %slice3A_80 = vector.extract_strided_slice %select_n3A_75 {offsets = [0, 0], sizes = [6, 496], strides = [1, 1]} : vector<6x512xf32> to vector<6x496xf32>
    %concatenate3A_81 = tpu.concatenate %broadcast_in_dim3A_79, %slice3A_80 in 1 : vector<6x16xf32>, vector<6x496xf32> -> vector<6x512xf32>
    %broadcast_in_dim3A_82 = arith.constant 1.000000e+00 : f32
    %broadcast_in_dim3A_83 = vector.broadcast %broadcast_in_dim3A_82 : f32 to vector<6x16xf32>
    %slice3A_84 = vector.extract_strided_slice %max3A_76 {offsets = [0, 0], sizes = [6, 496], strides = [1, 1]} : vector<6x512xf32> to vector<6x496xf32>
    %concatenate3A_85 = tpu.concatenate %broadcast_in_dim3A_83, %slice3A_84 in 1 : vector<6x16xf32>, vector<6x496xf32> -> vector<6x512xf32>
    %broadcast_in_dim3A_86 = arith.constant 0.000000e+00 : f32
    %broadcast_in_dim3A_87 = vector.broadcast %broadcast_in_dim3A_86 : f32 to vector<6x16xf32>
    %slice3A_88 = vector.extract_strided_slice %max3A_77 {offsets = [0, 0], sizes = [6, 496], strides = [1, 1]} : vector<6x512xf32> to vector<6x496xf32>
    %concatenate3A_89 = tpu.concatenate %broadcast_in_dim3A_87, %slice3A_88 in 1 : vector<6x16xf32>, vector<6x496xf32> -> vector<6x512xf32>
    %gt3A_90 = arith.constant 5.000000e-01 : f32
    %gt3A_91 = vector.broadcast %gt3A_90 : f32 to vector<6x512xf32>
    %gt3A_92 = arith.cmpf ogt, %max3A_76, %gt3A_91 : vector<6x512xf32>
    %add3A_93 = arith.addf %select_n3A_75, %concatenate3A_81 : vector<6x512xf32>
    %select_n3A_94 = arith.select %gt3A_92, %select_n3A_75, %add3A_93 : vector<6x512xi1>, vector<6x512xf32>
    %max3A_95 = arith.maximumf %max3A_76, %concatenate3A_85 : vector<6x512xf32>
    %max3A_96 = arith.maximumf %max3A_77, %concatenate3A_89 : vector<6x512xf32>
    %broadcast_in_dim3A_97 = arith.constant 0.000000e+00 : f32
    %broadcast_in_dim3A_98 = vector.broadcast %broadcast_in_dim3A_97 : f32 to vector<6x32xf32>
    %slice3A_99 = vector.extract_strided_slice %select_n3A_94 {offsets = [0, 0], sizes = [6, 480], strides = [1, 1]} : vector<6x512xf32> to vector<6x480xf32>
    %concatenate3A_100 = tpu.concatenate %broadcast_in_dim3A_98, %slice3A_99 in 1 : vector<6x32xf32>, vector<6x480xf32> -> vector<6x512xf32>
    %broadcast_in_dim3A_101 = arith.constant 1.000000e+00 : f32
    %broadcast_in_dim3A_102 = vector.broadcast %broadcast_in_dim3A_101 : f32 to vector<6x32xf32>
    %slice3A_103 = vector.extract_strided_slice %max3A_95 {offsets = [0, 0], sizes = [6, 480], strides = [1, 1]} : vector<6x512xf32> to vector<6x480xf32>
    %concatenate3A_104 = tpu.concatenate %broadcast_in_dim3A_102, %slice3A_103 in 1 : vector<6x32xf32>, vector<6x480xf32> -> vector<6x512xf32>
    %broadcast_in_dim3A_105 = arith.constant 0.000000e+00 : f32
    %broadcast_in_dim3A_106 = vector.broadcast %broadcast_in_dim3A_105 : f32 to vector<6x32xf32>
    %slice3A_107 = vector.extract_strided_slice %max3A_96 {offsets = [0, 0], sizes = [6, 480], strides = [1, 1]} : vector<6x512xf32> to vector<6x480xf32>
    %concatenate3A_108 = tpu.concatenate %broadcast_in_dim3A_106, %slice3A_107 in 1 : vector<6x32xf32>, vector<6x480xf32> -> vector<6x512xf32>
    %gt3A_109 = arith.constant 5.000000e-01 : f32
    %gt3A_110 = vector.broadcast %gt3A_109 : f32 to vector<6x512xf32>
    %gt3A_111 = arith.cmpf ogt, %max3A_95, %gt3A_110 : vector<6x512xf32>
    %add3A_112 = arith.addf %select_n3A_94, %concatenate3A_100 : vector<6x512xf32>
    %select_n3A_113 = arith.select %gt3A_111, %select_n3A_94, %add3A_112 : vector<6x512xi1>, vector<6x512xf32>
    %max3A_114 = arith.maximumf %max3A_95, %concatenate3A_104 : vector<6x512xf32>
    %max3A_115 = arith.maximumf %max3A_96, %concatenate3A_108 : vector<6x512xf32>
    %broadcast_in_dim3A_116 = arith.constant 0.000000e+00 : f32
    %broadcast_in_dim3A_117 = vector.broadcast %broadcast_in_dim3A_116 : f32 to vector<6x64xf32>
    %slice3A_118 = vector.extract_strided_slice %select_n3A_113 {offsets = [0, 0], sizes = [6, 448], strides = [1, 1]} : vector<6x512xf32> to vector<6x448xf32>
    %concatenate3A_119 = tpu.concatenate %broadcast_in_dim3A_117, %slice3A_118 in 1 : vector<6x64xf32>, vector<6x448xf32> -> vector<6x512xf32>
    %broadcast_in_dim3A_120 = arith.constant 1.000000e+00 : f32
    %broadcast_in_dim3A_121 = vector.broadcast %broadcast_in_dim3A_120 : f32 to vector<6x64xf32>
    %slice3A_122 = vector.extract_strided_slice %max3A_114 {offsets = [0, 0], sizes = [6, 448], strides = [1, 1]} : vector<6x512xf32> to vector<6x448xf32>
    %concatenate3A_123 = tpu.concatenate %broadcast_in_dim3A_121, %slice3A_122 in 1 : vector<6x64xf32>, vector<6x448xf32> -> vector<6x512xf32>
    %broadcast_in_dim3A_124 = arith.constant 0.000000e+00 : f32
    %broadcast_in_dim3A_125 = vector.broadcast %broadcast_in_dim3A_124 : f32 to vector<6x64xf32>
    %slice3A_126 = vector.extract_strided_slice %max3A_115 {offsets = [0, 0], sizes = [6, 448], strides = [1, 1]} : vector<6x512xf32> to vector<6x448xf32>
    %concatenate3A_127 = tpu.concatenate %broadcast_in_dim3A_125, %slice3A_126 in 1 : vector<6x64xf32>, vector<6x448xf32> -> vector<6x512xf32>
    %gt3A_128 = arith.constant 5.000000e-01 : f32
    %gt3A_129 = vector.broadcast %gt3A_128 : f32 to vector<6x512xf32>
    %gt3A_130 = arith.cmpf ogt, %max3A_114, %gt3A_129 : vector<6x512xf32>
    %add3A_131 = arith.addf %select_n3A_113, %concatenate3A_119 : vector<6x512xf32>
    %select_n3A_132 = arith.select %gt3A_130, %select_n3A_113, %add3A_131 : vector<6x512xi1>, vector<6x512xf32>
    %max3A_133 = arith.maximumf %max3A_114, %concatenate3A_123 : vector<6x512xf32>
    %max3A_134 = arith.maximumf %max3A_115, %concatenate3A_127 : vector<6x512xf32>
    %broadcast_in_dim3A_135 = arith.constant 0.000000e+00 : f32
    %broadcast_in_dim3A_136 = vector.broadcast %broadcast_in_dim3A_135 : f32 to vector<6x128xf32>
    %slice3A_137 = vector.extract_strided_slice %select_n3A_132 {offsets = [0, 0], sizes = [6, 384], strides = [1, 1]} : vector<6x512xf32> to vector<6x384xf32>
    %concatenate3A_138 = tpu.concatenate %broadcast_in_dim3A_136, %slice3A_137 in 1 : vector<6x128xf32>, vector<6x384xf32> -> vector<6x512xf32>
    %broadcast_in_dim3A_139 = arith.constant 1.000000e+00 : f32
    %broadcast_in_dim3A_140 = vector.broadcast %broadcast_in_dim3A_139 : f32 to vector<6x128xf32>
    %slice3A_141 = vector.extract_strided_slice %max3A_133 {offsets = [0, 0], sizes = [6, 384], strides = [1, 1]} : vector<6x512xf32> to vector<6x384xf32>
    %concatenate3A_142 = tpu.concatenate %broadcast_in_dim3A_140, %slice3A_141 in 1 : vector<6x128xf32>, vector<6x384xf32> -> vector<6x512xf32>
    %broadcast_in_dim3A_143 = arith.constant 0.000000e+00 : f32
    %broadcast_in_dim3A_144 = vector.broadcast %broadcast_in_dim3A_143 : f32 to vector<6x128xf32>
    %slice3A_145 = vector.extract_strided_slice %max3A_134 {offsets = [0, 0], sizes = [6, 384], strides = [1, 1]} : vector<6x512xf32> to vector<6x384xf32>
    %concatenate3A_146 = tpu.concatenate %broadcast_in_dim3A_144, %slice3A_145 in 1 : vector<6x128xf32>, vector<6x384xf32> -> vector<6x512xf32>
    %gt3A_147 = arith.constant 5.000000e-01 : f32
    %gt3A_148 = vector.broadcast %gt3A_147 : f32 to vector<6x512xf32>
    %gt3A_149 = arith.cmpf ogt, %max3A_133, %gt3A_148 : vector<6x512xf32>
    %add3A_150 = arith.addf %select_n3A_132, %concatenate3A_138 : vector<6x512xf32>
    %select_n3A_151 = arith.select %gt3A_149, %select_n3A_132, %add3A_150 : vector<6x512xi1>, vector<6x512xf32>
    %max3A_152 = arith.maximumf %max3A_133, %concatenate3A_142 : vector<6x512xf32>
    %max3A_153 = arith.maximumf %max3A_134, %concatenate3A_146 : vector<6x512xf32>
    %broadcast_in_dim3A_154 = arith.constant 0.000000e+00 : f32
    %broadcast_in_dim3A_155 = vector.broadcast %broadcast_in_dim3A_154 : f32 to vector<6x256xf32>
    %slice3A_156 = vector.extract_strided_slice %select_n3A_151 {offsets = [0, 0], sizes = [6, 256], strides = [1, 1]} : vector<6x512xf32> to vector<6x256xf32>
    %concatenate3A_157 = tpu.concatenate %broadcast_in_dim3A_155, %slice3A_156 in 1 : vector<6x256xf32>, vector<6x256xf32> -> vector<6x512xf32>
    %broadcast_in_dim3A_158 = arith.constant 0.000000e+00 : f32
    %broadcast_in_dim3A_159 = vector.broadcast %broadcast_in_dim3A_158 : f32 to vector<6x256xf32>
    %slice3A_160 = vector.extract_strided_slice %max3A_153 {offsets = [0, 0], sizes = [6, 256], strides = [1, 1]} : vector<6x512xf32> to vector<6x256xf32>
    %concatenate3A_161 = tpu.concatenate %broadcast_in_dim3A_159, %slice3A_160 in 1 : vector<6x256xf32>, vector<6x256xf32> -> vector<6x512xf32>
    %gt3A_162 = arith.constant 5.000000e-01 : f32
    %gt3A_163 = vector.broadcast %gt3A_162 : f32 to vector<6x512xf32>
    %gt3A_164 = arith.cmpf ogt, %max3A_152, %gt3A_163 : vector<6x512xf32>
    %add3A_165 = arith.addf %select_n3A_151, %concatenate3A_157 : vector<6x512xf32>
    %select_n3A_166 = arith.select %gt3A_164, %select_n3A_151, %add3A_165 : vector<6x512xi1>, vector<6x512xf32>
    %max3A_167 = arith.maximumf %max3A_153, %concatenate3A_161 : vector<6x512xf32>
    %gt3A_168 = arith.constant 5.000000e-01 : f32
    %gt3A_169 = vector.broadcast %gt3A_168 : f32 to vector<6x512xf32>
    %gt3A_170 = arith.cmpf ogt, %max3A_167, %gt3A_169 : vector<6x512xf32>
    %get3A_171 = arith.constant 0 : index
    %get3A_172 = arith.constant 0 : index
    %get3A_173 = vector.load %arg4[%get3A_171, %get3A_172] : memref<6x128xf32, #tpu.memory_space<vmem>>, vector<6x1xf32>
    %add3A_174 = vector.broadcast %get3A_173 : vector<6x1xf32> to vector<6x512xf32>
    %add3A_175 = arith.addf %select_n3A_166, %add3A_174 : vector<6x512xf32>
    %select_n3A_176 = arith.select %gt3A_170, %select_n3A_166, %add3A_175 : vector<6x512xi1>, vector<6x512xf32>
    %slice3A_177 = vector.extract_strided_slice %select_n3A_176 {offsets = [0, 511], sizes = [6, 1], strides = [1, 1]} : vector<6x512xf32> to vector<6x1xf32>
    %swap3A = arith.constant 0 : index
    %swap3A_178 = arith.constant 0 : index
    %swap3A_179 = vector.load %arg4[%swap3A, %swap3A_178] : memref<6x128xf32, #tpu.memory_space<vmem>>, vector<6x1xf32>
    tpu.vector_store %arg4[%swap3A, %swap3A_178], %slice3A_177 {strides = array<i32>} : memref<6x128xf32, #tpu.memory_space<vmem>>, vector<6x1xf32>,
    %swap3A_180 = arith.constant 0 : index
    %swap3A_181 = arith.constant 0 : index
    %swap3A_182 = vector.load %arg3[%swap3A_180, %swap3A_181] : memref<6x512xf32, #tpu.memory_space<vmem>>, vector<6x512xf32>
    tpu.vector_store %arg3[%swap3A_180, %swap3A_181], %select_n3A_176 {strides = array<i32>} : memref<6x512xf32, #tpu.memory_space<vmem>>, vector<6x512xf32>,
    return
  }
  func.func @transform_0(%arg0: i32) -> (i32, i32) {
    %c0_i32 = arith.constant 0 : i32
    %c0_i32_0 = arith.constant 0 : i32
    return %c0_i32, %arg0 : i32, i32
  }
  func.func @transform_1(%arg0: i32) -> (i32, i32) {
    %c0_i32 = arith.constant 0 : i32
    %c0_i32_0 = arith.constant 0 : i32
    return %c0_i32, %arg0 : i32, i32
  }
  func.func @transform_2(%arg0: i32) -> (i32, i32) {
    %c0_i32 = arith.constant 0 : i32
    %c0_i32_0 = arith.constant 0 : i32
    return %c0_i32, %arg0 : i32, i32
  }
}

module attributes {stable_mosaic.version = 14 : i64} {
  func.func @_scan_bwd_sum_alpha(%arg0: i32, %arg1: memref<6x512xf32, #tpu.memory_space<vmem>>, %arg2: memref<1x512xf32, #tpu.memory_space<vmem>>, %arg3: memref<6x512xf32, #tpu.memory_space<vmem>>, %arg4: memref<6x512xf32, #tpu.memory_space<vmem>>, %arg5: memref<6x128xf32, #tpu.memory_space<vmem>>) attributes {dimension_semantics = [#tpu.dimension_semantics<arbitrary>], iteration_bounds = array<i64: 100>, scalar_prefetch = 0 : i64, scratch_operands = 1 : i64, tpu.core_type = #tpu.core_type<tc>, window_params = [{transform_indices = @transform_0, window_bounds = array<i64: 6, 512>}, {transform_indices = @transform_1, window_bounds = array<i64: 1, 512>}, {transform_indices = @transform_2, window_bounds = array<i64: 6, 512>}, {transform_indices = @transform_3, window_bounds = array<i64: 6, 512>}]} {
    %eq3A = arith.constant 0 : i32
    %eq3A_0 = arith.cmpi eq, %arg0, %eq3A : i32
    %convert_element_type3A = arith.extui %eq3A_0 : i1 to i32
    %cond3A = arith.constant 0 : i32
    %cond3A_1 = arith.cmpi ne, %convert_element_type3A, %cond3A : i32
    scf.if %cond3A_1 {
      %broadcast_in_dim3A_187 = arith.constant 0.000000e+00 : f32
      %broadcast_in_dim3A_188 = vector.broadcast %broadcast_in_dim3A_187 : f32 to vector<6x128xf32>
      %swap3A_189 = arith.constant 0 : index
      %swap3A_190 = arith.constant 0 : index
      %swap3A_191 = vector.load %arg5[%swap3A_189, %swap3A_190] : memref<6x128xf32, #tpu.memory_space<vmem>>, vector<6x128xf32>
      tpu.vector_store %arg5[%swap3A_189, %swap3A_190], %broadcast_in_dim3A_188 {strides = array<i32>} : memref<6x128xf32, #tpu.memory_space<vmem>>, vector<6x128xf32>,
    } else {
    }
    %get3A = arith.constant 0 : index
    %get3A_2 = arith.constant 0 : index
    %get3A_3 = vector.load %arg2[%get3A, %get3A_2] : memref<1x512xf32, #tpu.memory_space<vmem>>, vector<1x512xf32>
    %broadcast_in_dim3A = vector.shape_cast %get3A_3 : vector<1x512xf32> to vector<1x512xf32>
    %broadcast_in_dim3A_4 = vector.broadcast %broadcast_in_dim3A : vector<1x512xf32> to vector<6x512xf32>
    %get3A_5 = arith.constant 0 : index
    %get3A_6 = arith.constant 0 : index
    %get3A_7 = vector.load %arg1[%get3A_5, %get3A_6] : memref<6x512xf32, #tpu.memory_space<vmem>>, vector<6x512xf32>
    %slice3A = vector.extract_strided_slice %get3A_7 {offsets = [0, 1], sizes = [6, 511], strides = [1, 1]} : vector<6x512xf32> to vector<6x511xf32>
    %broadcast_in_dim3A_8 = arith.constant 0.000000e+00 : f32
    %broadcast_in_dim3A_9 = vector.broadcast %broadcast_in_dim3A_8 : f32 to vector<6x1xf32>
    %concatenate3A = tpu.concatenate %slice3A, %broadcast_in_dim3A_9 in 1 : vector<6x511xf32>, vector<6x1xf32> -> vector<6x512xf32>
    %slice3A_10 = vector.extract_strided_slice %broadcast_in_dim3A_4 {offsets = [0, 1], sizes = [6, 511], strides = [1, 1]} : vector<6x512xf32> to vector<6x511xf32>
    %broadcast_in_dim3A_11 = arith.constant 1.000000e+00 : f32
    %broadcast_in_dim3A_12 = vector.broadcast %broadcast_in_dim3A_11 : f32 to vector<6x1xf32>
    %concatenate3A_13 = tpu.concatenate %slice3A_10, %broadcast_in_dim3A_12 in 1 : vector<6x511xf32>, vector<6x1xf32> -> vector<6x512xf32>
    %slice3A_14 = vector.extract_strided_slice %broadcast_in_dim3A_4 {offsets = [0, 1], sizes = [6, 511], strides = [1, 1]} : vector<6x512xf32> to vector<6x511xf32>
    %broadcast_in_dim3A_15 = arith.constant 0.000000e+00 : f32
    %broadcast_in_dim3A_16 = vector.broadcast %broadcast_in_dim3A_15 : f32 to vector<6x1xf32>
    %concatenate3A_17 = tpu.concatenate %slice3A_14, %broadcast_in_dim3A_16 in 1 : vector<6x511xf32>, vector<6x1xf32> -> vector<6x512xf32>
    %gt3A = arith.constant 5.000000e-01 : f32
    %gt3A_18 = vector.broadcast %gt3A : f32 to vector<6x512xf32>
    %gt3A_19 = arith.cmpf ogt, %broadcast_in_dim3A_4, %gt3A_18 : vector<6x512xf32>
    %add3A = arith.addf %get3A_7, %concatenate3A : vector<6x512xf32>
    %select_n3A = arith.select %gt3A_19, %get3A_7, %add3A : vector<6x512xi1>, vector<6x512xf32>
    %max3A = arith.maximumf %broadcast_in_dim3A_4, %concatenate3A_13 : vector<6x512xf32>
    %max3A_20 = arith.maximumf %broadcast_in_dim3A_4, %concatenate3A_17 : vector<6x512xf32>
    %slice3A_21 = vector.extract_strided_slice %select_n3A {offsets = [0, 2], sizes = [6, 510], strides = [1, 1]} : vector<6x512xf32> to vector<6x510xf32>
    %broadcast_in_dim3A_22 = arith.constant 0.000000e+00 : f32
    %broadcast_in_dim3A_23 = vector.broadcast %broadcast_in_dim3A_22 : f32 to vector<6x2xf32>
    %concatenate3A_24 = tpu.concatenate %slice3A_21, %broadcast_in_dim3A_23 in 1 : vector<6x510xf32>, vector<6x2xf32> -> vector<6x512xf32>
    %slice3A_25 = vector.extract_strided_slice %max3A {offsets = [0, 2], sizes = [6, 510], strides = [1, 1]} : vector<6x512xf32> to vector<6x510xf32>
    %broadcast_in_dim3A_26 = arith.constant 1.000000e+00 : f32
    %broadcast_in_dim3A_27 = vector.broadcast %broadcast_in_dim3A_26 : f32 to vector<6x2xf32>
    %concatenate3A_28 = tpu.concatenate %slice3A_25, %broadcast_in_dim3A_27 in 1 : vector<6x510xf32>, vector<6x2xf32> -> vector<6x512xf32>
    %slice3A_29 = vector.extract_strided_slice %max3A_20 {offsets = [0, 2], sizes = [6, 510], strides = [1, 1]} : vector<6x512xf32> to vector<6x510xf32>
    %broadcast_in_dim3A_30 = arith.constant 0.000000e+00 : f32
    %broadcast_in_dim3A_31 = vector.broadcast %broadcast_in_dim3A_30 : f32 to vector<6x2xf32>
    %concatenate3A_32 = tpu.concatenate %slice3A_29, %broadcast_in_dim3A_31 in 1 : vector<6x510xf32>, vector<6x2xf32> -> vector<6x512xf32>
    %gt3A_33 = arith.constant 5.000000e-01 : f32
    %gt3A_34 = vector.broadcast %gt3A_33 : f32 to vector<6x512xf32>
    %gt3A_35 = arith.cmpf ogt, %max3A, %gt3A_34 : vector<6x512xf32>
    %add3A_36 = arith.addf %select_n3A, %concatenate3A_24 : vector<6x512xf32>
    %select_n3A_37 = arith.select %gt3A_35, %select_n3A, %add3A_36 : vector<6x512xi1>, vector<6x512xf32>
    %max3A_38 = arith.maximumf %max3A, %concatenate3A_28 : vector<6x512xf32>
    %max3A_39 = arith.maximumf %max3A_20, %concatenate3A_32 : vector<6x512xf32>
    %slice3A_40 = vector.extract_strided_slice %select_n3A_37 {offsets = [0, 4], sizes = [6, 508], strides = [1, 1]} : vector<6x512xf32> to vector<6x508xf32>
    %broadcast_in_dim3A_41 = arith.constant 0.000000e+00 : f32
    %broadcast_in_dim3A_42 = vector.broadcast %broadcast_in_dim3A_41 : f32 to vector<6x4xf32>
    %concatenate3A_43 = tpu.concatenate %slice3A_40, %broadcast_in_dim3A_42 in 1 : vector<6x508xf32>, vector<6x4xf32> -> vector<6x512xf32>
    %slice3A_44 = vector.extract_strided_slice %max3A_38 {offsets = [0, 4], sizes = [6, 508], strides = [1, 1]} : vector<6x512xf32> to vector<6x508xf32>
    %broadcast_in_dim3A_45 = arith.constant 1.000000e+00 : f32
    %broadcast_in_dim3A_46 = vector.broadcast %broadcast_in_dim3A_45 : f32 to vector<6x4xf32>
    %concatenate3A_47 = tpu.concatenate %slice3A_44, %broadcast_in_dim3A_46 in 1 : vector<6x508xf32>, vector<6x4xf32> -> vector<6x512xf32>
    %slice3A_48 = vector.extract_strided_slice %max3A_39 {offsets = [0, 4], sizes = [6, 508], strides = [1, 1]} : vector<6x512xf32> to vector<6x508xf32>
    %broadcast_in_dim3A_49 = arith.constant 0.000000e+00 : f32
    %broadcast_in_dim3A_50 = vector.broadcast %broadcast_in_dim3A_49 : f32 to vector<6x4xf32>
    %concatenate3A_51 = tpu.concatenate %slice3A_48, %broadcast_in_dim3A_50 in 1 : vector<6x508xf32>, vector<6x4xf32> -> vector<6x512xf32>
    %gt3A_52 = arith.constant 5.000000e-01 : f32
    %gt3A_53 = vector.broadcast %gt3A_52 : f32 to vector<6x512xf32>
    %gt3A_54 = arith.cmpf ogt, %max3A_38, %gt3A_53 : vector<6x512xf32>
    %add3A_55 = arith.addf %select_n3A_37, %concatenate3A_43 : vector<6x512xf32>
    %select_n3A_56 = arith.select %gt3A_54, %select_n3A_37, %add3A_55 : vector<6x512xi1>, vector<6x512xf32>
    %max3A_57 = arith.maximumf %max3A_38, %concatenate3A_47 : vector<6x512xf32>
    %max3A_58 = arith.maximumf %max3A_39, %concatenate3A_51 : vector<6x512xf32>
    %slice3A_59 = vector.extract_strided_slice %select_n3A_56 {offsets = [0, 8], sizes = [6, 504], strides = [1, 1]} : vector<6x512xf32> to vector<6x504xf32>
    %broadcast_in_dim3A_60 = arith.constant 0.000000e+00 : f32
    %broadcast_in_dim3A_61 = vector.broadcast %broadcast_in_dim3A_60 : f32 to vector<6x8xf32>
    %concatenate3A_62 = tpu.concatenate %slice3A_59, %broadcast_in_dim3A_61 in 1 : vector<6x504xf32>, vector<6x8xf32> -> vector<6x512xf32>
    %slice3A_63 = vector.extract_strided_slice %max3A_57 {offsets = [0, 8], sizes = [6, 504], strides = [1, 1]} : vector<6x512xf32> to vector<6x504xf32>
    %broadcast_in_dim3A_64 = arith.constant 1.000000e+00 : f32
    %broadcast_in_dim3A_65 = vector.broadcast %broadcast_in_dim3A_64 : f32 to vector<6x8xf32>
    %concatenate3A_66 = tpu.concatenate %slice3A_63, %broadcast_in_dim3A_65 in 1 : vector<6x504xf32>, vector<6x8xf32> -> vector<6x512xf32>
    %slice3A_67 = vector.extract_strided_slice %max3A_58 {offsets = [0, 8], sizes = [6, 504], strides = [1, 1]} : vector<6x512xf32> to vector<6x504xf32>
    %broadcast_in_dim3A_68 = arith.constant 0.000000e+00 : f32
    %broadcast_in_dim3A_69 = vector.broadcast %broadcast_in_dim3A_68 : f32 to vector<6x8xf32>
    %concatenate3A_70 = tpu.concatenate %slice3A_67, %broadcast_in_dim3A_69 in 1 : vector<6x504xf32>, vector<6x8xf32> -> vector<6x512xf32>
    %gt3A_71 = arith.constant 5.000000e-01 : f32
    %gt3A_72 = vector.broadcast %gt3A_71 : f32 to vector<6x512xf32>
    %gt3A_73 = arith.cmpf ogt, %max3A_57, %gt3A_72 : vector<6x512xf32>
    %add3A_74 = arith.addf %select_n3A_56, %concatenate3A_62 : vector<6x512xf32>
    %select_n3A_75 = arith.select %gt3A_73, %select_n3A_56, %add3A_74 : vector<6x512xi1>, vector<6x512xf32>
    %max3A_76 = arith.maximumf %max3A_57, %concatenate3A_66 : vector<6x512xf32>
    %max3A_77 = arith.maximumf %max3A_58, %concatenate3A_70 : vector<6x512xf32>
    %slice3A_78 = vector.extract_strided_slice %select_n3A_75 {offsets = [0, 16], sizes = [6, 496], strides = [1, 1]} : vector<6x512xf32> to vector<6x496xf32>
    %broadcast_in_dim3A_79 = arith.constant 0.000000e+00 : f32
    %broadcast_in_dim3A_80 = vector.broadcast %broadcast_in_dim3A_79 : f32 to vector<6x16xf32>
    %concatenate3A_81 = tpu.concatenate %slice3A_78, %broadcast_in_dim3A_80 in 1 : vector<6x496xf32>, vector<6x16xf32> -> vector<6x512xf32>
    %slice3A_82 = vector.extract_strided_slice %max3A_76 {offsets = [0, 16], sizes = [6, 496], strides = [1, 1]} : vector<6x512xf32> to vector<6x496xf32>
    %broadcast_in_dim3A_83 = arith.constant 1.000000e+00 : f32
    %broadcast_in_dim3A_84 = vector.broadcast %broadcast_in_dim3A_83 : f32 to vector<6x16xf32>
    %concatenate3A_85 = tpu.concatenate %slice3A_82, %broadcast_in_dim3A_84 in 1 : vector<6x496xf32>, vector<6x16xf32> -> vector<6x512xf32>
    %slice3A_86 = vector.extract_strided_slice %max3A_77 {offsets = [0, 16], sizes = [6, 496], strides = [1, 1]} : vector<6x512xf32> to vector<6x496xf32>
    %broadcast_in_dim3A_87 = arith.constant 0.000000e+00 : f32
    %broadcast_in_dim3A_88 = vector.broadcast %broadcast_in_dim3A_87 : f32 to vector<6x16xf32>
    %concatenate3A_89 = tpu.concatenate %slice3A_86, %broadcast_in_dim3A_88 in 1 : vector<6x496xf32>, vector<6x16xf32> -> vector<6x512xf32>
    %gt3A_90 = arith.constant 5.000000e-01 : f32
    %gt3A_91 = vector.broadcast %gt3A_90 : f32 to vector<6x512xf32>
    %gt3A_92 = arith.cmpf ogt, %max3A_76, %gt3A_91 : vector<6x512xf32>
    %add3A_93 = arith.addf %select_n3A_75, %concatenate3A_81 : vector<6x512xf32>
    %select_n3A_94 = arith.select %gt3A_92, %select_n3A_75, %add3A_93 : vector<6x512xi1>, vector<6x512xf32>
    %max3A_95 = arith.maximumf %max3A_76, %concatenate3A_85 : vector<6x512xf32>
    %max3A_96 = arith.maximumf %max3A_77, %concatenate3A_89 : vector<6x512xf32>
    %slice3A_97 = vector.extract_strided_slice %select_n3A_94 {offsets = [0, 32], sizes = [6, 480], strides = [1, 1]} : vector<6x512xf32> to vector<6x480xf32>
    %broadcast_in_dim3A_98 = arith.constant 0.000000e+00 : f32
    %broadcast_in_dim3A_99 = vector.broadcast %broadcast_in_dim3A_98 : f32 to vector<6x32xf32>
    %concatenate3A_100 = tpu.concatenate %slice3A_97, %broadcast_in_dim3A_99 in 1 : vector<6x480xf32>, vector<6x32xf32> -> vector<6x512xf32>
    %slice3A_101 = vector.extract_strided_slice %max3A_95 {offsets = [0, 32], sizes = [6, 480], strides = [1, 1]} : vector<6x512xf32> to vector<6x480xf32>
    %broadcast_in_dim3A_102 = arith.constant 1.000000e+00 : f32
    %broadcast_in_dim3A_103 = vector.broadcast %broadcast_in_dim3A_102 : f32 to vector<6x32xf32>
    %concatenate3A_104 = tpu.concatenate %slice3A_101, %broadcast_in_dim3A_103 in 1 : vector<6x480xf32>, vector<6x32xf32> -> vector<6x512xf32>
    %slice3A_105 = vector.extract_strided_slice %max3A_96 {offsets = [0, 32], sizes = [6, 480], strides = [1, 1]} : vector<6x512xf32> to vector<6x480xf32>
    %broadcast_in_dim3A_106 = arith.constant 0.000000e+00 : f32
    %broadcast_in_dim3A_107 = vector.broadcast %broadcast_in_dim3A_106 : f32 to vector<6x32xf32>
    %concatenate3A_108 = tpu.concatenate %slice3A_105, %broadcast_in_dim3A_107 in 1 : vector<6x480xf32>, vector<6x32xf32> -> vector<6x512xf32>
    %gt3A_109 = arith.constant 5.000000e-01 : f32
    %gt3A_110 = vector.broadcast %gt3A_109 : f32 to vector<6x512xf32>
    %gt3A_111 = arith.cmpf ogt, %max3A_95, %gt3A_110 : vector<6x512xf32>
    %add3A_112 = arith.addf %select_n3A_94, %concatenate3A_100 : vector<6x512xf32>
    %select_n3A_113 = arith.select %gt3A_111, %select_n3A_94, %add3A_112 : vector<6x512xi1>, vector<6x512xf32>
    %max3A_114 = arith.maximumf %max3A_95, %concatenate3A_104 : vector<6x512xf32>
    %max3A_115 = arith.maximumf %max3A_96, %concatenate3A_108 : vector<6x512xf32>
    %slice3A_116 = vector.extract_strided_slice %select_n3A_113 {offsets = [0, 64], sizes = [6, 448], strides = [1, 1]} : vector<6x512xf32> to vector<6x448xf32>
    %broadcast_in_dim3A_117 = arith.constant 0.000000e+00 : f32
    %broadcast_in_dim3A_118 = vector.broadcast %broadcast_in_dim3A_117 : f32 to vector<6x64xf32>
    %concatenate3A_119 = tpu.concatenate %slice3A_116, %broadcast_in_dim3A_118 in 1 : vector<6x448xf32>, vector<6x64xf32> -> vector<6x512xf32>
    %slice3A_120 = vector.extract_strided_slice %max3A_114 {offsets = [0, 64], sizes = [6, 448], strides = [1, 1]} : vector<6x512xf32> to vector<6x448xf32>
    %broadcast_in_dim3A_121 = arith.constant 1.000000e+00 : f32
    %broadcast_in_dim3A_122 = vector.broadcast %broadcast_in_dim3A_121 : f32 to vector<6x64xf32>
    %concatenate3A_123 = tpu.concatenate %slice3A_120, %broadcast_in_dim3A_122 in 1 : vector<6x448xf32>, vector<6x64xf32> -> vector<6x512xf32>
    %slice3A_124 = vector.extract_strided_slice %max3A_115 {offsets = [0, 64], sizes = [6, 448], strides = [1, 1]} : vector<6x512xf32> to vector<6x448xf32>
    %broadcast_in_dim3A_125 = arith.constant 0.000000e+00 : f32
    %broadcast_in_dim3A_126 = vector.broadcast %broadcast_in_dim3A_125 : f32 to vector<6x64xf32>
    %concatenate3A_127 = tpu.concatenate %slice3A_124, %broadcast_in_dim3A_126 in 1 : vector<6x448xf32>, vector<6x64xf32> -> vector<6x512xf32>
    %gt3A_128 = arith.constant 5.000000e-01 : f32
    %gt3A_129 = vector.broadcast %gt3A_128 : f32 to vector<6x512xf32>
    %gt3A_130 = arith.cmpf ogt, %max3A_114, %gt3A_129 : vector<6x512xf32>
    %add3A_131 = arith.addf %select_n3A_113, %concatenate3A_119 : vector<6x512xf32>
    %select_n3A_132 = arith.select %gt3A_130, %select_n3A_113, %add3A_131 : vector<6x512xi1>, vector<6x512xf32>
    %max3A_133 = arith.maximumf %max3A_114, %concatenate3A_123 : vector<6x512xf32>
    %max3A_134 = arith.maximumf %max3A_115, %concatenate3A_127 : vector<6x512xf32>
    %slice3A_135 = vector.extract_strided_slice %select_n3A_132 {offsets = [0, 128], sizes = [6, 384], strides = [1, 1]} : vector<6x512xf32> to vector<6x384xf32>
    %broadcast_in_dim3A_136 = arith.constant 0.000000e+00 : f32
    %broadcast_in_dim3A_137 = vector.broadcast %broadcast_in_dim3A_136 : f32 to vector<6x128xf32>
    %concatenate3A_138 = tpu.concatenate %slice3A_135, %broadcast_in_dim3A_137 in 1 : vector<6x384xf32>, vector<6x128xf32> -> vector<6x512xf32>
    %slice3A_139 = vector.extract_strided_slice %max3A_133 {offsets = [0, 128], sizes = [6, 384], strides = [1, 1]} : vector<6x512xf32> to vector<6x384xf32>
    %broadcast_in_dim3A_140 = arith.constant 1.000000e+00 : f32
    %broadcast_in_dim3A_141 = vector.broadcast %broadcast_in_dim3A_140 : f32 to vector<6x128xf32>
    %concatenate3A_142 = tpu.concatenate %slice3A_139, %broadcast_in_dim3A_141 in 1 : vector<6x384xf32>, vector<6x128xf32> -> vector<6x512xf32>
    %slice3A_143 = vector.extract_strided_slice %max3A_134 {offsets = [0, 128], sizes = [6, 384], strides = [1, 1]} : vector<6x512xf32> to vector<6x384xf32>
    %broadcast_in_dim3A_144 = arith.constant 0.000000e+00 : f32
    %broadcast_in_dim3A_145 = vector.broadcast %broadcast_in_dim3A_144 : f32 to vector<6x128xf32>
    %concatenate3A_146 = tpu.concatenate %slice3A_143, %broadcast_in_dim3A_145 in 1 : vector<6x384xf32>, vector<6x128xf32> -> vector<6x512xf32>
    %gt3A_147 = arith.constant 5.000000e-01 : f32
    %gt3A_148 = vector.broadcast %gt3A_147 : f32 to vector<6x512xf32>
    %gt3A_149 = arith.cmpf ogt, %max3A_133, %gt3A_148 : vector<6x512xf32>
    %add3A_150 = arith.addf %select_n3A_132, %concatenate3A_138 : vector<6x512xf32>
    %select_n3A_151 = arith.select %gt3A_149, %select_n3A_132, %add3A_150 : vector<6x512xi1>, vector<6x512xf32>
    %max3A_152 = arith.maximumf %max3A_133, %concatenate3A_142 : vector<6x512xf32>
    %max3A_153 = arith.maximumf %max3A_134, %concatenate3A_146 : vector<6x512xf32>
    %slice3A_154 = vector.extract_strided_slice %select_n3A_151 {offsets = [0, 256], sizes = [6, 256], strides = [1, 1]} : vector<6x512xf32> to vector<6x256xf32>
    %broadcast_in_dim3A_155 = arith.constant 0.000000e+00 : f32
    %broadcast_in_dim3A_156 = vector.broadcast %broadcast_in_dim3A_155 : f32 to vector<6x256xf32>
    %concatenate3A_157 = tpu.concatenate %slice3A_154, %broadcast_in_dim3A_156 in 1 : vector<6x256xf32>, vector<6x256xf32> -> vector<6x512xf32>
    %slice3A_158 = vector.extract_strided_slice %max3A_153 {offsets = [0, 256], sizes = [6, 256], strides = [1, 1]} : vector<6x512xf32> to vector<6x256xf32>
    %broadcast_in_dim3A_159 = arith.constant 0.000000e+00 : f32
    %broadcast_in_dim3A_160 = vector.broadcast %broadcast_in_dim3A_159 : f32 to vector<6x256xf32>
    %concatenate3A_161 = tpu.concatenate %slice3A_158, %broadcast_in_dim3A_160 in 1 : vector<6x256xf32>, vector<6x256xf32> -> vector<6x512xf32>
    %gt3A_162 = arith.constant 5.000000e-01 : f32
    %gt3A_163 = vector.broadcast %gt3A_162 : f32 to vector<6x512xf32>
    %gt3A_164 = arith.cmpf ogt, %max3A_152, %gt3A_163 : vector<6x512xf32>
    %add3A_165 = arith.addf %select_n3A_151, %concatenate3A_157 : vector<6x512xf32>
    %select_n3A_166 = arith.select %gt3A_164, %select_n3A_151, %add3A_165 : vector<6x512xi1>, vector<6x512xf32>
    %max3A_167 = arith.maximumf %max3A_153, %concatenate3A_161 : vector<6x512xf32>
    %gt3A_168 = arith.constant 5.000000e-01 : f32
    %gt3A_169 = vector.broadcast %gt3A_168 : f32 to vector<6x512xf32>
    %gt3A_170 = arith.cmpf ogt, %max3A_167, %gt3A_169 : vector<6x512xf32>
    %get3A_171 = arith.constant 0 : index
    %get3A_172 = arith.constant 0 : index
    %get3A_173 = vector.load %arg5[%get3A_171, %get3A_172] : memref<6x128xf32, #tpu.memory_space<vmem>>, vector<6x1xf32>
    %add3A_174 = vector.broadcast %get3A_173 : vector<6x1xf32> to vector<6x512xf32>
    %add3A_175 = arith.addf %select_n3A_166, %add3A_174 : vector<6x512xf32>
    %select_n3A_176 = arith.select %gt3A_170, %select_n3A_166, %add3A_175 : vector<6x512xi1>, vector<6x512xf32>
    %slice3A_177 = vector.extract_strided_slice %select_n3A_176 {offsets = [0, 0], sizes = [6, 1], strides = [1, 1]} : vector<6x512xf32> to vector<6x1xf32>
    %swap3A = arith.constant 0 : index
    %swap3A_178 = arith.constant 0 : index
    %swap3A_179 = vector.load %arg5[%swap3A, %swap3A_178] : memref<6x128xf32, #tpu.memory_space<vmem>>, vector<6x1xf32>
    tpu.vector_store %arg5[%swap3A, %swap3A_178], %slice3A_177 {strides = array<i32>} : memref<6x128xf32, #tpu.memory_space<vmem>>, vector<6x1xf32>,
    %get3A_180 = arith.constant 0 : index
    %get3A_181 = arith.constant 0 : index
    %get3A_182 = vector.load %arg3[%get3A_180, %get3A_181] : memref<6x512xf32, #tpu.memory_space<vmem>>, vector<6x512xf32>
    %add3A_183 = arith.addf %select_n3A_176, %get3A_182 : vector<6x512xf32>
    %sub3A = arith.subf %add3A_183, %get3A_7 : vector<6x512xf32>
    %div3A = arith.divf %get3A_7, %sub3A : vector<6x512xf32>
    %swap3A_184 = arith.constant 0 : index
    %swap3A_185 = arith.constant 0 : index
    %swap3A_186 = vector.load %arg4[%swap3A_184, %swap3A_185] : memref<6x512xf32, #tpu.memory_space<vmem>>, vector<6x512xf32>
    tpu.vector_store %arg4[%swap3A_184, %swap3A_185], %div3A {strides = array<i32>} : memref<6x512xf32, #tpu.memory_space<vmem>>, vector<6x512xf32>,
    return
  }
  func.func @transform_0(%arg0: i32) -> (i32, i32) {
    %sub3A = arith.constant 99 : i32
    %sub3A_0 = arith.subi %sub3A, %arg0 : i32
    %c0_i32 = arith.constant 0 : i32
    %c0_i32_1 = arith.constant 0 : i32
    return %c0_i32, %sub3A_0 : i32, i32
  }
  func.func @transform_1(%arg0: i32) -> (i32, i32) {
    %sub3A = arith.constant 99 : i32
    %sub3A_0 = arith.subi %sub3A, %arg0 : i32
    %c0_i32 = arith.constant 0 : i32
    %c0_i32_1 = arith.constant 0 : i32
    return %c0_i32, %sub3A_0 : i32, i32
  }
  func.func @transform_2(%arg0: i32) -> (i32, i32) {
    %sub3A = arith.constant 99 : i32
    %sub3A_0 = arith.subi %sub3A, %arg0 : i32
    %c0_i32 = arith.constant 0 : i32
    %c0_i32_1 = arith.constant 0 : i32
    return %c0_i32, %sub3A_0 : i32, i32
  }
  func.func @transform_3(%arg0: i32) -> (i32, i32) {
    %sub3A = arith.constant 99 : i32
    %sub3A_0 = arith.subi %sub3A, %arg0 : i32
    %c0_i32 = arith.constant 0 : i32
    %c0_i32_1 = arith.constant 0 : i32
    return %c0_i32, %sub3A_0 : i32, i32
  }
}

module attributes {stable_mosaic.version = 14 : i64} {
  func.func @_weight_body(%arg0: i32, %arg1: memref<3072x128xf32, #tpu.memory_space<vmem>>, %arg2: memref<3072x1xf32, #tpu.memory_space<vmem>>, %arg3: memref<4x3072x32xf32, #tpu.memory_space<vmem>>) attributes {dimension_semantics = [#tpu.dimension_semantics<arbitrary>], iteration_bounds = array<i64: 100>, scalar_prefetch = 0 : i64, scratch_operands = 0 : i64, tpu.core_type = #tpu.core_type<tc>, window_params = [{transform_indices = @transform_0, window_bounds = array<i64: 3072, 128>}, {transform_indices = @transform_1, window_bounds = array<i64: 3072, 1>}, {transform_indices = @transform_2, window_bounds = array<i64: 4, 3072, 32>}]} {
    %get3A = arith.constant 0 : index
    %get3A_0 = arith.constant 0 : index
    %get3A_1 = vector.load %arg1[%get3A, %get3A_0] : memref<3072x128xf32, #tpu.memory_space<vmem>>, vector<3072x128xf32>
    %get3A_2 = arith.constant 0 : index
    %get3A_3 = arith.constant 0 : index
    %get3A_4 = vector.load %arg2[%get3A_2, %get3A_3] : memref<3072x1xf32, #tpu.memory_space<vmem>>, vector<3072x1xf32>
    %mul3A = vector.broadcast %get3A_4 : vector<3072x1xf32> to vector<3072x128xf32>
    %mul3A_5 = arith.mulf %get3A_1, %mul3A : vector<3072x128xf32>
    %slice3A = vector.extract_strided_slice %mul3A_5 {offsets = [0, 0], sizes = [3072, 32], strides = [1, 1]} : vector<3072x128xf32> to vector<3072x32xf32>
    %swap3A = arith.constant 0 : index
    %swap3A_6 = arith.constant 0 : index
    %swap3A_7 = arith.constant 0 : index
    %swap3A_8 = vector.load %arg3[%swap3A, %swap3A_6, %swap3A_7] : memref<4x3072x32xf32, #tpu.memory_space<vmem>>, vector<1x3072x32xf32>
    %swap3A_9 = vector.shape_cast %swap3A_8 : vector<1x3072x32xf32> to vector<3072x32xf32>
    %swap3A_10 = vector.shape_cast %slice3A : vector<3072x32xf32> to vector<1x3072x32xf32>
    tpu.vector_store %arg3[%swap3A, %swap3A_6, %swap3A_7], %swap3A_10 {strides = array<i32>} : memref<4x3072x32xf32, #tpu.memory_space<vmem>>, vector<1x3072x32xf32>,
    %slice3A_11 = vector.extract_strided_slice %mul3A_5 {offsets = [0, 32], sizes = [3072, 32], strides = [1, 1]} : vector<3072x128xf32> to vector<3072x32xf32>
    %swap3A_12 = arith.constant 1 : index
    %swap3A_13 = arith.constant 0 : index
    %swap3A_14 = arith.constant 0 : index
    %swap3A_15 = vector.load %arg3[%swap3A_12, %swap3A_13, %swap3A_14] : memref<4x3072x32xf32, #tpu.memory_space<vmem>>, vector<1x3072x32xf32>
    %swap3A_16 = vector.shape_cast %swap3A_15 : vector<1x3072x32xf32> to vector<3072x32xf32>
    %swap3A_17 = vector.shape_cast %slice3A_11 : vector<3072x32xf32> to vector<1x3072x32xf32>
    tpu.vector_store %arg3[%swap3A_12, %swap3A_13, %swap3A_14], %swap3A_17 {strides = array<i32>} : memref<4x3072x32xf32, #tpu.memory_space<vmem>>, vector<1x3072x32xf32>,
    %slice3A_18 = vector.extract_strided_slice %mul3A_5 {offsets = [0, 64], sizes = [3072, 32], strides = [1, 1]} : vector<3072x128xf32> to vector<3072x32xf32>
    %swap3A_19 = arith.constant 2 : index
    %swap3A_20 = arith.constant 0 : index
    %swap3A_21 = arith.constant 0 : index
    %swap3A_22 = vector.load %arg3[%swap3A_19, %swap3A_20, %swap3A_21] : memref<4x3072x32xf32, #tpu.memory_space<vmem>>, vector<1x3072x32xf32>
    %swap3A_23 = vector.shape_cast %swap3A_22 : vector<1x3072x32xf32> to vector<3072x32xf32>
    %swap3A_24 = vector.shape_cast %slice3A_18 : vector<3072x32xf32> to vector<1x3072x32xf32>
    tpu.vector_store %arg3[%swap3A_19, %swap3A_20, %swap3A_21], %swap3A_24 {strides = array<i32>} : memref<4x3072x32xf32, #tpu.memory_space<vmem>>, vector<1x3072x32xf32>,
    %slice3A_25 = vector.extract_strided_slice %mul3A_5 {offsets = [0, 96], sizes = [3072, 32], strides = [1, 1]} : vector<3072x128xf32> to vector<3072x32xf32>
    %swap3A_26 = arith.constant 3 : index
    %swap3A_27 = arith.constant 0 : index
    %swap3A_28 = arith.constant 0 : index
    %swap3A_29 = vector.load %arg3[%swap3A_26, %swap3A_27, %swap3A_28] : memref<4x3072x32xf32, #tpu.memory_space<vmem>>, vector<1x3072x32xf32>
    %swap3A_30 = vector.shape_cast %swap3A_29 : vector<1x3072x32xf32> to vector<3072x32xf32>
    %swap3A_31 = vector.shape_cast %slice3A_25 : vector<3072x32xf32> to vector<1x3072x32xf32>
    tpu.vector_store %arg3[%swap3A_26, %swap3A_27, %swap3A_28], %swap3A_31 {strides = array<i32>} : memref<4x3072x32xf32, #tpu.memory_space<vmem>>, vector<1x3072x32xf32>,
    return
  }
  func.func @transform_0(%arg0: i32) -> (i32, i32) {
    %c0_i32 = arith.constant 0 : i32
    %c0_i32_0 = arith.constant 0 : i32
    return %arg0, %c0_i32 : i32, i32
  }
  func.func @transform_1(%arg0: i32) -> (i32, i32) {
    %c0_i32 = arith.constant 0 : i32
    %c0_i32_0 = arith.constant 0 : i32
    return %arg0, %c0_i32 : i32, i32
  }
  func.func @transform_2(%arg0: i32) -> (i32, i32, i32) {
    %c0_i32 = arith.constant 0 : i32
    %c0_i32_0 = arith.constant 0 : i32
    %c0_i32_1 = arith.constant 0 : i32
    return %c0_i32, %arg0, %c0_i32_0 : i32, i32, i32
  }
}

module attributes {stable_mosaic.version = 14 : i64} {
  func.func @_node_body(%arg0: i32, %arg1: memref<1200x128xf32, #tpu.memory_space<vmem>>, %arg2: memref<1200x128xf32, #tpu.memory_space<vmem>>, %arg3: memref<128x384xf32, #tpu.memory_space<vmem>>, %arg4: memref<1x384xf32, #tpu.memory_space<vmem>>, %arg5: memref<128x384xf32, #tpu.memory_space<vmem>>, %arg6: memref<1x384xf32, #tpu.memory_space<vmem>>, %arg7: memref<128x128xf32, #tpu.memory_space<vmem>>, %arg8: memref<1200x128xf32, #tpu.memory_space<vmem>>, %arg9: memref<1x128xf32, #tpu.memory_space<vmem>>, %arg10: memref<1x128xf32, #tpu.memory_space<vmem>>, %arg11: memref<1x128xf32, #tpu.memory_space<vmem>>, %arg12: memref<128x128xf32, #tpu.memory_space<vmem>>, %arg13: memref<1x128xf32, #tpu.memory_space<vmem>>, %arg14: memref<1x128xf32, #tpu.memory_space<vmem>>, %arg15: memref<1x128xf32, #tpu.memory_space<vmem>>, %arg16: memref<128x128xf32, #tpu.memory_space<vmem>>, %arg17: memref<1200x128xf32, #tpu.memory_space<vmem>>, %arg18: memref<1x128xf32, #tpu.memory_space<vmem>>, %arg19: memref<1x128xf32, #tpu.memory_space<vmem>>, %arg20: memref<1x128xf32, #tpu.memory_space<vmem>>, %arg21: memref<128x60xf32, #tpu.memory_space<vmem>>, %arg22: memref<1x60xf32, #tpu.memory_space<vmem>>, %arg23: memref<1200x60xf32, #tpu.memory_space<vmem>>, %arg24: memref<128x128xf32, #tpu.memory_space<vmem>>, %arg25: memref<1200x128xf32, #tpu.memory_space<vmem>>, %arg26: memref<1200x60xf32, #tpu.memory_space<vmem>>) attributes {dimension_semantics = [#tpu.dimension_semantics<arbitrary>], iteration_bounds = array<i64: 25>, scalar_prefetch = 0 : i64, scratch_operands = 0 : i64, tpu.core_type = #tpu.core_type<tc>, window_params = [{transform_indices = @transform_0, window_bounds = array<i64: 1200, 128>}, {transform_indices = @transform_1, window_bounds = array<i64: 1200, 128>}, {pipeline_mode = #tpu.pipeline_mode<synchronous>, transform_indices = @transform_2, window_bounds = array<i64: 128, 384>}, {pipeline_mode = #tpu.pipeline_mode<synchronous>, transform_indices = @transform_3, window_bounds = array<i64: 1, 384>}, {pipeline_mode = #tpu.pipeline_mode<synchronous>, transform_indices = @transform_4, window_bounds = array<i64: 128, 384>}, {pipeline_mode = #tpu.pipeline_mode<synchronous>, transform_indices = @transform_5, window_bounds = array<i64: 1, 384>}, {pipeline_mode = #tpu.pipeline_mode<synchronous>, transform_indices = @transform_6, window_bounds = array<i64: 128, 128>}, {pipeline_mode = #tpu.pipeline_mode<synchronous>, transform_indices = @transform_7, window_bounds = array<i64: 1200, 128>}, {pipeline_mode = #tpu.pipeline_mode<synchronous>, transform_indices = @transform_8, window_bounds = array<i64: 1, 128>}, {pipeline_mode = #tpu.pipeline_mode<synchronous>, transform_indices = @transform_9, window_bounds = array<i64: 1, 128>}, {pipeline_mode = #tpu.pipeline_mode<synchronous>, transform_indices = @transform_10, window_bounds = array<i64: 1, 128>}, {pipeline_mode = #tpu.pipeline_mode<synchronous>, transform_indices = @transform_11, window_bounds = array<i64: 128, 128>}, {pipeline_mode = #tpu.pipeline_mode<synchronous>, transform_indices = @transform_12, window_bounds = array<i64: 1, 128>}, {pipeline_mode = #tpu.pipeline_mode<synchronous>, transform_indices = @transform_13, window_bounds = array<i64: 1, 128>}, {pipeline_mode = #tpu.pipeline_mode<synchronous>, transform_indices = @transform_14, window_bounds = array<i64: 1, 128>}, {pipeline_mode = #tpu.pipeline_mode<synchronous>, transform_indices = @transform_15, window_bounds = array<i64: 128, 128>}, {pipeline_mode = #tpu.pipeline_mode<synchronous>, transform_indices = @transform_16, window_bounds = array<i64: 1200, 128>}, {pipeline_mode = #tpu.pipeline_mode<synchronous>, transform_indices = @transform_17, window_bounds = array<i64: 1, 128>}, {pipeline_mode = #tpu.pipeline_mode<synchronous>, transform_indices = @transform_18, window_bounds = array<i64: 1, 128>}, {pipeline_mode = #tpu.pipeline_mode<synchronous>, transform_indices = @transform_19, window_bounds = array<i64: 1, 128>}, {pipeline_mode = #tpu.pipeline_mode<synchronous>, transform_indices = @transform_20, window_bounds = array<i64: 128, 60>}, {pipeline_mode = #tpu.pipeline_mode<synchronous>, transform_indices = @transform_21, window_bounds = array<i64: 1, 60>}, {transform_indices = @transform_22, window_bounds = array<i64: 1200, 60>}, {pipeline_mode = #tpu.pipeline_mode<synchronous>, transform_indices = @transform_23, window_bounds = array<i64: 128, 128>}, {transform_indices = @transform_24, window_bounds = array<i64: 1200, 128>}, {transform_indices = @transform_25, window_bounds = array<i64: 1200, 60>}]} {
    %get3A = arith.constant 0 : index
    %get3A_0 = arith.constant 0 : index
    %get3A_1 = vector.load %arg24[%get3A, %get3A_0] : memref<128x128xf32, #tpu.memory_space<vmem>>, vector<128x128xf32>
    %get3A_2 = arith.constant 0 : index
    %get3A_3 = arith.constant 0 : index
    %get3A_4 = vector.load %arg1[%get3A_2, %get3A_3] : memref<1200x128xf32, #tpu.memory_space<vmem>>, vector<1200x128xf32>
    %get3A_5 = arith.constant 0 : index
    %get3A_6 = arith.constant 0 : index
    %get3A_7 = vector.load %arg3[%get3A_5, %get3A_6] : memref<128x384xf32, #tpu.memory_space<vmem>>, vector<128x384xf32>
    %dot_general3A = arith.constant dense<0.000000e+00> : vector<1200x384xf32>
    %dot_general3A_8 = tpu.matmul %get3A_4, %get3A_7, %dot_general3A {dimension_numbers = #tpu.dot_dimension_numbers<[1], [0], [0], [1], [0, 0, 1, 1], [], []>, transpose_lhs_hint = false} : vector<1200x128xf32>, vector<128x384xf32>, vector<1200x384xf32> -> vector<1200x384xf32>
    %get3A_9 = arith.constant 0 : index
    %get3A_10 = arith.constant 0 : index
    %get3A_11 = vector.load %arg4[%get3A_9, %get3A_10] : memref<1x384xf32, #tpu.memory_space<vmem>>, vector<1x384xf32>
    %add3A = vector.broadcast %get3A_11 : vector<1x384xf32> to vector<1200x384xf32>
    %add3A_12 = arith.addf %dot_general3A_8, %add3A : vector<1200x384xf32>
    %get3A_13 = arith.constant 0 : index
    %get3A_14 = arith.constant 0 : index
    %get3A_15 = vector.load %arg2[%get3A_13, %get3A_14] : memref<1200x128xf32, #tpu.memory_space<vmem>>, vector<1200x128xf32>
    %get3A_16 = arith.constant 0 : index
    %get3A_17 = arith.constant 0 : index
    %get3A_18 = vector.load %arg5[%get3A_16, %get3A_17] : memref<128x384xf32, #tpu.memory_space<vmem>>, vector<128x384xf32>
    %dot_general3A_19 = arith.constant dense<0.000000e+00> : vector<1200x384xf32>
    %dot_general3A_20 = tpu.matmul %get3A_15, %get3A_18, %dot_general3A_19 {dimension_numbers = #tpu.dot_dimension_numbers<[1], [0], [0], [1], [0, 0, 1, 1], [], []>, transpose_lhs_hint = false} : vector<1200x128xf32>, vector<128x384xf32>, vector<1200x384xf32> -> vector<1200x384xf32>
    %get3A_21 = arith.constant 0 : index
    %get3A_22 = arith.constant 0 : index
    %get3A_23 = vector.load %arg6[%get3A_21, %get3A_22] : memref<1x384xf32, #tpu.memory_space<vmem>>, vector<1x384xf32>
    %add3A_24 = vector.broadcast %get3A_23 : vector<1x384xf32> to vector<1200x384xf32>
    %add3A_25 = arith.addf %dot_general3A_20, %add3A_24 : vector<1200x384xf32>
    %slice3A = vector.extract_strided_slice %add3A_12 {offsets = [0, 0], sizes = [1200, 128], strides = [1, 1]} : vector<1200x384xf32> to vector<1200x128xf32>
    %slice3A_26 = vector.extract_strided_slice %add3A_25 {offsets = [0, 0], sizes = [1200, 128], strides = [1, 1]} : vector<1200x384xf32> to vector<1200x128xf32>
    %add3A_27 = arith.addf %slice3A, %slice3A_26 : vector<1200x128xf32>
    %logistic3A = arith.negf %add3A_27 : vector<1200x128xf32>
    %logistic3A_28 = math.exp %logistic3A : vector<1200x128xf32>
    %logistic3A_29 = arith.constant 1.000000e+00 : f32
    %logistic3A_30 = vector.broadcast %logistic3A_29 : f32 to vector<1200x128xf32>
    %logistic3A_31 = arith.addf %logistic3A_30, %logistic3A_28 : vector<1200x128xf32>
    %logistic3A_32 = arith.divf %logistic3A_30, %logistic3A_31 : vector<1200x128xf32>
    %slice3A_33 = vector.extract_strided_slice %add3A_12 {offsets = [0, 128], sizes = [1200, 128], strides = [1, 1]} : vector<1200x384xf32> to vector<1200x128xf32>
    %slice3A_34 = vector.extract_strided_slice %add3A_25 {offsets = [0, 128], sizes = [1200, 128], strides = [1, 1]} : vector<1200x384xf32> to vector<1200x128xf32>
    %add3A_35 = arith.addf %slice3A_33, %slice3A_34 : vector<1200x128xf32>
    %logistic3A_36 = arith.negf %add3A_35 : vector<1200x128xf32>
    %logistic3A_37 = math.exp %logistic3A_36 : vector<1200x128xf32>
    %logistic3A_38 = arith.constant 1.000000e+00 : f32
    %logistic3A_39 = vector.broadcast %logistic3A_38 : f32 to vector<1200x128xf32>
    %logistic3A_40 = arith.addf %logistic3A_39, %logistic3A_37 : vector<1200x128xf32>
    %logistic3A_41 = arith.divf %logistic3A_39, %logistic3A_40 : vector<1200x128xf32>
    %slice3A_42 = vector.extract_strided_slice %add3A_12 {offsets = [0, 256], sizes = [1200, 128], strides = [1, 1]} : vector<1200x384xf32> to vector<1200x128xf32>
    %slice3A_43 = vector.extract_strided_slice %add3A_25 {offsets = [0, 256], sizes = [1200, 128], strides = [1, 1]} : vector<1200x384xf32> to vector<1200x128xf32>
    %mul3A = arith.mulf %logistic3A_32, %slice3A_43 : vector<1200x128xf32>
    %add3A_44 = arith.addf %slice3A_42, %mul3A : vector<1200x128xf32>
    %tanh3A = math.tanh %add3A_44 : vector<1200x128xf32>
    %sub3A = arith.constant 1.000000e+00 : f32
    %sub3A_45 = vector.broadcast %sub3A : f32 to vector<1200x128xf32>
    %sub3A_46 = arith.subf %sub3A_45, %logistic3A_41 : vector<1200x128xf32>
    %mul3A_47 = arith.mulf %sub3A_46, %tanh3A : vector<1200x128xf32>
    %mul3A_48 = arith.mulf %logistic3A_41, %get3A_15 : vector<1200x128xf32>
    %add3A_49 = arith.addf %mul3A_47, %mul3A_48 : vector<1200x128xf32>
    %swap3A = arith.constant 0 : index
    %swap3A_50 = arith.constant 0 : index
    %swap3A_51 = vector.load %arg25[%swap3A, %swap3A_50] : memref<1200x128xf32, #tpu.memory_space<vmem>>, vector<1200x128xf32>
    tpu.vector_store %arg25[%swap3A, %swap3A_50], %add3A_49 {strides = array<i32>} : memref<1200x128xf32, #tpu.memory_space<vmem>>, vector<1200x128xf32>,
    %get3A_52 = arith.constant 0 : index
    %get3A_53 = arith.constant 0 : index
    %get3A_54 = vector.load %arg7[%get3A_52, %get3A_53] : memref<128x128xf32, #tpu.memory_space<vmem>>, vector<128x128xf32>
    %dot_general3A_55 = arith.constant dense<0.000000e+00> : vector<1200x128xf32>
    %dot_general3A_56 = tpu.matmul %add3A_49, %get3A_54, %dot_general3A_55 {dimension_numbers = #tpu.dot_dimension_numbers<[1], [0], [0], [1], [0, 0, 1, 1], [], []>, transpose_lhs_hint = false} : vector<1200x128xf32>, vector<128x128xf32>, vector<1200x128xf32> -> vector<1200x128xf32>
    %get3A_57 = arith.constant 0 : index
    %get3A_58 = arith.constant 0 : index
    %get3A_59 = vector.load %arg8[%get3A_57, %get3A_58] : memref<1200x128xf32, #tpu.memory_space<vmem>>, vector<1200x128xf32>
    %add3A_60 = arith.addf %dot_general3A_56, %get3A_59 : vector<1200x128xf32>
    %get3A_61 = arith.constant 0 : index
    %get3A_62 = arith.constant 0 : index
    %get3A_63 = vector.load %arg9[%get3A_61, %get3A_62] : memref<1x128xf32, #tpu.memory_space<vmem>>, vector<1x128xf32>
    %add3A_64 = vector.broadcast %get3A_63 : vector<1x128xf32> to vector<1200x128xf32>
    %add3A_65 = arith.addf %add3A_60, %add3A_64 : vector<1200x128xf32>
    %get3A_66 = arith.constant 0 : index
    %get3A_67 = arith.constant 0 : index
    %get3A_68 = vector.load %arg10[%get3A_66, %get3A_67] : memref<1x128xf32, #tpu.memory_space<vmem>>, vector<1x128xf32>
    %get3A_69 = arith.constant 0 : index
    %get3A_70 = arith.constant 0 : index
    %get3A_71 = vector.load %arg11[%get3A_69, %get3A_70] : memref<1x128xf32, #tpu.memory_space<vmem>>, vector<1x128xf32>
    %dot_general3A_72 = arith.constant dense<0.000000e+00> : vector<1200x128xf32>
    %dot_general3A_73 = tpu.matmul %add3A_65, %get3A_1, %dot_general3A_72 {dimension_numbers = #tpu.dot_dimension_numbers<[1], [0], [0], [1], [0, 0, 1, 1], [], []>, transpose_lhs_hint = false} : vector<1200x128xf32>, vector<128x128xf32>, vector<1200x128xf32> -> vector<1200x128xf32>
    %mul3A_74 = arith.mulf %add3A_65, %add3A_65 : vector<1200x128xf32>
    %dot_general3A_75 = arith.constant dense<0.000000e+00> : vector<1200x128xf32>
    %dot_general3A_76 = tpu.matmul %mul3A_74, %get3A_1, %dot_general3A_75 {dimension_numbers = #tpu.dot_dimension_numbers<[1], [0], [0], [1], [0, 0, 1, 1], [], []>, transpose_lhs_hint = false} : vector<1200x128xf32>, vector<128x128xf32>, vector<1200x128xf32> -> vector<1200x128xf32>
    %mul3A_77 = arith.mulf %dot_general3A_73, %dot_general3A_73 : vector<1200x128xf32>
    %sub3A_78 = arith.subf %dot_general3A_76, %mul3A_77 : vector<1200x128xf32>
    %sub3A_79 = arith.subf %add3A_65, %dot_general3A_73 : vector<1200x128xf32>
    %add3A_80 = arith.constant 9.99999974E-6 : f32
    %add3A_81 = vector.broadcast %add3A_80 : f32 to vector<1200x128xf32>
    %add3A_82 = arith.addf %sub3A_78, %add3A_81 : vector<1200x128xf32>
    %rsqrt3A = math.rsqrt %add3A_82 : vector<1200x128xf32>
    %mul3A_83 = arith.mulf %sub3A_79, %rsqrt3A : vector<1200x128xf32>
    %mul3A_84 = vector.broadcast %get3A_68 : vector<1x128xf32> to vector<1200x128xf32>
    %mul3A_85 = arith.mulf %mul3A_83, %mul3A_84 : vector<1200x128xf32>
    %add3A_86 = vector.broadcast %get3A_71 : vector<1x128xf32> to vector<1200x128xf32>
    %add3A_87 = arith.addf %mul3A_85, %add3A_86 : vector<1200x128xf32>
    %gt3A = arith.constant 0.000000e+00 : f32
    %gt3A_88 = vector.broadcast %gt3A : f32 to vector<1200x128xf32>
    %gt3A_89 = arith.cmpf ogt, %add3A_87, %gt3A_88 : vector<1200x128xf32>
    %min3A = arith.constant 0.000000e+00 : f32
    %min3A_90 = vector.broadcast %min3A : f32 to vector<1200x128xf32>
    %min3A_91 = arith.minimumf %add3A_87, %min3A_90 : vector<1200x128xf32>
    %exp3A = math.exp %min3A_91 : vector<1200x128xf32>
    %sub3A_92 = arith.constant 1.000000e+00 : f32
    %sub3A_93 = vector.broadcast %sub3A_92 : f32 to vector<1200x128xf32>
    %sub3A_94 = arith.subf %exp3A, %sub3A_93 : vector<1200x128xf32>
    %select_n3A = arith.select %gt3A_89, %add3A_87, %sub3A_94 : vector<1200x128xi1>, vector<1200x128xf32>
    %get3A_95 = arith.constant 0 : index
    %get3A_96 = arith.constant 0 : index
    %get3A_97 = vector.load %arg12[%get3A_95, %get3A_96] : memref<128x128xf32, #tpu.memory_space<vmem>>, vector<128x128xf32>
    %dot_general3A_98 = arith.constant dense<0.000000e+00> : vector<1200x128xf32>
    %dot_general3A_99 = tpu.matmul %select_n3A, %get3A_97, %dot_general3A_98 {dimension_numbers = #tpu.dot_dimension_numbers<[1], [0], [0], [1], [0, 0, 1, 1], [], []>, transpose_lhs_hint = false} : vector<1200x128xf32>, vector<128x128xf32>, vector<1200x128xf32> -> vector<1200x128xf32>
    %get3A_100 = arith.constant 0 : index
    %get3A_101 = arith.constant 0 : index
    %get3A_102 = vector.load %arg13[%get3A_100, %get3A_101] : memref<1x128xf32, #tpu.memory_space<vmem>>, vector<1x128xf32>
    %add3A_103 = vector.broadcast %get3A_102 : vector<1x128xf32> to vector<1200x128xf32>
    %add3A_104 = arith.addf %dot_general3A_99, %add3A_103 : vector<1200x128xf32>
    %get3A_105 = arith.constant 0 : index
    %get3A_106 = arith.constant 0 : index
    %get3A_107 = vector.load %arg14[%get3A_105, %get3A_106] : memref<1x128xf32, #tpu.memory_space<vmem>>, vector<1x128xf32>
    %get3A_108 = arith.constant 0 : index
    %get3A_109 = arith.constant 0 : index
    %get3A_110 = vector.load %arg15[%get3A_108, %get3A_109] : memref<1x128xf32, #tpu.memory_space<vmem>>, vector<1x128xf32>
    %dot_general3A_111 = arith.constant dense<0.000000e+00> : vector<1200x128xf32>
    %dot_general3A_112 = tpu.matmul %add3A_104, %get3A_1, %dot_general3A_111 {dimension_numbers = #tpu.dot_dimension_numbers<[1], [0], [0], [1], [0, 0, 1, 1], [], []>, transpose_lhs_hint = false} : vector<1200x128xf32>, vector<128x128xf32>, vector<1200x128xf32> -> vector<1200x128xf32>
    %mul3A_113 = arith.mulf %add3A_104, %add3A_104 : vector<1200x128xf32>
    %dot_general3A_114 = arith.constant dense<0.000000e+00> : vector<1200x128xf32>
    %dot_general3A_115 = tpu.matmul %mul3A_113, %get3A_1, %dot_general3A_114 {dimension_numbers = #tpu.dot_dimension_numbers<[1], [0], [0], [1], [0, 0, 1, 1], [], []>, transpose_lhs_hint = false} : vector<1200x128xf32>, vector<128x128xf32>, vector<1200x128xf32> -> vector<1200x128xf32>
    %mul3A_116 = arith.mulf %dot_general3A_112, %dot_general3A_112 : vector<1200x128xf32>
    %sub3A_117 = arith.subf %dot_general3A_115, %mul3A_116 : vector<1200x128xf32>
    %sub3A_118 = arith.subf %add3A_104, %dot_general3A_112 : vector<1200x128xf32>
    %add3A_119 = arith.constant 9.99999974E-6 : f32
    %add3A_120 = vector.broadcast %add3A_119 : f32 to vector<1200x128xf32>
    %add3A_121 = arith.addf %sub3A_117, %add3A_120 : vector<1200x128xf32>
    %rsqrt3A_122 = math.rsqrt %add3A_121 : vector<1200x128xf32>
    %mul3A_123 = arith.mulf %sub3A_118, %rsqrt3A_122 : vector<1200x128xf32>
    %mul3A_124 = vector.broadcast %get3A_107 : vector<1x128xf32> to vector<1200x128xf32>
    %mul3A_125 = arith.mulf %mul3A_123, %mul3A_124 : vector<1200x128xf32>
    %add3A_126 = vector.broadcast %get3A_110 : vector<1x128xf32> to vector<1200x128xf32>
    %add3A_127 = arith.addf %mul3A_125, %add3A_126 : vector<1200x128xf32>
    %get3A_128 = arith.constant 0 : index
    %get3A_129 = arith.constant 0 : index
    %get3A_130 = vector.load %arg16[%get3A_128, %get3A_129] : memref<128x128xf32, #tpu.memory_space<vmem>>, vector<128x128xf32>
    %dot_general3A_131 = arith.constant dense<0.000000e+00> : vector<1200x128xf32>
    %dot_general3A_132 = tpu.matmul %add3A_49, %get3A_130, %dot_general3A_131 {dimension_numbers = #tpu.dot_dimension_numbers<[1], [0], [0], [1], [0, 0, 1, 1], [], []>, transpose_lhs_hint = false} : vector<1200x128xf32>, vector<128x128xf32>, vector<1200x128xf32> -> vector<1200x128xf32>
    %get3A_133 = arith.constant 0 : index
    %get3A_134 = arith.constant 0 : index
    %get3A_135 = vector.load %arg17[%get3A_133, %get3A_134] : memref<1200x128xf32, #tpu.memory_space<vmem>>, vector<1200x128xf32>
    %add3A_136 = arith.addf %dot_general3A_132, %get3A_135 : vector<1200x128xf32>
    %get3A_137 = arith.constant 0 : index
    %get3A_138 = arith.constant 0 : index
    %get3A_139 = vector.load %arg18[%get3A_137, %get3A_138] : memref<1x128xf32, #tpu.memory_space<vmem>>, vector<1x128xf32>
    %add3A_140 = vector.broadcast %get3A_139 : vector<1x128xf32> to vector<1200x128xf32>
    %add3A_141 = arith.addf %add3A_136, %add3A_140 : vector<1200x128xf32>
    %get3A_142 = arith.constant 0 : index
    %get3A_143 = arith.constant 0 : index
    %get3A_144 = vector.load %arg19[%get3A_142, %get3A_143] : memref<1x128xf32, #tpu.memory_space<vmem>>, vector<1x128xf32>
    %get3A_145 = arith.constant 0 : index
    %get3A_146 = arith.constant 0 : index
    %get3A_147 = vector.load %arg20[%get3A_145, %get3A_146] : memref<1x128xf32, #tpu.memory_space<vmem>>, vector<1x128xf32>
    %dot_general3A_148 = arith.constant dense<0.000000e+00> : vector<1200x128xf32>
    %dot_general3A_149 = tpu.matmul %add3A_141, %get3A_1, %dot_general3A_148 {dimension_numbers = #tpu.dot_dimension_numbers<[1], [0], [0], [1], [0, 0, 1, 1], [], []>, transpose_lhs_hint = false} : vector<1200x128xf32>, vector<128x128xf32>, vector<1200x128xf32> -> vector<1200x128xf32>
    %mul3A_150 = arith.mulf %add3A_141, %add3A_141 : vector<1200x128xf32>
    %dot_general3A_151 = arith.constant dense<0.000000e+00> : vector<1200x128xf32>
    %dot_general3A_152 = tpu.matmul %mul3A_150, %get3A_1, %dot_general3A_151 {dimension_numbers = #tpu.dot_dimension_numbers<[1], [0], [0], [1], [0, 0, 1, 1], [], []>, transpose_lhs_hint = false} : vector<1200x128xf32>, vector<128x128xf32>, vector<1200x128xf32> -> vector<1200x128xf32>
    %mul3A_153 = arith.mulf %dot_general3A_149, %dot_general3A_149 : vector<1200x128xf32>
    %sub3A_154 = arith.subf %dot_general3A_152, %mul3A_153 : vector<1200x128xf32>
    %sub3A_155 = arith.subf %add3A_141, %dot_general3A_149 : vector<1200x128xf32>
    %add3A_156 = arith.constant 9.99999974E-6 : f32
    %add3A_157 = vector.broadcast %add3A_156 : f32 to vector<1200x128xf32>
    %add3A_158 = arith.addf %sub3A_154, %add3A_157 : vector<1200x128xf32>
    %rsqrt3A_159 = math.rsqrt %add3A_158 : vector<1200x128xf32>
    %mul3A_160 = arith.mulf %sub3A_155, %rsqrt3A_159 : vector<1200x128xf32>
    %mul3A_161 = vector.broadcast %get3A_144 : vector<1x128xf32> to vector<1200x128xf32>
    %mul3A_162 = arith.mulf %mul3A_160, %mul3A_161 : vector<1200x128xf32>
    %add3A_163 = vector.broadcast %get3A_147 : vector<1x128xf32> to vector<1200x128xf32>
    %add3A_164 = arith.addf %mul3A_162, %add3A_163 : vector<1200x128xf32>
    %add3A_165 = arith.addf %add3A_127, %add3A_164 : vector<1200x128xf32>
    %gt3A_166 = arith.constant 0.000000e+00 : f32
    %gt3A_167 = vector.broadcast %gt3A_166 : f32 to vector<1200x128xf32>
    %gt3A_168 = arith.cmpf ogt, %add3A_165, %gt3A_167 : vector<1200x128xf32>
    %min3A_169 = arith.constant 0.000000e+00 : f32
    %min3A_170 = vector.broadcast %min3A_169 : f32 to vector<1200x128xf32>
    %min3A_171 = arith.minimumf %add3A_165, %min3A_170 : vector<1200x128xf32>
    %exp3A_172 = math.exp %min3A_171 : vector<1200x128xf32>
    %sub3A_173 = arith.constant 1.000000e+00 : f32
    %sub3A_174 = vector.broadcast %sub3A_173 : f32 to vector<1200x128xf32>
    %sub3A_175 = arith.subf %exp3A_172, %sub3A_174 : vector<1200x128xf32>
    %select_n3A_176 = arith.select %gt3A_168, %add3A_165, %sub3A_175 : vector<1200x128xi1>, vector<1200x128xf32>
    %get3A_177 = arith.constant 0 : index
    %get3A_178 = arith.constant 0 : index
    %get3A_179 = vector.load %arg21[%get3A_177, %get3A_178] : memref<128x60xf32, #tpu.memory_space<vmem>>, vector<128x60xf32>
    %dot_general3A_180 = arith.constant dense<0.000000e+00> : vector<1200x60xf32>
    %dot_general3A_181 = tpu.matmul %select_n3A_176, %get3A_179, %dot_general3A_180 {dimension_numbers = #tpu.dot_dimension_numbers<[1], [0], [0], [1], [0, 0, 1, 1], [], []>, transpose_lhs_hint = false} : vector<1200x128xf32>, vector<128x60xf32>, vector<1200x60xf32> -> vector<1200x60xf32>
    %get3A_182 = arith.constant 0 : index
    %get3A_183 = arith.constant 0 : index
    %get3A_184 = vector.load %arg22[%get3A_182, %get3A_183] : memref<1x60xf32, #tpu.memory_space<vmem>>, vector<1x60xf32>
    %add3A_185 = vector.broadcast %get3A_184 : vector<1x60xf32> to vector<1200x60xf32>
    %add3A_186 = arith.addf %dot_general3A_181, %add3A_185 : vector<1200x60xf32>
    %get3A_187 = arith.constant 0 : index
    %get3A_188 = arith.constant 0 : index
    %get3A_189 = vector.load %arg23[%get3A_187, %get3A_188] : memref<1200x60xf32, #tpu.memory_space<vmem>>, vector<1200x60xf32>
    %add3A_190 = arith.addf %add3A_186, %get3A_189 : vector<1200x60xf32>
    %swap3A_191 = arith.constant 0 : index
    %swap3A_192 = arith.constant 0 : index
    %swap3A_193 = vector.load %arg26[%swap3A_191, %swap3A_192] : memref<1200x60xf32, #tpu.memory_space<vmem>>, vector<1200x60xf32>
    tpu.vector_store %arg26[%swap3A_191, %swap3A_192], %add3A_190 {strides = array<i32>} : memref<1200x60xf32, #tpu.memory_space<vmem>>, vector<1200x60xf32>,
    return
  }
  func.func @transform_0(%arg0: i32) -> (i32, i32) {
    %c0_i32 = arith.constant 0 : i32
    %c0_i32_0 = arith.constant 0 : i32
    return %arg0, %c0_i32 : i32, i32
  }
  func.func @transform_1(%arg0: i32) -> (i32, i32) {
    %c0_i32 = arith.constant 0 : i32
    %c0_i32_0 = arith.constant 0 : i32
    return %arg0, %c0_i32 : i32, i32
  }
  func.func @transform_2(%arg0: i32) -> (i32, i32) {
    %c0_i32 = arith.constant 0 : i32
    %c0_i32_0 = arith.constant 0 : i32
    %c0_i32_1 = arith.constant 0 : i32
    return %c0_i32, %c0_i32_0 : i32, i32
  }
  func.func @transform_3(%arg0: i32) -> (i32, i32) {
    %c0_i32 = arith.constant 0 : i32
    %c0_i32_0 = arith.constant 0 : i32
    %c0_i32_1 = arith.constant 0 : i32
    return %c0_i32, %c0_i32_0 : i32, i32
  }
  func.func @transform_4(%arg0: i32) -> (i32, i32) {
    %c0_i32 = arith.constant 0 : i32
    %c0_i32_0 = arith.constant 0 : i32
    %c0_i32_1 = arith.constant 0 : i32
    return %c0_i32, %c0_i32_0 : i32, i32
  }
  func.func @transform_5(%arg0: i32) -> (i32, i32) {
    %c0_i32 = arith.constant 0 : i32
    %c0_i32_0 = arith.constant 0 : i32
    %c0_i32_1 = arith.constant 0 : i32
    return %c0_i32, %c0_i32_0 : i32, i32
  }
  func.func @transform_6(%arg0: i32) -> (i32, i32) {
    %c0_i32 = arith.constant 0 : i32
    %c0_i32_0 = arith.constant 0 : i32
    %c0_i32_1 = arith.constant 0 : i32
    return %c0_i32, %c0_i32_0 : i32, i32
  }
  func.func @transform_7(%arg0: i32) -> (i32, i32) {
    %c0_i32 = arith.constant 0 : i32
    %c0_i32_0 = arith.constant 0 : i32
    %c0_i32_1 = arith.constant 0 : i32
    return %c0_i32, %c0_i32_0 : i32, i32
  }
  func.func @transform_8(%arg0: i32) -> (i32, i32) {
    %c0_i32 = arith.constant 0 : i32
    %c0_i32_0 = arith.constant 0 : i32
    %c0_i32_1 = arith.constant 0 : i32
    return %c0_i32, %c0_i32_0 : i32, i32
  }
  func.func @transform_9(%arg0: i32) -> (i32, i32) {
    %c0_i32 = arith.constant 0 : i32
    %c0_i32_0 = arith.constant 0 : i32
    %c0_i32_1 = arith.constant 0 : i32
    return %c0_i32, %c0_i32_0 : i32, i32
  }
  func.func @transform_10(%arg0: i32) -> (i32, i32) {
    %c0_i32 = arith.constant 0 : i32
    %c0_i32_0 = arith.constant 0 : i32
    %c0_i32_1 = arith.constant 0 : i32
    return %c0_i32, %c0_i32_0 : i32, i32
  }
  func.func @transform_11(%arg0: i32) -> (i32, i32) {
    %c0_i32 = arith.constant 0 : i32
    %c0_i32_0 = arith.constant 0 : i32
    %c0_i32_1 = arith.constant 0 : i32
    return %c0_i32, %c0_i32_0 : i32, i32
  }
  func.func @transform_12(%arg0: i32) -> (i32, i32) {
    %c0_i32 = arith.constant 0 : i32
    %c0_i32_0 = arith.constant 0 : i32
    %c0_i32_1 = arith.constant 0 : i32
    return %c0_i32, %c0_i32_0 : i32, i32
  }
  func.func @transform_13(%arg0: i32) -> (i32, i32) {
    %c0_i32 = arith.constant 0 : i32
    %c0_i32_0 = arith.constant 0 : i32
    %c0_i32_1 = arith.constant 0 : i32
    return %c0_i32, %c0_i32_0 : i32, i32
  }
  func.func @transform_14(%arg0: i32) -> (i32, i32) {
    %c0_i32 = arith.constant 0 : i32
    %c0_i32_0 = arith.constant 0 : i32
    %c0_i32_1 = arith.constant 0 : i32
    return %c0_i32, %c0_i32_0 : i32, i32
  }
  func.func @transform_15(%arg0: i32) -> (i32, i32) {
    %c0_i32 = arith.constant 0 : i32
    %c0_i32_0 = arith.constant 0 : i32
    %c0_i32_1 = arith.constant 0 : i32
    return %c0_i32, %c0_i32_0 : i32, i32
  }
  func.func @transform_16(%arg0: i32) -> (i32, i32) {
    %c0_i32 = arith.constant 0 : i32
    %c0_i32_0 = arith.constant 0 : i32
    %c0_i32_1 = arith.constant 0 : i32
    return %c0_i32, %c0_i32_0 : i32, i32
  }
  func.func @transform_17(%arg0: i32) -> (i32, i32) {
    %c0_i32 = arith.constant 0 : i32
    %c0_i32_0 = arith.constant 0 : i32
    %c0_i32_1 = arith.constant 0 : i32
    return %c0_i32, %c0_i32_0 : i32, i32
  }
  func.func @transform_18(%arg0: i32) -> (i32, i32) {
    %c0_i32 = arith.constant 0 : i32
    %c0_i32_0 = arith.constant 0 : i32
    %c0_i32_1 = arith.constant 0 : i32
    return %c0_i32, %c0_i32_0 : i32, i32
  }
  func.func @transform_19(%arg0: i32) -> (i32, i32) {
    %c0_i32 = arith.constant 0 : i32
    %c0_i32_0 = arith.constant 0 : i32
    %c0_i32_1 = arith.constant 0 : i32
    return %c0_i32, %c0_i32_0 : i32, i32
  }
  func.func @transform_20(%arg0: i32) -> (i32, i32) {
    %c0_i32 = arith.constant 0 : i32
    %c0_i32_0 = arith.constant 0 : i32
    %c0_i32_1 = arith.constant 0 : i32
    return %c0_i32, %c0_i32_0 : i32, i32
  }
  func.func @transform_21(%arg0: i32) -> (i32, i32) {
    %c0_i32 = arith.constant 0 : i32
    %c0_i32_0 = arith.constant 0 : i32
    %c0_i32_1 = arith.constant 0 : i32
    return %c0_i32, %c0_i32_0 : i32, i32
  }
  func.func @transform_22(%arg0: i32) -> (i32, i32) {
    %c0_i32 = arith.constant 0 : i32
    %c0_i32_0 = arith.constant 0 : i32
    return %arg0, %c0_i32 : i32, i32
  }
  func.func @transform_23(%arg0: i32) -> (i32, i32) {
    %c0_i32 = arith.constant 0 : i32
    %c0_i32_0 = arith.constant 0 : i32
    %c0_i32_1 = arith.constant 0 : i32
    return %c0_i32, %c0_i32_0 : i32, i32
  }
  func.func @transform_24(%arg0: i32) -> (i32, i32) {
    %c0_i32 = arith.constant 0 : i32
    %c0_i32_0 = arith.constant 0 : i32
    return %arg0, %c0_i32 : i32, i32
  }
  func.func @transform_25(%arg0: i32) -> (i32, i32) {
    %c0_i32 = arith.constant 0 : i32
    %c0_i32_0 = arith.constant 0 : i32
    return %arg0, %c0_i32 : i32, i32
  }
}

</mosaic_0001>

<sc_bundles>
// kernel: gather_offload_async_start.1
scs
__scs_entry_jumppad:
0x0: {  	(pc) =	sbr.rel $0x88, $3  }
0x1: {  	(tag) =	ssettag $0x0;
	lr =	simm.s32 $0x1  }
0x2: {  	[smem:$0x3F79] =	sst lr;
	_ =	strace $0xD0000000  }
0x3: {  	_ = 	snop  }
0x4: {  	_ = 	snop  }
0x5: {  	_ = 	snop  }
0x6: {  	_ = 	snop  }
0x7: {  	_ = 	snop  }
__scs_overlays_trampoline_lowered:
0x8: {  	[smem:$0x3F88] =	sst s0  }
0x9: {  	[smem:$0x3F89] =	sst s1  }
0xa: {  	[smem:$0x3F8A] =	sst s2  }
0xb: {  	[smem:$0x3F8B] =	sst s3  }
0xc: {  	[smem:$0x3F8C] =	sst s4  }
0xd: {  	[smem:$0x3F8D] =	sst s5  }
0xe: {  	[smem:$0x3F8E] =	sst s6  }
0xf: {  	[smem:$0x3F8F] =	sst s7  }
0x10: {  	[smem:$0x3F90] =	sst s8  }
0x11: {  	[smem:$0x3F91] =	sst s9;
	s0 =	simm.s32 @!p0 $0x0  }
0x12: {  	s1 =	sld [smem:$0x3F77];
	s0 =	simm.s32 @p0 $0x1  }
0x13: {  	[smem:$0x3F92] =	sst s0;
	s0 =	simm.s32 @!p1 $0x0  }
0x14: {  	s2 =	sld [smem:$0x3F76];
	s0 =	simm.s32 @p1 $0x1  }
0x15: {  	[smem:$0x3F93] =	sst s0;
	s0 =	simm.s32 @!p2 $0x0  }
0x16: {  	s3 =	sld [smem:$0x3FDB];
	s0 =	simm.s32 @p2 $0x1  }
0x17: {  	s4 =	simm.s32 $0x1BF5;
	[smem:$0x3F95] =	sst s0  }
0x18: {  	s0 =	sld [smem:$0x3F78];
	_ =	swait.ge [sflag:s4], $0x0  }
0x19: {  	s7 =	sld [smem:$0x3F79]  }
0x1a: {  	s8 =	sadd.s32 $0xFFFFE003, lr  }
0x1b: {  	s9 =	sadd.s32 $0xFFFFFEF7, lr;
	s5 =	simm.s32 $0xFFFFFFFF;
	p2 =	slt.u32 s8, $0xFFFFF086  }
0x1c: {  	p1 =	slt.u32 s9, $0xF7A;
	s5 =	simm.s32 @!p2 $0x0  }
0x1d: {  	s5 =	simm.s32 @p1 $0x1;
	p0 =	seq.s32 s7, s2  }
0x1e: {  	s7 =	smul.u32 @!p0 $0xF7A, s2;
	p2 =	seq.s32 @!p0 s5, $0x0  }
0x1f: {  	s9 =	smul.u32 $0xF7A, s1;
	s8 =	simm.s32 @!p0 $0x1BF5;
	p2 =	por !p2, p0  }
0x20: {  	[sflag:s8] =	ssyncset.s32 @!p0 $0xFFFFF086;
	s6 =	sadd.s32 @!p0 s3, s7;
	s7 =	simm.s32 @!p0 $0x108  }
0x21: {  	s3 =	sadd.s32 s3, s9;
	s6 =	sadd.s32 @!p0 $0x88, s6;
	s7 =	simm.s32 @p2 $0x1082  }
0x22: {  	[simem:s7], [sflag:s8] =	dma.local @!p0 [hbm:s6], $0xF7A  }
0x23: {  	s9 =	sor.u32 $0xD0000000, s2;
	s6 =	simm.s32 $0x108;
	_ =	swait.ge @!p0 [sflag:s8], $0x0  }
0x24: {  	s3 =	sadd.s32 $0x88, s3;
	s6 =	simm.s32 @!p1 $0x1082;
	[sflag:s4] =	ssyncset.s32 $0xFFFFF086  }
0x25: {  	[simem:s6], [sflag:s4] =	dma.local [hbm:s3], $0xF7A  }
0x26: {  	[smem:$0x3F79] =	sst s1;
	(tag) =	ssettag s2;
	_ =	strace s9  }
0x27: {  	s1 =	sld [smem:$0x3F89]  }
0x28: {  	s2 =	sld [smem:$0x3F8A]  }
0x29: {  	s4 =	sld [smem:$0x3F8C]  }
0x2a: {  	p0 =	seq.s32 s5, $0x0;
	s5 =	sld [smem:$0x3F8D]  }
0x2b: {  	s6 =	sld [smem:$0x3F8E]  }
0x2c: {  	s7 =	sld [smem:$0x3F8F]  }
0x2d: {  	s3 =	simm.s32 $0x108;
	s8 =	sld [smem:$0x3F90]  }
0x2e: {  	s3 =	simm.s32 @!p0 $0x1082;
	s9 =	sld [smem:$0x3F91]  }
0x2f: {  	lr =	sadd.s32 s0, s3;
	s0 =	sld [smem:$0x3F88]  }
0x30: {  	s3 =	sld [smem:$0x3F8B]  }
0x31: {  	[smem:$0x3F94] =	sst s10  }
0x32: {  	s10 =	sld [smem:$0x3F92];
	_ =	sdelay $0x3  }
0x33: {  	p0 =	seq.s32 s10, $0x1;
	s10 =	sld [smem:$0x3F94];
	_ =	sdelay $0x3  }
0x34: {  	[smem:$0x3F94] =	sst s10  }
0x35: {  	s10 =	sld [smem:$0x3F93];
	_ =	sdelay $0x3  }
0x36: {  	p1 =	seq.s32 s10, $0x1;
	s10 =	sld [smem:$0x3F94];
	_ =	sdelay $0x3  }
0x37: {  	[smem:$0x3F94] =	sst s10  }
0x38: {  	s10 =	sld [smem:$0x3F95]  }
0x39: {  	_ = 	snop;
	(pc) =	sbr.ind lr, $3  }
0x3a: {  	_ = 	snop  }
0x3b: {  	_ = 	snop  }
0x3c: {  	p2 =	seq.s32 s10, $0x1;
	s10 =	sld [smem:$0x3F94]  }
0x3d: {  	_ =	shalt  }
0x3e: {  	_ =	shalt  }
0x3f: {  	_ =	shalt  }
0x40: {  	_ =	shalt  }
0x41: {  	_ =	shalt  }
0x42: {  	_ =	shalt  }
0x43: {  	_ =	shalt  }
0x44: {  	_ =	shalt  }
0x45: {  	_ =	shalt  }
0x46: {  	_ =	shalt  }
0x47: {  	_ =	shalt  }
0x48: {  	_ =	shalt  }
0x49: {  	_ =	shalt  }
0x4a: {  	_ =	shalt  }
0x4b: {  	_ =	shalt  }
0x4c: {  	_ =	shalt  }
0x4d: {  	_ =	shalt  }
0x4e: {  	_ =	shalt  }
0x4f: {  	_ =	shalt  }
0x50: {  	_ =	shalt  }
0x51: {  	_ =	shalt  }
0x52: {  	_ =	shalt  }
0x53: {  	_ =	shalt  }
0x54: {  	_ =	shalt  }
0x55: {  	_ =	shalt  }
0x56: {  	_ =	shalt  }
0x57: {  	_ =	shalt  }
0x58: {  	_ =	shalt  }
0x59: {  	_ =	shalt  }
0x5a: {  	_ =	shalt  }
0x5b: {  	_ =	shalt  }
0x5c: {  	_ =	shalt  }
0x5d: {  	_ =	shalt  }
0x5e: {  	_ =	shalt  }
0x5f: {  	_ =	shalt  }
0x60: {  	_ =	shalt  }
0x61: {  	_ =	shalt  }
0x62: {  	_ =	shalt  }
0x63: {  	_ =	shalt  }
0x64: {  	_ =	shalt  }
0x65: {  	_ =	shalt  }
0x66: {  	_ =	shalt  }
0x67: {  	_ =	shalt  }
0x68: {  	_ =	shalt  }
0x69: {  	_ =	shalt  }
0x6a: {  	_ =	shalt  }
0x6b: {  	_ =	shalt  }
0x6c: {  	_ =	shalt  }
0x6d: {  	_ =	shalt  }
0x6e: {  	_ =	shalt  }
0x6f: {  	_ =	shalt  }
0x70: {  	_ =	shalt  }
0x71: {  	_ =	shalt  }
0x72: {  	_ =	shalt  }
0x73: {  	_ =	shalt  }
0x74: {  	_ =	shalt  }
0x75: {  	_ =	shalt  }
0x76: {  	_ =	shalt  }
0x77: {  	_ =	shalt  }
0x78: {  	_ =	shalt  }
0x79: {  	_ =	shalt  }
0x7a: {  	_ =	shalt  }
0x7b: {  	_ =	shalt  }
0x7c: {  	_ =	shalt  }
0x7d: {  	_ =	shalt  }
0x7e: {  	_ =	shalt  }
0x7f: {  	_ =	shalt  }
0x80: {  	_ =	shalt  }
0x81: {  	_ =	shalt  }
0x82: {  	_ =	shalt  }
0x83: {  	_ =	shalt  }
0x84: {  	_ =	shalt  }
0x85: {  	_ =	shalt  }
0x86: {  	_ =	shalt  }
0x87: {  	_ =	shalt  }
.Lfunc_end0:
.L_simem_size_0:
called_computation.2_lowered:
.L_overlay_start_0:
0x88: {  	s0 =	sld [smem:$0x3FD9]  }
0x89: {  	s1 =	sld [smem:$0x3FFE];
	_ =	sdelay $0x3  }
0x8a: {  	s0 =	sadd.s32 s1, s0  }
0x8b: {  	[smem:$0x3FA0] =	sst s0  }
0x8c: {  	_ = 	snop  }
0x8d: {  	(tm) =	ssettm $0x1  }
0x8e: {  	s15 =	sld [smem:$0x3FFB];
	_ =	sdelay $0x3  }
0x8f: {  	_ =	strace s15  }
0x90: {  	s0 =	sld [smem:$0x3FFC];
	_ =	sdelay $0x3  }
0x91: {  	_ =	strace s0  }
0x92: {  	s0 =	sld [smem:$0x3FFD];
	_ =	sdelay $0x3  }
0x93: {  	_ =	strace s0  }
0x94: {  	_ =	strace $0x8FFFFFFF  }
0x95: {  	s16 =	sld [smem:$0x3FDB];
	_ =	sdelay $0x1  }
0x96: {  	s17 =	simm.s32 $_scs_section_size  }
0x97: {  	s2 =	simm.s32 $_size__tile_overlayer_lowered;
	s3 =	simm.s32 $_tile_overlayer_lowered  }
0x98: {  	s20 =	simm.s32 $0x1BFF;
	s19 =	sshll.u32 s3, $0x1;
	s0 =	sadd.s32 s17, s16  }
0x99: {  	s4 =	simm.s32 $0x0;
	s18 =	sshll.u32 s2, $0x1;
	s2 =	sadd.s32 s19, s0  }
0x9a: {  	[timem:s4], [sflag:s20] =	dma.local [hbm:s2], s18  }
0x9b: {  	_ =	swait.ge [sflag:s20], s18  }
0x9c: {  	s1 =	ssub.s32 $0x0, s18;
	[sflag:s20] =	ssyncset.done $0x0  }
0x9d: {  	[sflag:s20] =	ssyncadd.s32 s1;
	_ =	sdelay $0x1  }
0x9e: {  	s21 =	simm.s32 $0x1B8B  }
0x9f: {  	_ =	swait.ge [sflag:s21], $0x1  }
0xa0: {  	[sflag:s21] =	ssyncset.done $0x0  }
0xa1: {  	s23 =	simm.s32 $0x1B8E;
	s22 =	sld [smem:$0x3FFE];
	[sflag:s21] =	ssyncadd.s32 $0xFFFFFFFF  }
0xa2: {  	s24 =	simm.s32 $execute0_lowered;
	[smem:$0x3FD2] =	sst s23  }
0xa3: {  	s2 =	sshll.u32 s24, $0x1;
	_ =	strace $0x80000046;
	[dreg:$0x1] =	wrdreg $0xFFFFFFFF  }
0xa4: {  	s25 =	simm.s32 $_size_execute0_lowered;
	s0 =	sadd.s32 s0, s2;
	[dreg:$0x0] =	wrdreg $0x0  }
0xa5: {  	s2 =	sshll.u32 s25, $0x1;
	[dreg:$0x2] =	wrdreg s0  }
0xa6: {  	[dreg:$0x3] =	wrdreg s2  }
0xa7: {  	[dreg:$0x4] =	wrdreg $0xC0  }
0xa8: {  	_ =	task [dreg:s4], $0x5FFFF  }
0xa9: {  	[dreg:$0x1] =	wrdreg $0xFFFFFFFF  }
0xaa: {  	[dreg:$0x0] =	wrdreg $0x60  }
0xab: {  	[dreg:$0x2] =	wrdreg s22  }
0xac: {  	[dreg:$0x3] =	wrdreg $0xA  }
0xad: {  	_ =	task.clear_ibuf [dreg:s4], $0x4FFFF;
	_ =	strace $0x90000046  }
0xae: {  	s26 =	simm.s32 $0xA;
	_ =	strace $0x80000048  }
0xaf: {  	_ =	swait.ge [sflag:s26], $0x1  }
0xb0: {  	[sflag:s26] =	ssyncadd.s32 $0xFFFFFFFF  }
0xb1: {  	_ =	strace $0x90000048  }
0xb2: {  	_ =	sfence  }
0xb3: {  	s28 =	sld [smem:$0x0];
	_ =	sdelay $0x1  }
0xb4: {  	s29 =	srdreg.scid  }
0xb5: {  	s30 =	sshll.u32 s29, $0xD;
	s31 =	sshrl.u32 s29, $0x2  }
0xb6: {  	s1 =	sand.u32 $0x1, s29;
	s2 =	sand.u32 $0x4000, s30;
	s0 =	sadd.s32 s31, s28  }
0xb7: {  	s1 =	sor.u32 s2, s1;
	s0 =	sshll.u32 s0, $0x11  }
0xb8: {  	s0 =	sor.u32 s0, s1  }
0xb9: {  	s0 =	sadd.s32 $0x8F2B, s0  }
0xba: {  	[sflag:s0] =	ssyncadd.remote.s32 $0x1  }
0xbb: {  	_ =	sfence.sel $0xFFFF  }
0xbc: {  	[dreg:$0x0] =	wrdreg $0xFFFFFFFF;
	(pc) =	sbr.abs _section_cstart, $3  }
0xbd: {  	[dreg:$0x1] =	wrdreg $0xFFFFFFFF  }
0xbe: {  	_ =	task.clear_ibuf [dreg:s4], $0x2FFFF;
	_ =	strace $0x9FFFFFFF  }
0xbf: {  	(tm) =	ssettm $0x7FFFFFFF  }
tec
execute0_lowered:
.L_overlay_start_1:
0x0: {  	(tag) =	ssettag $0x1  }
0x1: {  	s8 =	rddreg [dreg:$0x0]  }
0x2: {  	s0 =	rddreg [dreg:$0x1];
	_ =	strace $0x80000047  }
0x3: {  	s4 =	simm.s32 $0x1;
	s1 =	stileid.u32;
	s7 =	simm.s32 $0x1  }
0x4: {  	s9 =	simm.s32 $0x1;
	s6 =	simm.s32 $0x2;
	s10 =	simm.s32 $0x3  }
0x5: {  	s13 =	simm.s32 $0x0;
	s12 =	simm.s32 $0x0;
	s2 =	sadd.s32 $0x5800, s8  }
.Ltmp0:
0x6: {  	s3 =	sadd.s32 $0x7200, s8;
	p0 =	slt.u32 s1, $0xA;
	(pc) =	sbr.rel .LBB2_1-.Ltmp0, $4  }
0x7: {  	[sflag:s4] =	ssyncpa.u1 $0x0;
	s7 =	simm.s32 @!p0 $0x0;
	p0 =	sne.s32 s1, $0x9  }
0x8: {  	s5 =	smul.u32 $0x7D0, s1;
	[sflag:s6] =	ssyncpa.u1 $0x0;
	s9 =	simm.s32 @!p0 $0x0  }
0x9: {  	s8 =	sadd.s32 $0x43600, s8;
	[sflag:s10] =	ssyncpa.u1 $0x0;
	s7 =	sadd.s32 s9, s7  }
0xa: {  	vm0 =	vmmov $0xffff;
	s10 =	simm.s32 $0x0;
	s11 =	smov.u32 s5;
	s9 =	sadd.s32 $0x1, s7  }
.LBB2_4:
0xb: {  	v2 =	vnsel vm1, $0x0, v2  }
0xc: {  	vm1 =	vgt.s32 v0, $0x0;
	v2 =	vmin.u32 v2, $0xC34F  }
0xd: {  	v0 =	vnsel vm1, $0x0, v0  }
0xe: {  	v0 =	vmin.u32 v0, $0xC34F  }
0xf: {  	[tilespmem:s18], [sflag:$0x1] =	stream.indirect_vreg.gather [hbm4b:s2+s10], $0x1, v1, vm0, $0x4038;
	[tilespmem:$0x1F40] =	vst v63  }
0x10: {  	(ifvalue) =	ssetifvalue $0x7FFFFFFF  }
0x11: {  	[tilespmem:s15], [sflag:$0x1] =	stream.indirect_vreg.gather [hbm4b:s2+s10], $0x1, v2, vm0, $0x4038;
	[tilespmem:$0x1F40] =	vst v63  }
0x12: {  	s29 =	sadd.s32 $0x10, s15;
	(ifvalue) =	ssetifvalue $0x7FFFFFFF  }
0x13: {  	[tilespmem:s29], [sflag:$0x1] =	stream.indirect_vreg.gather [hbm4b:s2+s10], $0x1, v0, vm0, $0x4038;
	[tilespmem:$0x1F40] =	vst v63  }
0x14: {  	_ =	swait.ge [sflag:s4], $0x7D0  }
0x15: {  	s30 =	sshrl.u32 s13, $0x3;
	[sflag:s4] =	ssyncset.done $0x0  }
0x16: {  	s31 =	sand.u32 $0x7, s13;
	s15 =	sadd.s32 s8, s30;
	[sflag:s4] =	ssyncadd.s32 $0xFFFFF830  }
0x17: {  	[hbm4b:s15+s31] =	stream.linear.scatter [tilespmem:s14], [sflag:$0x3], $0x7D0, $0x38;
	[tilespmem:$0x1F40] =	vst v63  }
.LBB2_5:
0x18: {  	s15 =	sadd.s32 $0x7D00, s11  }
0x19: {  	p1 =	sgt.s32 s15, $0xC34F  }
0x1a: {  	s15 =	smov.u32 @p1 s5;
	p1 =	sne.s32 s12, s9  }
.Ltmp1:
0x1b: {  	p0 =	slt.u32 s12, $0x2;
	(pc) =	sbr.rel @!p1 .LBB2_6-.Ltmp1, $4  }
0x1c: {  	s14 =	simm.s32 @!p0 $0x3  }
0x1d: {  	_ =	swait.ge @!p0 [sflag:s14], $0x7D0  }
0x1e: {  	s16 =	sadd.s32 $0x1, s12;
	s13 =	smov.u32 s11;
	[sflag:s14] =	ssyncset.done @!p0 $0x0  }
0x1f: {  	s12 =	smov.u32 s16;
	s11 =	smov.u32 s15;
	[sflag:s14] =	ssyncadd.s32 @!p0 $0xFFFFF830  }
.LBB2_1:
0x20: {  	p0 =	sge.u32 s12, s7  }
0x21: {  	s14 =	sxor.u32 @!p0 $0x1, s12  }
0x22: {  	s14 =	smul.u32 @!p0 $0x1F40, s14  }
0x23: {  	s31 =	sadd.s32 $0xFFFFFFFF, s12;
	s15 =	sshrl.u32 @!p0 s11, $0x3  }
0x24: {  	s16 =	sand.u32 @!p0 $0x7, s11;
	s15 =	sadd.s32 @!p0 s3, s15;
	s14 =	sshra.s32 @!p0 s14, $0x2  }
0x25: {  	[tilespmem:s14], [sflag:$0x2] =	stream.linear.gather @!p0 [hbm4b:s15+s16], $0x7D0, $0x38;
	[tilespmem:$0x1F40] =	vst v63  }
0x26: {  	p0 =	sge.u32 s31, s7  }
.Ltmp2:
0x27: {  	_ = 	snop;
	(pc) =	sbr.rel @p0 .LBB2_5-.Ltmp2, $1  }
0x28: {  	_ =	sdelay $0x3  }
0x29: {  	s14 =	sand.u32 $0x1, s12  }
0x2a: {  	_ =	swait.ge [sflag:s6], $0x7D0;
	p0 =	seq.s32 s14, $0x1;
	s14 =	simm.s32 $0x7D0  }
0x2b: {  	[sflag:s6] =	ssyncset.done $0x0;
	s14 =	simm.s32 @!p0 $0x0  }
0x2c: {  	[sflag:s6] =	ssyncadd.s32 $0xFFFFF830;
	(ifvalue) =	ssetifvalue $0x7FFFFFFF;
	v0 =	vld.msk [tilespmem:s14+$0x0 ss:$0x1], $0xffff;
	_ =	sdelay $0x4  }
0x2d: {  	s15 =	sadd.s32 $0x10, s14;
	vm1 =	vgt.s32 v0, $0x0  }
0x2e: {  	v2 =	vld.msk [tilespmem:s15+$0x0 ss:$0x1], $0xffff;
	v1 =	vnsel vm1, $0x0, v0  }
0x2f: {  	v1 =	vmin.u32 v1, $0xC34F;
	_ =	sdelay $0x2  }
0x30: {  	s17 =	simm.s32 $0x20;
	s14 =	sadd.s32 $0xFA0, s14;
	s16 =	sadd.s32 $0x10, s15  }
0x31: {  	s15 =	sadd.s32 $0x10, s14;
	s18 =	smov.u32 s14;
	v0 =	vld.msk [tilespmem:s16+$0x0 ss:$0x1], $0xffff;
	vm1 =	vgt.s32 v2, $0x0;
	(ifvalue) =	ssetifvalue $0x7FFFFFFF  }
.LBB2_3:
0x32: {  	[tilespmem:s18], [sflag:$0x1] =	stream.indirect_vreg.gather [hbm4b:s2+s10], $0x1, v1, vm0, $0x4038;
	[tilespmem:$0x1F40] =	vst v63  }
0x33: {  	s17 =	sadd.s32 $0x10, s17  }
0x34: {  	v2 =	vnsel vm1, $0x0, v2;
	p0 =	slt.u32 s17, $0x7C0  }
.Ltmp3:
0x35: {  	s18 =	smov.u32 s15;
	v1 =	vmin.u32 v2, $0xC34F;
	(pc) =	sbr.rel @p0 .LBB2_3-.Ltmp3, $3  }
0x36: {  	_ =	sdelay $0x1  }
0x37: {  	s16 =	sadd.s32 $0x10, s16  }
0x38: {  	vm1 =	vgt.s32 v0, $0x0;
	s15 =	sadd.s32 $0x10, s15;
	v2 =	vmov v0;
	(ifvalue) =	ssetifvalue $0x7FFFFFFF;
	v0 =	vld.msk [tilespmem:s16+$0x0 ss:$0x1], $0xffff  }
.Ltmp4:
0x39: {  	_ = 	snop;
	(pc) =	sbr.rel .LBB2_4-.Ltmp4, $1  }
0x3a: {  	_ =	sdelay $0x3  }
.LBB2_6:
0x3b: {  	_ =	sfence.sel $0x180000  }
0x3c: {  	s2 =	simm.s32 $0x2;
	[bflag:$0x0] =	sbarrier.arrive $0xFFFF  }
0x3d: {  	s30 =	simm.s32 $0x3;
	[sflag:s2] =	ssyncpa.u1 $0x1  }
0x3e: {  	s31 =	simm.s32 $0x1;
	[sflag:s30] =	ssyncpa.u1 $0x1  }
0x3f: {  	[sflag:s31] =	ssyncpa.u1 $0x1  }
0x40: {  	p0 =	sne.s32 s1, $0x0;
	_ =	strace $0x90000047  }
0x41: {  	s0 =	sadd.s32 @!p0 $0x100000, s0;
	[bflag:$0x2] =	sbarrier.arrive $0xFFFF  }
0x42: {  	[sflag:s0] =	ssyncadd.tile.s32 @!p0 $0x1;
	_ =	shalt  }
.Lfunc_end2:
_tile_overlayer_lowered:
.L_overlay_start_2:
0x43: {  	(tag) =	ssettag $0x2  }
0x44: {  	s0 =	rddreg [dreg:$0x0];
	s2 =	stileid.u32  }
0x45: {  	s1 =	rddreg [dreg:$0x1];
	p0 =	sne.s32 s2, $0x0  }
0x46: {  	s3 =	rddreg [dreg:$0x2];
	[bflag:$0x3] =	sbarrier.arrive $0xFFFF;
	s2 =	simm.s32 @!p0 $0x1C01  }
0x47: {  	[timem:s3], [sflag:s2] =	dma.local @!p0 [hbm:s0], s1  }
0x48: {  	s0 =	simm.s32 @!p0 $0x1  }
0x49: {  	_ =	swait.ge @!p0 [sflag:s0], s1  }
0x4a: {  	s1 =	ssub.s32 @!p0 $0x0, s1;
	[sflag:s0] =	ssyncset.done @!p0 $0x0  }
0x4b: {  	[sflag:s0] =	ssyncadd.s32 @!p0 s1  }
0x4c: {  	[bflag:$0x3] =	sbarrier.arrive $0xFFFF  }
0x4d: {  	_ =	shalt  }

// kernel: gather_offload_async_start
scs
__scs_entry_jumppad:
0x0: {  	(pc) =	sbr.rel $0x88, $3  }
0x1: {  	(tag) =	ssettag $0x0;
	lr =	simm.s32 $0x1  }
0x2: {  	[smem:$0x3F79] =	sst lr;
	_ =	strace $0xD0000000  }
0x3: {  	_ = 	snop  }
0x4: {  	_ = 	snop  }
0x5: {  	_ = 	snop  }
0x6: {  	_ = 	snop  }
0x7: {  	_ = 	snop  }
__scs_overlays_trampoline_lowered:
0x8: {  	[smem:$0x3F88] =	sst s0  }
0x9: {  	[smem:$0x3F89] =	sst s1  }
0xa: {  	[smem:$0x3F8A] =	sst s2  }
0xb: {  	[smem:$0x3F8B] =	sst s3  }
0xc: {  	[smem:$0x3F8C] =	sst s4  }
0xd: {  	[smem:$0x3F8D] =	sst s5  }
0xe: {  	[smem:$0x3F8E] =	sst s6  }
0xf: {  	[smem:$0x3F8F] =	sst s7  }
0x10: {  	[smem:$0x3F90] =	sst s8  }
0x11: {  	[smem:$0x3F91] =	sst s9;
	s0 =	simm.s32 @!p0 $0x0  }
0x12: {  	s1 =	sld [smem:$0x3F77];
	s0 =	simm.s32 @p0 $0x1  }
0x13: {  	[smem:$0x3F92] =	sst s0;
	s0 =	simm.s32 @!p1 $0x0  }
0x14: {  	s2 =	sld [smem:$0x3F76];
	s0 =	simm.s32 @p1 $0x1  }
0x15: {  	[smem:$0x3F93] =	sst s0;
	s0 =	simm.s32 @!p2 $0x0  }
0x16: {  	s3 =	sld [smem:$0x3FDB];
	s0 =	simm.s32 @p2 $0x1  }
0x17: {  	s4 =	simm.s32 $0x1BF5;
	[smem:$0x3F95] =	sst s0  }
0x18: {  	s0 =	sld [smem:$0x3F78];
	_ =	swait.ge [sflag:s4], $0x0  }
0x19: {  	s7 =	sld [smem:$0x3F79]  }
0x1a: {  	s8 =	sadd.s32 $0xFFFFE003, lr  }
0x1b: {  	s9 =	sadd.s32 $0xFFFFFEF7, lr;
	s5 =	simm.s32 $0xFFFFFFFF;
	p2 =	slt.u32 s8, $0xFFFFF086  }
0x1c: {  	p1 =	slt.u32 s9, $0xF7A;
	s5 =	simm.s32 @!p2 $0x0  }
0x1d: {  	s5 =	simm.s32 @p1 $0x1;
	p0 =	seq.s32 s7, s2  }
0x1e: {  	s7 =	smul.u32 @!p0 $0xF7A, s2;
	p2 =	seq.s32 @!p0 s5, $0x0  }
0x1f: {  	s9 =	smul.u32 $0xF7A, s1;
	s8 =	simm.s32 @!p0 $0x1BF5;
	p2 =	por !p2, p0  }
0x20: {  	[sflag:s8] =	ssyncset.s32 @!p0 $0xFFFFF086;
	s6 =	sadd.s32 @!p0 s3, s7;
	s7 =	simm.s32 @!p0 $0x108  }
0x21: {  	s3 =	sadd.s32 s3, s9;
	s6 =	sadd.s32 @!p0 $0x88, s6;
	s7 =	simm.s32 @p2 $0x1082  }
0x22: {  	[simem:s7], [sflag:s8] =	dma.local @!p0 [hbm:s6], $0xF7A  }
0x23: {  	s9 =	sor.u32 $0xD0000000, s2;
	s6 =	simm.s32 $0x108;
	_ =	swait.ge @!p0 [sflag:s8], $0x0  }
0x24: {  	s3 =	sadd.s32 $0x88, s3;
	s6 =	simm.s32 @!p1 $0x1082;
	[sflag:s4] =	ssyncset.s32 $0xFFFFF086  }
0x25: {  	[simem:s6], [sflag:s4] =	dma.local [hbm:s3], $0xF7A  }
0x26: {  	[smem:$0x3F79] =	sst s1;
	(tag) =	ssettag s2;
	_ =	strace s9  }
0x27: {  	s1 =	sld [smem:$0x3F89]  }
0x28: {  	s2 =	sld [smem:$0x3F8A]  }
0x29: {  	s4 =	sld [smem:$0x3F8C]  }
0x2a: {  	p0 =	seq.s32 s5, $0x0;
	s5 =	sld [smem:$0x3F8D]  }
0x2b: {  	s6 =	sld [smem:$0x3F8E]  }
0x2c: {  	s7 =	sld [smem:$0x3F8F]  }
0x2d: {  	s3 =	simm.s32 $0x108;
	s8 =	sld [smem:$0x3F90]  }
0x2e: {  	s3 =	simm.s32 @!p0 $0x1082;
	s9 =	sld [smem:$0x3F91]  }
0x2f: {  	lr =	sadd.s32 s0, s3;
	s0 =	sld [smem:$0x3F88]  }
0x30: {  	s3 =	sld [smem:$0x3F8B]  }
0x31: {  	[smem:$0x3F94] =	sst s10  }
0x32: {  	s10 =	sld [smem:$0x3F92];
	_ =	sdelay $0x3  }
0x33: {  	p0 =	seq.s32 s10, $0x1;
	s10 =	sld [smem:$0x3F94];
	_ =	sdelay $0x3  }
0x34: {  	[smem:$0x3F94] =	sst s10  }
0x35: {  	s10 =	sld [smem:$0x3F93];
	_ =	sdelay $0x3  }
0x36: {  	p1 =	seq.s32 s10, $0x1;
	s10 =	sld [smem:$0x3F94];
	_ =	sdelay $0x3  }
0x37: {  	[smem:$0x3F94] =	sst s10  }
0x38: {  	s10 =	sld [smem:$0x3F95]  }
0x39: {  	_ = 	snop;
	(pc) =	sbr.ind lr, $3  }
0x3a: {  	_ = 	snop  }
0x3b: {  	_ = 	snop  }
0x3c: {  	p2 =	seq.s32 s10, $0x1;
	s10 =	sld [smem:$0x3F94]  }
0x3d: {  	_ =	shalt  }
0x3e: {  	_ =	shalt  }
0x3f: {  	_ =	shalt  }
0x40: {  	_ =	shalt  }
0x41: {  	_ =	shalt  }
0x42: {  	_ =	shalt  }
0x43: {  	_ =	shalt  }
0x44: {  	_ =	shalt  }
0x45: {  	_ =	shalt  }
0x46: {  	_ =	shalt  }
0x47: {  	_ =	shalt  }
0x48: {  	_ =	shalt  }
0x49: {  	_ =	shalt  }
0x4a: {  	_ =	shalt  }
0x4b: {  	_ =	shalt  }
0x4c: {  	_ =	shalt  }
0x4d: {  	_ =	shalt  }
0x4e: {  	_ =	shalt  }
0x4f: {  	_ =	shalt  }
0x50: {  	_ =	shalt  }
0x51: {  	_ =	shalt  }
0x52: {  	_ =	shalt  }
0x53: {  	_ =	shalt  }
0x54: {  	_ =	shalt  }
0x55: {  	_ =	shalt  }
0x56: {  	_ =	shalt  }
0x57: {  	_ =	shalt  }
0x58: {  	_ =	shalt  }
0x59: {  	_ =	shalt  }
0x5a: {  	_ =	shalt  }
0x5b: {  	_ =	shalt  }
0x5c: {  	_ =	shalt  }
0x5d: {  	_ =	shalt  }
0x5e: {  	_ =	shalt  }
0x5f: {  	_ =	shalt  }
0x60: {  	_ =	shalt  }
0x61: {  	_ =	shalt  }
0x62: {  	_ =	shalt  }
0x63: {  	_ =	shalt  }
0x64: {  	_ =	shalt  }
0x65: {  	_ =	shalt  }
0x66: {  	_ =	shalt  }
0x67: {  	_ =	shalt  }
0x68: {  	_ =	shalt  }
0x69: {  	_ =	shalt  }
0x6a: {  	_ =	shalt  }
0x6b: {  	_ =	shalt  }
0x6c: {  	_ =	shalt  }
0x6d: {  	_ =	shalt  }
0x6e: {  	_ =	shalt  }
0x6f: {  	_ =	shalt  }
0x70: {  	_ =	shalt  }
0x71: {  	_ =	shalt  }
0x72: {  	_ =	shalt  }
0x73: {  	_ =	shalt  }
0x74: {  	_ =	shalt  }
0x75: {  	_ =	shalt  }
0x76: {  	_ =	shalt  }
0x77: {  	_ =	shalt  }
0x78: {  	_ =	shalt  }
0x79: {  	_ =	shalt  }
0x7a: {  	_ =	shalt  }
0x7b: {  	_ =	shalt  }
0x7c: {  	_ =	shalt  }
0x7d: {  	_ =	shalt  }
0x7e: {  	_ =	shalt  }
0x7f: {  	_ =	shalt  }
0x80: {  	_ =	shalt  }
0x81: {  	_ =	shalt  }
0x82: {  	_ =	shalt  }
0x83: {  	_ =	shalt  }
0x84: {  	_ =	shalt  }
0x85: {  	_ =	shalt  }
0x86: {  	_ =	shalt  }
0x87: {  	_ =	shalt  }
.Lfunc_end0:
.L_simem_size_0:
called_computation.1_lowered:
.L_overlay_start_0:
0x88: {  	s0 =	sld [smem:$0x3FD9]  }
0x89: {  	s1 =	sld [smem:$0x3FFE];
	_ =	sdelay $0x3  }
0x8a: {  	s0 =	sadd.s32 s1, s0  }
0x8b: {  	[smem:$0x3FA0] =	sst s0  }
0x8c: {  	_ = 	snop  }
0x8d: {  	(tm) =	ssettm $0x1  }
0x8e: {  	s15 =	sld [smem:$0x3FFB];
	_ =	sdelay $0x3  }
0x8f: {  	_ =	strace s15  }
0x90: {  	s0 =	sld [smem:$0x3FFC];
	_ =	sdelay $0x3  }
0x91: {  	_ =	strace s0  }
0x92: {  	s0 =	sld [smem:$0x3FFD];
	_ =	sdelay $0x3  }
0x93: {  	_ =	strace s0  }
0x94: {  	_ =	strace $0x8FFFFFFF  }
0x95: {  	s16 =	sld [smem:$0x3FDB];
	_ =	sdelay $0x1  }
0x96: {  	s17 =	simm.s32 $_scs_section_size  }
0x97: {  	s2 =	simm.s32 $_size__tile_overlayer_lowered;
	s3 =	simm.s32 $_tile_overlayer_lowered  }
0x98: {  	s20 =	simm.s32 $0x1BFF;
	s19 =	sshll.u32 s3, $0x1;
	s0 =	sadd.s32 s17, s16  }
0x99: {  	s4 =	simm.s32 $0x0;
	s18 =	sshll.u32 s2, $0x1;
	s2 =	sadd.s32 s19, s0  }
0x9a: {  	[timem:s4], [sflag:s20] =	dma.local [hbm:s2], s18  }
0x9b: {  	_ =	swait.ge [sflag:s20], s18  }
0x9c: {  	s1 =	ssub.s32 $0x0, s18;
	[sflag:s20] =	ssyncset.done $0x0  }
0x9d: {  	[sflag:s20] =	ssyncadd.s32 s1;
	_ =	sdelay $0x1  }
0x9e: {  	s21 =	simm.s32 $0x1B8B  }
0x9f: {  	_ =	swait.ge [sflag:s21], $0x1  }
0xa0: {  	[sflag:s21] =	ssyncset.done $0x0  }
0xa1: {  	s23 =	simm.s32 $0x1B8E;
	s22 =	sld [smem:$0x3FFE];
	[sflag:s21] =	ssyncadd.s32 $0xFFFFFFFF  }
0xa2: {  	s24 =	simm.s32 $execute0_lowered;
	[smem:$0x3FD2] =	sst s23  }
0xa3: {  	s2 =	sshll.u32 s24, $0x1;
	_ =	strace $0x80000049;
	[dreg:$0x1] =	wrdreg $0xFFFFFFFF  }
0xa4: {  	s25 =	simm.s32 $_size_execute0_lowered;
	s0 =	sadd.s32 s0, s2;
	[dreg:$0x0] =	wrdreg $0x0  }
0xa5: {  	s2 =	sshll.u32 s25, $0x1;
	[dreg:$0x2] =	wrdreg s0  }
0xa6: {  	[dreg:$0x3] =	wrdreg s2  }
0xa7: {  	[dreg:$0x4] =	wrdreg $0xC0  }
0xa8: {  	_ =	task [dreg:s4], $0x5FFFF  }
0xa9: {  	[dreg:$0x1] =	wrdreg $0xFFFFFFFF  }
0xaa: {  	[dreg:$0x0] =	wrdreg $0x60  }
0xab: {  	[dreg:$0x2] =	wrdreg s22  }
0xac: {  	[dreg:$0x3] =	wrdreg $0x9  }
0xad: {  	_ =	task.clear_ibuf [dreg:s4], $0x4FFFF;
	_ =	strace $0x90000049  }
0xae: {  	s26 =	simm.s32 $0x9;
	_ =	strace $0x8000004B  }
0xaf: {  	_ =	swait.ge [sflag:s26], $0x1  }
0xb0: {  	[sflag:s26] =	ssyncadd.s32 $0xFFFFFFFF  }
0xb1: {  	_ =	strace $0x9000004B  }
0xb2: {  	_ =	sfence  }
0xb3: {  	s28 =	sld [smem:$0x0];
	_ =	sdelay $0x1  }
0xb4: {  	s29 =	srdreg.scid  }
0xb5: {  	s30 =	sshll.u32 s29, $0xD;
	s31 =	sshrl.u32 s29, $0x2  }
0xb6: {  	s1 =	sand.u32 $0x1, s29;
	s2 =	sand.u32 $0x4000, s30;
	s0 =	sadd.s32 s31, s28  }
0xb7: {  	s1 =	sor.u32 s2, s1;
	s0 =	sshll.u32 s0, $0x11  }
0xb8: {  	s0 =	sor.u32 s0, s1  }
0xb9: {  	s0 =	sadd.s32 $0x8F2B, s0  }
0xba: {  	[sflag:s0] =	ssyncadd.remote.s32 $0x1  }
0xbb: {  	_ =	sfence.sel $0xFFFF  }
0xbc: {  	[dreg:$0x0] =	wrdreg $0xFFFFFFFF;
	(pc) =	sbr.abs _section_cstart, $3  }
0xbd: {  	[dreg:$0x1] =	wrdreg $0xFFFFFFFF  }
0xbe: {  	_ =	task.clear_ibuf [dreg:s4], $0x2FFFF;
	_ =	strace $0x9FFFFFFF  }
0xbf: {  	(tm) =	ssettm $0x7FFFFFFF  }
tec
execute0_lowered:
.L_overlay_start_1:
0x0: {  	(tag) =	ssettag $0x1  }
0x1: {  	s8 =	rddreg [dreg:$0x0]  }
0x2: {  	s0 =	rddreg [dreg:$0x1];
	_ =	strace $0x8000004A  }
0x3: {  	s4 =	simm.s32 $0x1;
	s1 =	stileid.u32;
	s7 =	simm.s32 $0x1  }
0x4: {  	s9 =	simm.s32 $0x1;
	s6 =	simm.s32 $0x2;
	s10 =	simm.s32 $0x3  }
0x5: {  	s13 =	simm.s32 $0x0;
	s12 =	simm.s32 $0x0;
	s2 =	sadd.s32 $0x3E00, s8  }
.Ltmp0:
0x6: {  	s3 =	sadd.s32 $0x7200, s8;
	p0 =	slt.u32 s1, $0xA;
	(pc) =	sbr.rel .LBB2_1-.Ltmp0, $4  }
0x7: {  	[sflag:s4] =	ssyncpa.u1 $0x0;
	s7 =	simm.s32 @!p0 $0x0;
	p0 =	sne.s32 s1, $0x9  }
0x8: {  	s5 =	smul.u32 $0x7D0, s1;
	[sflag:s6] =	ssyncpa.u1 $0x0;
	s9 =	simm.s32 @!p0 $0x0  }
0x9: {  	s8 =	sadd.s32 $0x45000, s8;
	[sflag:s10] =	ssyncpa.u1 $0x0;
	s7 =	sadd.s32 s9, s7  }
0xa: {  	vm0 =	vmmov $0xffff;
	s10 =	simm.s32 $0x0;
	s11 =	smov.u32 s5;
	s9 =	sadd.s32 $0x1, s7  }
.LBB2_4:
0xb: {  	v2 =	vnsel vm1, $0x0, v2  }
0xc: {  	vm1 =	vgt.s32 v0, $0x0;
	v2 =	vmin.u32 v2, $0xC34F  }
0xd: {  	v0 =	vnsel vm1, $0x0, v0  }
0xe: {  	v0 =	vmin.u32 v0, $0xC34F  }
0xf: {  	[tilespmem:s18], [sflag:$0x1] =	stream.indirect_vreg.gather [hbm4b:s2+s10], $0x1, v1, vm0, $0x4038;
	[tilespmem:$0x1F40] =	vst v63  }
0x10: {  	(ifvalue) =	ssetifvalue $0x7FFFFFFF  }
0x11: {  	[tilespmem:s15], [sflag:$0x1] =	stream.indirect_vreg.gather [hbm4b:s2+s10], $0x1, v2, vm0, $0x4038;
	[tilespmem:$0x1F40] =	vst v63  }
0x12: {  	s29 =	sadd.s32 $0x10, s15;
	(ifvalue) =	ssetifvalue $0x7FFFFFFF  }
0x13: {  	[tilespmem:s29], [sflag:$0x1] =	stream.indirect_vreg.gather [hbm4b:s2+s10], $0x1, v0, vm0, $0x4038;
	[tilespmem:$0x1F40] =	vst v63  }
0x14: {  	_ =	swait.ge [sflag:s4], $0x7D0  }
0x15: {  	s30 =	sshrl.u32 s13, $0x3;
	[sflag:s4] =	ssyncset.done $0x0  }
0x16: {  	s31 =	sand.u32 $0x7, s13;
	s15 =	sadd.s32 s8, s30;
	[sflag:s4] =	ssyncadd.s32 $0xFFFFF830  }
0x17: {  	[hbm4b:s15+s31] =	stream.linear.scatter [tilespmem:s14], [sflag:$0x3], $0x7D0, $0x38;
	[tilespmem:$0x1F40] =	vst v63  }
.LBB2_5:
0x18: {  	s15 =	sadd.s32 $0x7D00, s11  }
0x19: {  	p1 =	sgt.s32 s15, $0xC34F  }
0x1a: {  	s15 =	smov.u32 @p1 s5;
	p1 =	sne.s32 s12, s9  }
.Ltmp1:
0x1b: {  	p0 =	slt.u32 s12, $0x2;
	(pc) =	sbr.rel @!p1 .LBB2_6-.Ltmp1, $4  }
0x1c: {  	s14 =	simm.s32 @!p0 $0x3  }
0x1d: {  	_ =	swait.ge @!p0 [sflag:s14], $0x7D0  }
0x1e: {  	s16 =	sadd.s32 $0x1, s12;
	s13 =	smov.u32 s11;
	[sflag:s14] =	ssyncset.done @!p0 $0x0  }
0x1f: {  	s12 =	smov.u32 s16;
	s11 =	smov.u32 s15;
	[sflag:s14] =	ssyncadd.s32 @!p0 $0xFFFFF830  }
.LBB2_1:
0x20: {  	p0 =	sge.u32 s12, s7  }
0x21: {  	s14 =	sxor.u32 @!p0 $0x1, s12  }
0x22: {  	s14 =	smul.u32 @!p0 $0x1F40, s14  }
0x23: {  	s31 =	sadd.s32 $0xFFFFFFFF, s12;
	s15 =	sshrl.u32 @!p0 s11, $0x3  }
0x24: {  	s16 =	sand.u32 @!p0 $0x7, s11;
	s15 =	sadd.s32 @!p0 s3, s15;
	s14 =	sshra.s32 @!p0 s14, $0x2  }
0x25: {  	[tilespmem:s14], [sflag:$0x2] =	stream.linear.gather @!p0 [hbm4b:s15+s16], $0x7D0, $0x38;
	[tilespmem:$0x1F40] =	vst v63  }
0x26: {  	p0 =	sge.u32 s31, s7  }
.Ltmp2:
0x27: {  	_ = 	snop;
	(pc) =	sbr.rel @p0 .LBB2_5-.Ltmp2, $1  }
0x28: {  	_ =	sdelay $0x3  }
0x29: {  	s14 =	sand.u32 $0x1, s12  }
0x2a: {  	_ =	swait.ge [sflag:s6], $0x7D0;
	p0 =	seq.s32 s14, $0x1;
	s14 =	simm.s32 $0x7D0  }
0x2b: {  	[sflag:s6] =	ssyncset.done $0x0;
	s14 =	simm.s32 @!p0 $0x0  }
0x2c: {  	[sflag:s6] =	ssyncadd.s32 $0xFFFFF830;
	(ifvalue) =	ssetifvalue $0x7FFFFFFF;
	v0 =	vld.msk [tilespmem:s14+$0x0 ss:$0x1], $0xffff;
	_ =	sdelay $0x4  }
0x2d: {  	s15 =	sadd.s32 $0x10, s14;
	vm1 =	vgt.s32 v0, $0x0  }
0x2e: {  	v2 =	vld.msk [tilespmem:s15+$0x0 ss:$0x1], $0xffff;
	v1 =	vnsel vm1, $0x0, v0  }
0x2f: {  	v1 =	vmin.u32 v1, $0xC34F;
	_ =	sdelay $0x2  }
0x30: {  	s17 =	simm.s32 $0x20;
	s14 =	sadd.s32 $0xFA0, s14;
	s16 =	sadd.s32 $0x10, s15  }
0x31: {  	s15 =	sadd.s32 $0x10, s14;
	s18 =	smov.u32 s14;
	v0 =	vld.msk [tilespmem:s16+$0x0 ss:$0x1], $0xffff;
	vm1 =	vgt.s32 v2, $0x0;
	(ifvalue) =	ssetifvalue $0x7FFFFFFF  }
.LBB2_3:
0x32: {  	[tilespmem:s18], [sflag:$0x1] =	stream.indirect_vreg.gather [hbm4b:s2+s10], $0x1, v1, vm0, $0x4038;
	[tilespmem:$0x1F40] =	vst v63  }
0x33: {  	s17 =	sadd.s32 $0x10, s17  }
0x34: {  	v2 =	vnsel vm1, $0x0, v2;
	p0 =	slt.u32 s17, $0x7C0  }
.Ltmp3:
0x35: {  	s18 =	smov.u32 s15;
	v1 =	vmin.u32 v2, $0xC34F;
	(pc) =	sbr.rel @p0 .LBB2_3-.Ltmp3, $3  }
0x36: {  	_ =	sdelay $0x1  }
0x37: {  	s16 =	sadd.s32 $0x10, s16  }
0x38: {  	vm1 =	vgt.s32 v0, $0x0;
	s15 =	sadd.s32 $0x10, s15;
	v2 =	vmov v0;
	(ifvalue) =	ssetifvalue $0x7FFFFFFF;
	v0 =	vld.msk [tilespmem:s16+$0x0 ss:$0x1], $0xffff  }
.Ltmp4:
0x39: {  	_ = 	snop;
	(pc) =	sbr.rel .LBB2_4-.Ltmp4, $1  }
0x3a: {  	_ =	sdelay $0x3  }
.LBB2_6:
0x3b: {  	_ =	sfence.sel $0x180000  }
0x3c: {  	s2 =	simm.s32 $0x2;
	[bflag:$0x0] =	sbarrier.arrive $0xFFFF  }
0x3d: {  	s30 =	simm.s32 $0x3;
	[sflag:s2] =	ssyncpa.u1 $0x1  }
0x3e: {  	s31 =	simm.s32 $0x1;
	[sflag:s30] =	ssyncpa.u1 $0x1  }
0x3f: {  	[sflag:s31] =	ssyncpa.u1 $0x1  }
0x40: {  	p0 =	sne.s32 s1, $0x0;
	_ =	strace $0x9000004A  }
0x41: {  	s0 =	sadd.s32 @!p0 $0x100000, s0;
	[bflag:$0x2] =	sbarrier.arrive $0xFFFF  }
0x42: {  	[sflag:s0] =	ssyncadd.tile.s32 @!p0 $0x1;
	_ =	shalt  }
.Lfunc_end2:
_tile_overlayer_lowered:
.L_overlay_start_2:
0x43: {  	(tag) =	ssettag $0x2  }
0x44: {  	s0 =	rddreg [dreg:$0x0];
	s2 =	stileid.u32  }
0x45: {  	s1 =	rddreg [dreg:$0x1];
	p0 =	sne.s32 s2, $0x0  }
0x46: {  	s3 =	rddreg [dreg:$0x2];
	[bflag:$0x3] =	sbarrier.arrive $0xFFFF;
	s2 =	simm.s32 @!p0 $0x1C01  }
0x47: {  	[timem:s3], [sflag:s2] =	dma.local @!p0 [hbm:s0], s1  }
0x48: {  	s0 =	simm.s32 @!p0 $0x1  }
0x49: {  	_ =	swait.ge @!p0 [sflag:s0], s1  }
0x4a: {  	s1 =	ssub.s32 @!p0 $0x0, s1;
	[sflag:s0] =	ssyncset.done @!p0 $0x0  }
0x4b: {  	[sflag:s0] =	ssyncadd.s32 @!p0 s1  }
0x4c: {  	[bflag:$0x3] =	sbarrier.arrive $0xFFFF  }
0x4d: {  	_ =	shalt  }

// kernel: kernel.11.cloned.1.call-start
scs
__scs_entry_jumppad:
0x0: {  	(pc) =	sbr.rel $0x88, $3  }
0x1: {  	(tag) =	ssettag $0x0;
	lr =	simm.s32 $0x1  }
0x2: {  	[smem:$0x3F79] =	sst lr;
	_ =	strace $0xD0000000  }
0x3: {  	_ = 	snop  }
0x4: {  	_ = 	snop  }
0x5: {  	_ = 	snop  }
0x6: {  	_ = 	snop  }
0x7: {  	_ = 	snop  }
__scs_overlays_trampoline_lowered:
0x8: {  	[smem:$0x3F88] =	sst s0  }
0x9: {  	[smem:$0x3F89] =	sst s1  }
0xa: {  	[smem:$0x3F8A] =	sst s2  }
0xb: {  	[smem:$0x3F8B] =	sst s3  }
0xc: {  	[smem:$0x3F8C] =	sst s4  }
0xd: {  	[smem:$0x3F8D] =	sst s5  }
0xe: {  	[smem:$0x3F8E] =	sst s6  }
0xf: {  	[smem:$0x3F8F] =	sst s7  }
0x10: {  	[smem:$0x3F90] =	sst s8  }
0x11: {  	[smem:$0x3F91] =	sst s9;
	s0 =	simm.s32 @!p0 $0x0  }
0x12: {  	s1 =	sld [smem:$0x3F77];
	s0 =	simm.s32 @p0 $0x1  }
0x13: {  	[smem:$0x3F92] =	sst s0;
	s0 =	simm.s32 @!p1 $0x0  }
0x14: {  	s2 =	sld [smem:$0x3F76];
	s0 =	simm.s32 @p1 $0x1  }
0x15: {  	[smem:$0x3F93] =	sst s0;
	s0 =	simm.s32 @!p2 $0x0  }
0x16: {  	s3 =	sld [smem:$0x3FDB];
	s0 =	simm.s32 @p2 $0x1  }
0x17: {  	s4 =	simm.s32 $0x1BF5;
	[smem:$0x3F95] =	sst s0  }
0x18: {  	s0 =	sld [smem:$0x3F78];
	_ =	swait.ge [sflag:s4], $0x0  }
0x19: {  	s7 =	sld [smem:$0x3F79]  }
0x1a: {  	s8 =	sadd.s32 $0xFFFFE003, lr  }
0x1b: {  	s9 =	sadd.s32 $0xFFFFFEF7, lr;
	s5 =	simm.s32 $0xFFFFFFFF;
	p2 =	slt.u32 s8, $0xFFFFF086  }
0x1c: {  	p1 =	slt.u32 s9, $0xF7A;
	s5 =	simm.s32 @!p2 $0x0  }
0x1d: {  	s5 =	simm.s32 @p1 $0x1;
	p0 =	seq.s32 s7, s2  }
0x1e: {  	s7 =	smul.u32 @!p0 $0xF7A, s2;
	p2 =	seq.s32 @!p0 s5, $0x0  }
0x1f: {  	s9 =	smul.u32 $0xF7A, s1;
	s8 =	simm.s32 @!p0 $0x1BF5;
	p2 =	por !p2, p0  }
0x20: {  	[sflag:s8] =	ssyncset.s32 @!p0 $0xFFFFF086;
	s6 =	sadd.s32 @!p0 s3, s7;
	s7 =	simm.s32 @!p0 $0x108  }
0x21: {  	s3 =	sadd.s32 s3, s9;
	s6 =	sadd.s32 @!p0 $0x88, s6;
	s7 =	simm.s32 @p2 $0x1082  }
0x22: {  	[simem:s7], [sflag:s8] =	dma.local @!p0 [hbm:s6], $0xF7A  }
0x23: {  	s9 =	sor.u32 $0xD0000000, s2;
	s6 =	simm.s32 $0x108;
	_ =	swait.ge @!p0 [sflag:s8], $0x0  }
0x24: {  	s3 =	sadd.s32 $0x88, s3;
	s6 =	simm.s32 @!p1 $0x1082;
	[sflag:s4] =	ssyncset.s32 $0xFFFFF086  }
0x25: {  	[simem:s6], [sflag:s4] =	dma.local [hbm:s3], $0xF7A  }
0x26: {  	[smem:$0x3F79] =	sst s1;
	(tag) =	ssettag s2;
	_ =	strace s9  }
0x27: {  	s1 =	sld [smem:$0x3F89]  }
0x28: {  	s2 =	sld [smem:$0x3F8A]  }
0x29: {  	s4 =	sld [smem:$0x3F8C]  }
0x2a: {  	p0 =	seq.s32 s5, $0x0;
	s5 =	sld [smem:$0x3F8D]  }
0x2b: {  	s6 =	sld [smem:$0x3F8E]  }
0x2c: {  	s7 =	sld [smem:$0x3F8F]  }
0x2d: {  	s3 =	simm.s32 $0x108;
	s8 =	sld [smem:$0x3F90]  }
0x2e: {  	s3 =	simm.s32 @!p0 $0x1082;
	s9 =	sld [smem:$0x3F91]  }
0x2f: {  	lr =	sadd.s32 s0, s3;
	s0 =	sld [smem:$0x3F88]  }
0x30: {  	s3 =	sld [smem:$0x3F8B]  }
0x31: {  	[smem:$0x3F94] =	sst s10  }
0x32: {  	s10 =	sld [smem:$0x3F92];
	_ =	sdelay $0x3  }
0x33: {  	p0 =	seq.s32 s10, $0x1;
	s10 =	sld [smem:$0x3F94];
	_ =	sdelay $0x3  }
0x34: {  	[smem:$0x3F94] =	sst s10  }
0x35: {  	s10 =	sld [smem:$0x3F93];
	_ =	sdelay $0x3  }
0x36: {  	p1 =	seq.s32 s10, $0x1;
	s10 =	sld [smem:$0x3F94];
	_ =	sdelay $0x3  }
0x37: {  	[smem:$0x3F94] =	sst s10  }
0x38: {  	s10 =	sld [smem:$0x3F95]  }
0x39: {  	_ = 	snop;
	(pc) =	sbr.ind lr, $3  }
0x3a: {  	_ = 	snop  }
0x3b: {  	_ = 	snop  }
0x3c: {  	p2 =	seq.s32 s10, $0x1;
	s10 =	sld [smem:$0x3F94]  }
0x3d: {  	_ =	shalt  }
0x3e: {  	_ =	shalt  }
0x3f: {  	_ =	shalt  }
0x40: {  	_ =	shalt  }
0x41: {  	_ =	shalt  }
0x42: {  	_ =	shalt  }
0x43: {  	_ =	shalt  }
0x44: {  	_ =	shalt  }
0x45: {  	_ =	shalt  }
0x46: {  	_ =	shalt  }
0x47: {  	_ =	shalt  }
0x48: {  	_ =	shalt  }
0x49: {  	_ =	shalt  }
0x4a: {  	_ =	shalt  }
0x4b: {  	_ =	shalt  }
0x4c: {  	_ =	shalt  }
0x4d: {  	_ =	shalt  }
0x4e: {  	_ =	shalt  }
0x4f: {  	_ =	shalt  }
0x50: {  	_ =	shalt  }
0x51: {  	_ =	shalt  }
0x52: {  	_ =	shalt  }
0x53: {  	_ =	shalt  }
0x54: {  	_ =	shalt  }
0x55: {  	_ =	shalt  }
0x56: {  	_ =	shalt  }
0x57: {  	_ =	shalt  }
0x58: {  	_ =	shalt  }
0x59: {  	_ =	shalt  }
0x5a: {  	_ =	shalt  }
0x5b: {  	_ =	shalt  }
0x5c: {  	_ =	shalt  }
0x5d: {  	_ =	shalt  }
0x5e: {  	_ =	shalt  }
0x5f: {  	_ =	shalt  }
0x60: {  	_ =	shalt  }
0x61: {  	_ =	shalt  }
0x62: {  	_ =	shalt  }
0x63: {  	_ =	shalt  }
0x64: {  	_ =	shalt  }
0x65: {  	_ =	shalt  }
0x66: {  	_ =	shalt  }
0x67: {  	_ =	shalt  }
0x68: {  	_ =	shalt  }
0x69: {  	_ =	shalt  }
0x6a: {  	_ =	shalt  }
0x6b: {  	_ =	shalt  }
0x6c: {  	_ =	shalt  }
0x6d: {  	_ =	shalt  }
0x6e: {  	_ =	shalt  }
0x6f: {  	_ =	shalt  }
0x70: {  	_ =	shalt  }
0x71: {  	_ =	shalt  }
0x72: {  	_ =	shalt  }
0x73: {  	_ =	shalt  }
0x74: {  	_ =	shalt  }
0x75: {  	_ =	shalt  }
0x76: {  	_ =	shalt  }
0x77: {  	_ =	shalt  }
0x78: {  	_ =	shalt  }
0x79: {  	_ =	shalt  }
0x7a: {  	_ =	shalt  }
0x7b: {  	_ =	shalt  }
0x7c: {  	_ =	shalt  }
0x7d: {  	_ =	shalt  }
0x7e: {  	_ =	shalt  }
0x7f: {  	_ =	shalt  }
0x80: {  	_ =	shalt  }
0x81: {  	_ =	shalt  }
0x82: {  	_ =	shalt  }
0x83: {  	_ =	shalt  }
0x84: {  	_ =	shalt  }
0x85: {  	_ =	shalt  }
0x86: {  	_ =	shalt  }
0x87: {  	_ =	shalt  }
.Lfunc_end0:
.L_simem_size_0:
called_computation.3_lowered:
.L_overlay_start_0:
0x88: {  	s2 =	sld [smem:$0x3FD9]  }
0x89: {  	s3 =	sld [smem:$0x3FFE];
	_ =	sdelay $0x1  }
0x8a: {  	s1 =	srdreg.scid  }
0x8b: {  	s0 =	sand.u32 $0x1, s1  }
0x8c: {  	s14 =	sshll.u32 s0, $0xA;
	s2 =	sadd.s32 s3, s2  }
0x8d: {  	s2 =	sadd.s32 s2, s14  }
0x8e: {  	[smem:$0x3FA0] =	sst s2  }
0x8f: {  	_ = 	snop  }
0x90: {  	s2 =	sld [smem:$0x3FD0];
	_ =	sdelay $0x2  }
0x91: {  	s15 =	simm.s32 $0xB;
	s4 =	simm.s32 $0x10  }
0x92: {  	[smem:s4], [sflag:s15] =	dma.local [hbm:s2], $0x1  }
0x93: {  	_ =	swait.eq [sflag:s15], $0x1  }
0x94: {  	[sflag:s15] =	ssyncset.done $0x0  }
0x95: {  	[sflag:s15] =	ssyncadd.s32 $0xFFFFFFFF  }
0x96: {  	s16 =	sld [smem:$0x11];
	(tm) =	ssettm $0x1  }
0x97: {  	s17 =	sld [smem:$0x3FFB];
	_ =	sdelay $0x3  }
0x98: {  	_ =	strace s17  }
0x99: {  	s3 =	sld [smem:$0x3FFC];
	_ =	sdelay $0x3  }
0x9a: {  	_ =	strace s3  }
0x9b: {  	s3 =	sld [smem:$0x3FFD];
	_ =	sdelay $0x3  }
0x9c: {  	_ =	strace s3  }
0x9d: {  	_ =	strace $0x8FFFFFFF  }
0x9e: {  	s18 =	sld [smem:$0x3FDB];
	_ =	sdelay $0x1  }
0x9f: {  	s19 =	simm.s32 $_scs_section_size  }
0xa0: {  	s5 =	simm.s32 $_size__tile_overlayer_lowered;
	s6 =	simm.s32 $_tile_overlayer_lowered  }
0xa1: {  	s22 =	simm.s32 $0x1BFF;
	s21 =	sshll.u32 s6, $0x1;
	s3 =	sadd.s32 s19, s18  }
0xa2: {  	s7 =	simm.s32 $0x0;
	s20 =	sshll.u32 s5, $0x1;
	s5 =	sadd.s32 s21, s3  }
0xa3: {  	[timem:s7], [sflag:s22] =	dma.local [hbm:s5], s20  }
0xa4: {  	_ =	swait.ge [sflag:s22], s20  }
0xa5: {  	s4 =	ssub.s32 $0x0, s20;
	[sflag:s22] =	ssyncset.done $0x0  }
0xa6: {  	[sflag:s22] =	ssyncadd.s32 s4;
	_ =	sdelay $0x1  }
0xa7: {  	s23 =	simm.s32 $0x1B8B  }
0xa8: {  	_ =	swait.ge [sflag:s23], $0x1  }
0xa9: {  	[sflag:s23] =	ssyncset.done $0x0  }
0xaa: {  	s25 =	simm.s32 $0x1B8E;
	s24 =	sld [smem:$0x3FFE];
	[sflag:s23] =	ssyncadd.s32 $0xFFFFFFFF  }
0xab: {  	s26 =	simm.s32 $execute0_lowered;
	[smem:$0x3FD2] =	sst s25  }
0xac: {  	s5 =	sshll.u32 s26, $0x1;
	_ =	strace $0x8000004C;
	[dreg:$0x1] =	wrdreg $0xFFFFFFFF  }
0xad: {  	s28 =	simm.s32 $_size_execute0_lowered;
	s3 =	sadd.s32 s3, s5;
	[dreg:$0x0] =	wrdreg $0x0  }
0xae: {  	s5 =	sshll.u32 s28, $0x1;
	[dreg:$0x2] =	wrdreg s3  }
0xaf: {  	[dreg:$0x3] =	wrdreg s5  }
0xb0: {  	[dreg:$0x4] =	wrdreg $0xC0  }
0xb1: {  	_ =	task [dreg:s7], $0x5FFFF  }
0xb2: {  	[dreg:$0x1] =	wrdreg $0xFFFFFFFF  }
0xb3: {  	[dreg:$0x0] =	wrdreg $0x60  }
0xb4: {  	[dreg:$0x2] =	wrdreg s24  }
0xb5: {  	[dreg:$0x3] =	wrdreg s16  }
0xb6: {  	[dreg:$0x4] =	wrdreg $0x9  }
0xb7: {  	_ =	task.clear_ibuf [dreg:s7], $0x5FFFF;
	_ =	strace $0x9000004C  }
0xb8: {  	s29 =	simm.s32 $0x9;
	_ =	strace $0x8000004E  }
0xb9: {  	_ =	swait.ge [sflag:s29], $0x1  }
0xba: {  	[sflag:s29] =	ssyncadd.s32 $0xFFFFFFFF  }
0xbb: {  	_ =	strace $0x9000004E  }
0xbc: {  	_ =	sfence  }
0xbd: {  	s30 =	sld [smem:$0x0];
	_ =	sdelay $0x2  }
0xbe: {  	s31 =	sshll.u32 s1, $0xD;
	s1 =	sshrl.u32 s1, $0x2  }
0xbf: {  	s3 =	sand.u32 $0x4000, s31;
	s1 =	sadd.s32 s1, s30  }
0xc0: {  	s0 =	sor.u32 s3, s0;
	s1 =	sshll.u32 s1, $0x11  }
0xc1: {  	s0 =	sor.u32 s1, s0  }
0xc2: {  	s0 =	sadd.s32 $0x8F2B, s0  }
0xc3: {  	[sflag:s0] =	ssyncadd.remote.s32 $0x1  }
0xc4: {  	_ =	sfence.sel $0xFFFF  }
0xc5: {  	[dreg:$0x0] =	wrdreg $0xFFFFFFFF;
	(pc) =	sbr.abs _section_cstart, $3  }
0xc6: {  	[dreg:$0x1] =	wrdreg $0xFFFFFFFF  }
0xc7: {  	_ =	task.clear_ibuf [dreg:s7], $0x2FFFF;
	_ =	strace $0x9FFFFFFF  }
0xc8: {  	(tm) =	ssettm $0x7FFFFFFF  }
0xc9: {  	_ =	shalt  }
tec
execute0_lowered:
.L_overlay_start_1:
0x0: {  	(tag) =	ssettag $0x1  }
0x1: {  	s1 =	srdreg.scid;
	s4 =	rddreg [dreg:$0x0]  }
0x2: {  	s0 =	stileid.u32;
	s2 =	rddreg [dreg:$0x1]  }
0x3: {  	s30 =	simm.s32 $0x900;
	s31 =	simm.s32 $0xD00;
	s11 =	simm.s32 $0x1500  }
0x4: {  	s12 =	simm.s32 $0x1900;
	s13 =	simm.s32 $0x2100;
	s14 =	simm.s32 $0x2500  }
0x5: {  	s15 =	simm.s32 $0x2D00;
	s16 =	simm.s32 $0x3100;
	s17 =	simm.s32 $0x3900  }
0x6: {  	s18 =	simm.s32 $0x3D00;
	s19 =	simm.s32 $0x4500;
	s20 =	simm.s32 $0x4900  }
0x7: {  	s28 =	simm.s32 $0x2;
	s1 =	sand.u32 $0x1, s1;
	s3 =	smul.u32 $0xC80, s0  }
0x8: {  	[dreg:$0x3] =	wrdreg s2;
	s2 =	simm.s32 $0x0;
	s21 =	smul.u32 $0xC800, s0  }
0x9: {  	s29 =	simm.s32 $0x0;
	s5 =	smul.u32 $0x640, s1;
	[smem:$0x7FF] =	sst s2  }
0xa: {  	s8 =	ssub.s32 $0x2, s1;
	s1 =	smul.u32 $0x6400, s1;
	_ =	strace $0x8000004D  }
0xb: {  	s22 =	sshrl.u32 s8, $0x1;
	s10 =	sadd.s32 s21, s4;
	[dreg:$0x6] =	wrdreg s30  }
0xc: {  	[dreg:$0x7] =	wrdreg s31;
	s21 =	simm.s32 $0x5100;
	s3 =	sadd.s32 s5, s3  }
0xd: {  	s23 =	ssub.s32 s8, s22;
	s1 =	sadd.s32 s1, s10;
	s8 =	simm.s32 $0x3  }
0xe: {  	s10 =	simm.s32 $0x100;
	s22 =	simm.s32 $0x5500;
	s5 =	sshrl.u32 s3, $0x3  }
0xf: {  	s3 =	sadd.s32 $0x8C00, s4;
	s24 =	smax.u32 s23, $0x1;
	s23 =	simm.s32 $0x5D00  }
0x10: {  	s6 =	smul.u32 $0x180, s5;
	s7 =	sadd.s32 s5, s4;
	[dreg:$0x8] =	wrdreg s24  }
0x11: {  	s24 =	simm.s32 $0x1;
	s25 =	sadd.s32 $0x46A00, s7;
	s26 =	sadd.s32 $0x3E00, s7  }
0x12: {  	v2 =	vlaneseq.u32;
	s9 =	sadd.s32 s6, s4;
	s4 =	sadd.s32 $0x8D00, s4;
	[dreg:$0x4] =	wrdreg s25  }
0x13: {  	vm0 =	vmmov $0xffff;
	vm1 =	vmmov $0xff;
	v1 =	vshrl.u32 v2, $0x3;
	s6 =	sadd.s32 $0x2A0400, s1;
	[dreg:$0x5] =	wrdreg s26;
	s25 =	simm.s32 $0x40  }
0x14: {  	v0 =	vand.u32 $0x7, v2;
	v2 =	vor.u32 $0x8, v2;
	v1 =	vmul.u32 $0x8, v1;
	s26 =	simm.s32 $0x6100;
	s7 =	sadd.s32 $0x48400, s9;
	s9 =	simm.s32 $0x80  }
.LBB2_1:
0x15: {  	s30 =	smov.u32 s7;
	s31 =	smov.u32 s6;
	s1 =	simm.s32 $0x0  }
.LBB2_2:
0x16: {  	s0 =	rddreg [dreg:$0x5]  }
0x17: {  	s0 =	sadd.s32 s1, s0  }
0x18: {  	[tilespmem:s2], [sflag:$0x3] =	stream.linear.gather [hbm4b:s0+s2], $0x40, $0x38;
	[tilespmem:$0x8100] =	vst v63  }
0x19: {  	_ =	swait.ge [sflag:s8], $0x40  }
0x1a: {  	s5 =	rddreg [dreg:$0x4];
	[sflag:s8] =	ssyncset.done $0x0  }
0x1b: {  	[sflag:s8] =	ssyncadd.s32 $0xFFFFFFC0;
	s0 =	sadd.s32 s1, s5  }
0x1c: {  	[tilespmem:s9], [sflag:$0x3] =	stream.linear.gather [hbm4b:s0+s2], $0x40, $0x38;
	[tilespmem:$0x8100] =	vst v63  }
0x1d: {  	_ =	swait.ge [sflag:s8], $0x40  }
0x1e: {  	[sflag:s8] =	ssyncset.done $0x0  }
0x1f: {  	[sflag:s8] =	ssyncadd.s32 $0xFFFFFFC0  }
0x20: {  	v3 =	vld [tilespmem:$0x0];
	_ =	sdelay $0x4  }
0x21: {  	v4 =	vshrl.u32 v3, $0x3  }
0x22: {  	v4 =	vmul.u32 $0x18, v4  }
0x23: {  	v3 =	vand.u32 $0x7, v3  }
0x24: {  	v3 =	vor.u32 v3, v4  }
0x25: {  	v4 =	vperm.xlane v3, v0;
	_ =	sdelay $0x1  }
0x26: {  	v4 =	vadd.s32 v1, v4;
	_ =	sdelay $0x1  }
0x27: {  	v3 =	vperm.xlane v3, v2;
	_ =	sdelay $0x1  }
0x28: {  	v3 =	vadd.s32 v1, v3  }
0x29: {  	[tilespmem:s10], [sflag:$0x1] =	stream.indirect_vreg.gather [hbm4b:s3+s2], $0x80, v4, vm0, $0xb8;
	[tilespmem:$0x8100] =	vst v63  }
0x2a: {  	s0 =	rddreg [dreg:$0x6]  }
0x2b: {  	[tilespmem:s0], [sflag:$0x1] =	stream.indirect_vreg.gather [hbm4b:s4+s2], $0x80, v4, vm1, $0xb8;
	[tilespmem:$0x8100] =	vst v63  }
0x2c: {  	s5 =	rddreg [dreg:$0x7]  }
0x2d: {  	[tilespmem:s5], [sflag:$0x1] =	stream.indirect_vreg.gather [hbm4b:s3+s2], $0x80, v3, vm0, $0xb8;
	[tilespmem:$0x8100] =	vst v63  }
0x2e: {  	_ = 	snop  }
0x2f: {  	[tilespmem:s11], [sflag:$0x1] =	stream.indirect_vreg.gather [hbm4b:s4+s2], $0x80, v3, vm1, $0xb8;
	[tilespmem:$0x8100] =	vst v63  }
0x30: {  	v3 =	vld [tilespmem:$0x10];
	_ =	sdelay $0x4  }
0x31: {  	v61 =	vshrl.u32 v3, $0x3  }
0x32: {  	v4 =	vmul.u32 $0x18, v61  }
0x33: {  	v3 =	vand.u32 $0x7, v3  }
0x34: {  	v3 =	vor.u32 v3, v4  }
0x35: {  	v4 =	vperm.xlane v3, v0;
	_ =	sdelay $0x1  }
0x36: {  	v4 =	vadd.s32 v1, v4;
	_ =	sdelay $0x1  }
0x37: {  	v3 =	vperm.xlane v3, v2;
	_ =	sdelay $0x1  }
0x38: {  	v3 =	vadd.s32 v1, v3  }
0x39: {  	[tilespmem:s12], [sflag:$0x1] =	stream.indirect_vreg.gather [hbm4b:s3+s2], $0x80, v4, vm0, $0xb8;
	[tilespmem:$0x8100] =	vst v63  }
0x3a: {  	_ = 	snop  }
0x3b: {  	[tilespmem:s13], [sflag:$0x1] =	stream.indirect_vreg.gather [hbm4b:s4+s2], $0x80, v4, vm1, $0xb8;
	[tilespmem:$0x8100] =	vst v63  }
0x3c: {  	_ = 	snop  }
0x3d: {  	[tilespmem:s14], [sflag:$0x1] =	stream.indirect_vreg.gather [hbm4b:s3+s2], $0x80, v3, vm0, $0xb8;
	[tilespmem:$0x8100] =	vst v63  }
0x3e: {  	_ = 	snop  }
0x3f: {  	[tilespmem:s15], [sflag:$0x1] =	stream.indirect_vreg.gather [hbm4b:s4+s2], $0x80, v3, vm1, $0xb8;
	[tilespmem:$0x8100] =	vst v63  }
0x40: {  	v3 =	vld [tilespmem:$0x20];
	_ =	sdelay $0x4  }
0x41: {  	v62 =	vshrl.u32 v3, $0x3  }
0x42: {  	v4 =	vmul.u32 $0x18, v62  }
0x43: {  	v3 =	vand.u32 $0x7, v3  }
0x44: {  	v3 =	vor.u32 v3, v4  }
0x45: {  	v4 =	vperm.xlane v3, v0;
	_ =	sdelay $0x1  }
0x46: {  	v4 =	vadd.s32 v1, v4;
	_ =	sdelay $0x1  }
0x47: {  	v3 =	vperm.xlane v3, v2;
	_ =	sdelay $0x1  }
0x48: {  	v3 =	vadd.s32 v1, v3  }
0x49: {  	[tilespmem:s16], [sflag:$0x1] =	stream.indirect_vreg.gather [hbm4b:s3+s2], $0x80, v4, vm0, $0xb8;
	[tilespmem:$0x8100] =	vst v63  }
0x4a: {  	_ = 	snop  }
0x4b: {  	[tilespmem:s17], [sflag:$0x1] =	stream.indirect_vreg.gather [hbm4b:s4+s2], $0x80, v4, vm1, $0xb8;
	[tilespmem:$0x8100] =	vst v63  }
0x4c: {  	_ = 	snop  }
0x4d: {  	[tilespmem:s18], [sflag:$0x1] =	stream.indirect_vreg.gather [hbm4b:s3+s2], $0x80, v3, vm0, $0xb8;
	[tilespmem:$0x8100] =	vst v63  }
0x4e: {  	_ = 	snop  }
0x4f: {  	[tilespmem:s19], [sflag:$0x1] =	stream.indirect_vreg.gather [hbm4b:s4+s2], $0x80, v3, vm1, $0xb8;
	[tilespmem:$0x8100] =	vst v63  }
0x50: {  	v3 =	vld [tilespmem:$0x30];
	_ =	sdelay $0x4  }
0x51: {  	v63 =	vshrl.u32 v3, $0x3  }
0x52: {  	v4 =	vmul.u32 $0x18, v63  }
0x53: {  	v3 =	vand.u32 $0x7, v3  }
0x54: {  	v3 =	vor.u32 v3, v4  }
0x55: {  	v4 =	vperm.xlane v3, v0;
	_ =	sdelay $0x1  }
0x56: {  	v4 =	vadd.s32 v1, v4;
	_ =	sdelay $0x1  }
0x57: {  	v3 =	vperm.xlane v3, v2;
	_ =	sdelay $0x1  }
0x58: {  	v3 =	vadd.s32 v1, v3  }
0x59: {  	[tilespmem:s20], [sflag:$0x1] =	stream.indirect_vreg.gather [hbm4b:s3+s2], $0x80, v4, vm0, $0xb8;
	[tilespmem:$0x8100] =	vst v63  }
0x5a: {  	_ = 	snop  }
0x5b: {  	[tilespmem:s21], [sflag:$0x1] =	stream.indirect_vreg.gather [hbm4b:s4+s2], $0x80, v4, vm1, $0xb8;
	[tilespmem:$0x8100] =	vst v63  }
0x5c: {  	_ = 	snop  }
0x5d: {  	[tilespmem:s22], [sflag:$0x1] =	stream.indirect_vreg.gather [hbm4b:s3+s2], $0x80, v3, vm0, $0xb8;
	[tilespmem:$0x8100] =	vst v63  }
0x5e: {  	_ = 	snop  }
0x5f: {  	[tilespmem:s23], [sflag:$0x1] =	stream.indirect_vreg.gather [hbm4b:s4+s2], $0x80, v3, vm1, $0xb8;
	[tilespmem:$0x8100] =	vst v63  }
0x60: {  	_ =	swait.ge [sflag:s24], $0x6000  }
0x61: {  	[sflag:s24] =	ssyncset.done $0x0  }
0x62: {  	[sflag:s24] =	ssyncadd.s32 $0xFFFFA000  }
0x63: {  	[hbm4b:s30+s2] =	stream.linear.scatter [tilespmem:s10], [sflag:$0x3], $0x6000, $0x38;
	[tilespmem:$0x8100] =	vst v63  }
0x64: {  	_ =	swait.ge [sflag:s8], $0x6000  }
0x65: {  	[sflag:s8] =	ssyncset.done $0x0  }
0x66: {  	s5 =	rddreg [dreg:$0x3];
	[sflag:s8] =	ssyncadd.s32 $0xFFFFA000  }
0x67: {  	[tilespmem:s26], [sflag:$0x2] =	stream.indirect.gather [hbm4b:s5+s25], $0x80, s9, s25, $0xb8;
	[tilespmem:$0x8100] =	vst v63  }
0x68: {  	_ =	swait.ge [sflag:s28], $0x2000  }
0x69: {  	p0 =	sne.s32 s1, $0xC0;
	[sflag:s28] =	ssyncset.done $0x0  }
.Ltmp0:
0x6a: {  	[sflag:s28] =	ssyncadd.s32 $0xFFFFE000;
	(pc) =	sbr.rel @p0 .LBB2_2-.Ltmp0, $4  }
0x6b: {  	[hbm4b:s31+s2] =	stream.linear.scatter [tilespmem:s26], [sflag:$0x3], $0x2000, $0x38;
	[tilespmem:$0x8100] =	vst v63  }
0x6c: {  	_ =	swait.ge [sflag:s8], $0x2000  }
0x6d: {  	s1 =	sadd.s32 $0x8, s1;
	[sflag:s8] =	ssyncset.done $0x0  }
0x6e: {  	s30 =	sadd.s32 $0xC00, s30;
	s31 =	sadd.s32 $0x400, s31;
	[sflag:s8] =	ssyncadd.s32 $0xFFFFE000  }
0x6f: {  	s29 =	sadd.s32 $0x1, s29;
	s0 =	rddreg [dreg:$0x8]  }
0x70: {  	p0 =	sne.s32 s29, s0  }
.Ltmp1:
0x71: {  	_ = 	snop;
	(pc) =	sbr.rel @p0 .LBB2_1-.Ltmp1, $1  }
0x72: {  	_ =	sdelay $0x3  }
0x73: {  	_ =	sfence.sel $0x180000  }
0x74: {  	[bflag:$0x0] =	sbarrier.arrive $0xFFFF  }
0x75: {  	_ =	strace $0x9000004D  }
0x76: {  	s0 =	stileid.u32;
	[bflag:$0x2] =	sbarrier.arrive $0xFFFF  }
0x77: {  	p0 =	sne.s32 s0, $0x0;
	s0 =	rddreg [dreg:$0x2]  }
0x78: {  	s0 =	sadd.s32 @!p0 $0x100000, s0  }
0x79: {  	[sflag:s0] =	ssyncadd.tile.s32 @!p0 $0x1;
	_ =	shalt  }
.Lfunc_end2:
_tile_overlayer_lowered:
.L_overlay_start_2:
0x7a: {  	(tag) =	ssettag $0x2  }
0x7b: {  	s0 =	rddreg [dreg:$0x0];
	s2 =	stileid.u32  }
0x7c: {  	s1 =	rddreg [dreg:$0x1];
	p0 =	sne.s32 s2, $0x0  }
0x7d: {  	s3 =	rddreg [dreg:$0x2];
	[bflag:$0x3] =	sbarrier.arrive $0xFFFF;
	s2 =	simm.s32 @!p0 $0x1C03  }
0x7e: {  	[timem:s3], [sflag:s2] =	dma.local @!p0 [hbm:s0], s1  }
0x7f: {  	s0 =	simm.s32 @!p0 $0x3  }
0x80: {  	_ =	swait.ge @!p0 [sflag:s0], s1  }
0x81: {  	s1 =	ssub.s32 @!p0 $0x0, s1;
	[sflag:s0] =	ssyncset.done @!p0 $0x0  }
0x82: {  	[sflag:s0] =	ssyncadd.s32 @!p0 s1  }
0x83: {  	[bflag:$0x3] =	sbarrier.arrive $0xFFFF  }
0x84: {  	_ =	shalt  }

// kernel: scatter_offload_async_start
scs
__scs_entry_jumppad:
0x0: {  	(pc) =	sbr.rel $0x88, $3  }
0x1: {  	(tag) =	ssettag $0x0;
	lr =	simm.s32 $0x1  }
0x2: {  	[smem:$0x3F79] =	sst lr;
	_ =	strace $0xD0000000  }
0x3: {  	_ = 	snop  }
0x4: {  	_ = 	snop  }
0x5: {  	_ = 	snop  }
0x6: {  	_ = 	snop  }
0x7: {  	_ = 	snop  }
__scs_overlays_trampoline_lowered:
0x8: {  	[smem:$0x3F88] =	sst s0  }
0x9: {  	[smem:$0x3F89] =	sst s1  }
0xa: {  	[smem:$0x3F8A] =	sst s2  }
0xb: {  	[smem:$0x3F8B] =	sst s3  }
0xc: {  	[smem:$0x3F8C] =	sst s4  }
0xd: {  	[smem:$0x3F8D] =	sst s5  }
0xe: {  	[smem:$0x3F8E] =	sst s6  }
0xf: {  	[smem:$0x3F8F] =	sst s7  }
0x10: {  	[smem:$0x3F90] =	sst s8  }
0x11: {  	[smem:$0x3F91] =	sst s9;
	s0 =	simm.s32 @!p0 $0x0  }
0x12: {  	s1 =	sld [smem:$0x3F77];
	s0 =	simm.s32 @p0 $0x1  }
0x13: {  	[smem:$0x3F92] =	sst s0;
	s0 =	simm.s32 @!p1 $0x0  }
0x14: {  	s2 =	sld [smem:$0x3F76];
	s0 =	simm.s32 @p1 $0x1  }
0x15: {  	[smem:$0x3F93] =	sst s0;
	s0 =	simm.s32 @!p2 $0x0  }
0x16: {  	s3 =	sld [smem:$0x3FDB];
	s0 =	simm.s32 @p2 $0x1  }
0x17: {  	s4 =	simm.s32 $0x1BF5;
	[smem:$0x3F95] =	sst s0  }
0x18: {  	s0 =	sld [smem:$0x3F78];
	_ =	swait.ge [sflag:s4], $0x0  }
0x19: {  	s7 =	sld [smem:$0x3F79]  }
0x1a: {  	s8 =	sadd.s32 $0xFFFFE003, lr  }
0x1b: {  	s9 =	sadd.s32 $0xFFFFFEF7, lr;
	s5 =	simm.s32 $0xFFFFFFFF;
	p2 =	slt.u32 s8, $0xFFFFF086  }
0x1c: {  	p1 =	slt.u32 s9, $0xF7A;
	s5 =	simm.s32 @!p2 $0x0  }
0x1d: {  	s5 =	simm.s32 @p1 $0x1;
	p0 =	seq.s32 s7, s2  }
0x1e: {  	s7 =	smul.u32 @!p0 $0xF7A, s2;
	p2 =	seq.s32 @!p0 s5, $0x0  }
0x1f: {  	s9 =	smul.u32 $0xF7A, s1;
	s8 =	simm.s32 @!p0 $0x1BF5;
	p2 =	por !p2, p0  }
0x20: {  	[sflag:s8] =	ssyncset.s32 @!p0 $0xFFFFF086;
	s6 =	sadd.s32 @!p0 s3, s7;
	s7 =	simm.s32 @!p0 $0x108  }
0x21: {  	s3 =	sadd.s32 s3, s9;
	s6 =	sadd.s32 @!p0 $0x88, s6;
	s7 =	simm.s32 @p2 $0x1082  }
0x22: {  	[simem:s7], [sflag:s8] =	dma.local @!p0 [hbm:s6], $0xF7A  }
0x23: {  	s9 =	sor.u32 $0xD0000000, s2;
	s6 =	simm.s32 $0x108;
	_ =	swait.ge @!p0 [sflag:s8], $0x0  }
0x24: {  	s3 =	sadd.s32 $0x88, s3;
	s6 =	simm.s32 @!p1 $0x1082;
	[sflag:s4] =	ssyncset.s32 $0xFFFFF086  }
0x25: {  	[simem:s6], [sflag:s4] =	dma.local [hbm:s3], $0xF7A  }
0x26: {  	[smem:$0x3F79] =	sst s1;
	(tag) =	ssettag s2;
	_ =	strace s9  }
0x27: {  	s1 =	sld [smem:$0x3F89]  }
0x28: {  	s2 =	sld [smem:$0x3F8A]  }
0x29: {  	s4 =	sld [smem:$0x3F8C]  }
0x2a: {  	p0 =	seq.s32 s5, $0x0;
	s5 =	sld [smem:$0x3F8D]  }
0x2b: {  	s6 =	sld [smem:$0x3F8E]  }
0x2c: {  	s7 =	sld [smem:$0x3F8F]  }
0x2d: {  	s3 =	simm.s32 $0x108;
	s8 =	sld [smem:$0x3F90]  }
0x2e: {  	s3 =	simm.s32 @!p0 $0x1082;
	s9 =	sld [smem:$0x3F91]  }
0x2f: {  	lr =	sadd.s32 s0, s3;
	s0 =	sld [smem:$0x3F88]  }
0x30: {  	s3 =	sld [smem:$0x3F8B]  }
0x31: {  	[smem:$0x3F94] =	sst s10  }
0x32: {  	s10 =	sld [smem:$0x3F92];
	_ =	sdelay $0x3  }
0x33: {  	p0 =	seq.s32 s10, $0x1;
	s10 =	sld [smem:$0x3F94];
	_ =	sdelay $0x3  }
0x34: {  	[smem:$0x3F94] =	sst s10  }
0x35: {  	s10 =	sld [smem:$0x3F93];
	_ =	sdelay $0x3  }
0x36: {  	p1 =	seq.s32 s10, $0x1;
	s10 =	sld [smem:$0x3F94];
	_ =	sdelay $0x3  }
0x37: {  	[smem:$0x3F94] =	sst s10  }
0x38: {  	s10 =	sld [smem:$0x3F95]  }
0x39: {  	_ = 	snop;
	(pc) =	sbr.ind lr, $3  }
0x3a: {  	_ = 	snop  }
0x3b: {  	_ = 	snop  }
0x3c: {  	p2 =	seq.s32 s10, $0x1;
	s10 =	sld [smem:$0x3F94]  }
0x3d: {  	_ =	shalt  }
0x3e: {  	_ =	shalt  }
0x3f: {  	_ =	shalt  }
0x40: {  	_ =	shalt  }
0x41: {  	_ =	shalt  }
0x42: {  	_ =	shalt  }
0x43: {  	_ =	shalt  }
0x44: {  	_ =	shalt  }
0x45: {  	_ =	shalt  }
0x46: {  	_ =	shalt  }
0x47: {  	_ =	shalt  }
0x48: {  	_ =	shalt  }
0x49: {  	_ =	shalt  }
0x4a: {  	_ =	shalt  }
0x4b: {  	_ =	shalt  }
0x4c: {  	_ =	shalt  }
0x4d: {  	_ =	shalt  }
0x4e: {  	_ =	shalt  }
0x4f: {  	_ =	shalt  }
0x50: {  	_ =	shalt  }
0x51: {  	_ =	shalt  }
0x52: {  	_ =	shalt  }
0x53: {  	_ =	shalt  }
0x54: {  	_ =	shalt  }
0x55: {  	_ =	shalt  }
0x56: {  	_ =	shalt  }
0x57: {  	_ =	shalt  }
0x58: {  	_ =	shalt  }
0x59: {  	_ =	shalt  }
0x5a: {  	_ =	shalt  }
0x5b: {  	_ =	shalt  }
0x5c: {  	_ =	shalt  }
0x5d: {  	_ =	shalt  }
0x5e: {  	_ =	shalt  }
0x5f: {  	_ =	shalt  }
0x60: {  	_ =	shalt  }
0x61: {  	_ =	shalt  }
0x62: {  	_ =	shalt  }
0x63: {  	_ =	shalt  }
0x64: {  	_ =	shalt  }
0x65: {  	_ =	shalt  }
0x66: {  	_ =	shalt  }
0x67: {  	_ =	shalt  }
0x68: {  	_ =	shalt  }
0x69: {  	_ =	shalt  }
0x6a: {  	_ =	shalt  }
0x6b: {  	_ =	shalt  }
0x6c: {  	_ =	shalt  }
0x6d: {  	_ =	shalt  }
0x6e: {  	_ =	shalt  }
0x6f: {  	_ =	shalt  }
0x70: {  	_ =	shalt  }
0x71: {  	_ =	shalt  }
0x72: {  	_ =	shalt  }
0x73: {  	_ =	shalt  }
0x74: {  	_ =	shalt  }
0x75: {  	_ =	shalt  }
0x76: {  	_ =	shalt  }
0x77: {  	_ =	shalt  }
0x78: {  	_ =	shalt  }
0x79: {  	_ =	shalt  }
0x7a: {  	_ =	shalt  }
0x7b: {  	_ =	shalt  }
0x7c: {  	_ =	shalt  }
0x7d: {  	_ =	shalt  }
0x7e: {  	_ =	shalt  }
0x7f: {  	_ =	shalt  }
0x80: {  	_ =	shalt  }
0x81: {  	_ =	shalt  }
0x82: {  	_ =	shalt  }
0x83: {  	_ =	shalt  }
0x84: {  	_ =	shalt  }
0x85: {  	_ =	shalt  }
0x86: {  	_ =	shalt  }
0x87: {  	_ =	shalt  }
.Lfunc_end0:
.L_simem_size_0:
called_computation_lowered:
.L_overlay_start_0:
0x88: {  	s2 =	sld [smem:$0x3FD9]  }
0x89: {  	s3 =	sld [smem:$0x3FFE];
	_ =	sdelay $0x1  }
0x8a: {  	s1 =	srdreg.scid  }
0x8b: {  	s0 =	sand.u32 $0x1, s1  }
0x8c: {  	s15 =	sshll.u32 s0, $0xA;
	s2 =	sadd.s32 s3, s2  }
0x8d: {  	s2 =	sadd.s32 s2, s15  }
0x8e: {  	[smem:$0x3FA0] =	sst s2  }
0x8f: {  	_ = 	snop  }
0x90: {  	(tm) =	ssettm $0x1  }
0x91: {  	s16 =	sld [smem:$0x3FFB];
	_ =	sdelay $0x3  }
0x92: {  	_ =	strace s16  }
0x93: {  	s2 =	sld [smem:$0x3FFC];
	_ =	sdelay $0x3  }
0x94: {  	_ =	strace s2  }
0x95: {  	s2 =	sld [smem:$0x3FFD];
	_ =	sdelay $0x3  }
0x96: {  	_ =	strace s2  }
0x97: {  	_ =	strace $0x8FFFFFFF  }
0x98: {  	s17 =	sld [smem:$0x3FDB];
	_ =	sdelay $0x1  }
0x99: {  	s18 =	simm.s32 $_scs_section_size  }
0x9a: {  	s4 =	simm.s32 $_size__tile_overlayer_lowered;
	s5 =	simm.s32 $_tile_overlayer_lowered  }
0x9b: {  	s21 =	simm.s32 $0x1BFF;
	s20 =	sshll.u32 s5, $0x1;
	s2 =	sadd.s32 s18, s17  }
0x9c: {  	s6 =	simm.s32 $0x0;
	s19 =	sshll.u32 s4, $0x1;
	s4 =	sadd.s32 s20, s2  }
0x9d: {  	[timem:s6], [sflag:s21] =	dma.local [hbm:s4], s19  }
0x9e: {  	_ =	swait.ge [sflag:s21], s19  }
0x9f: {  	s3 =	ssub.s32 $0x0, s19;
	[sflag:s21] =	ssyncset.done $0x0  }
0xa0: {  	[sflag:s21] =	ssyncadd.s32 s3;
	_ =	sdelay $0x1  }
0xa1: {  	s22 =	simm.s32 $0x1B8B  }
0xa2: {  	_ =	swait.ge [sflag:s22], $0x1  }
0xa3: {  	[sflag:s22] =	ssyncset.done $0x0  }
0xa4: {  	s23 =	sld [smem:$0x3FFE];
	[sflag:s22] =	ssyncadd.s32 $0xFFFFFFFF  }
0xa5: {  	s25 =	simm.s32 $0x1B8E;
	s24 =	sld [smem:$0x0]  }
0xa6: {  	s26 =	simm.s32 $execute0_lowered;
	[smem:$0x3FD2] =	sst s25  }
0xa7: {  	s5 =	sshll.u32 s26, $0x1;
	_ =	strace $0x8000004F;
	[dreg:$0x1] =	wrdreg $0xFFFFFFFF  }
0xa8: {  	s28 =	simm.s32 $_size_execute0_lowered;
	s2 =	sadd.s32 s2, s5;
	[dreg:$0x0] =	wrdreg $0x0  }
0xa9: {  	s5 =	sshll.u32 s28, $0x1;
	[dreg:$0x2] =	wrdreg s2  }
0xaa: {  	[dreg:$0x3] =	wrdreg s5  }
0xab: {  	[dreg:$0x4] =	wrdreg $0xC0  }
0xac: {  	_ =	task [dreg:s6], $0x5FFFF  }
0xad: {  	[dreg:$0x1] =	wrdreg $0xFFFFFFFF  }
0xae: {  	[dreg:$0x0] =	wrdreg $0x60  }
0xaf: {  	[dreg:$0x2] =	wrdreg s23  }
0xb0: {  	[dreg:$0x3] =	wrdreg s1  }
0xb1: {  	[dreg:$0x4] =	wrdreg s24  }
0xb2: {  	[dreg:$0x5] =	wrdreg $0x9  }
0xb3: {  	_ =	task.clear_ibuf [dreg:s6], $0x6FFFF;
	_ =	strace $0x9000004F  }
0xb4: {  	s29 =	simm.s32 $0x9;
	_ =	strace $0x80000051  }
0xb5: {  	_ =	swait.ge [sflag:s29], $0x1  }
0xb6: {  	[sflag:s29] =	ssyncadd.s32 $0xFFFFFFFF  }
0xb7: {  	_ =	strace $0x90000051  }
0xb8: {  	_ =	sfence  }
0xb9: {  	s30 =	sld [smem:$0x0];
	_ =	sdelay $0x2  }
0xba: {  	s31 =	sshll.u32 s1, $0xD;
	s1 =	sshrl.u32 s1, $0x2  }
0xbb: {  	s3 =	sand.u32 $0x4000, s31;
	s1 =	sadd.s32 s1, s30  }
0xbc: {  	s0 =	sor.u32 s3, s0;
	s1 =	sshll.u32 s1, $0x11  }
0xbd: {  	s0 =	sor.u32 s1, s0  }
0xbe: {  	s0 =	sadd.s32 $0x8F2B, s0  }
0xbf: {  	[sflag:s0] =	ssyncadd.remote.s32 $0x1  }
0xc0: {  	_ =	sfence.sel $0xFFFF  }
0xc1: {  	[dreg:$0x0] =	wrdreg $0xFFFFFFFF;
	(pc) =	sbr.abs _section_cstart, $3  }
0xc2: {  	[dreg:$0x1] =	wrdreg $0xFFFFFFFF  }
0xc3: {  	_ =	task.clear_ibuf [dreg:s6], $0x2FFFF;
	_ =	strace $0x9FFFFFFF  }
0xc4: {  	(tm) =	ssettm $0x7FFFFFFF  }
0xc5: {  	_ =	shalt  }
tec
execute0_lowered:
.L_overlay_start_1:
0x0: {  	(tag) =	ssettag $0x1  }
0x1: {  	s0 =	rddreg [dreg:$0x0]  }
0x2: {  	s2 =	rddreg [dreg:$0x1];
	_ =	strace $0x80000050;
	s1 =	simm.s32 $0x1  }
0x3: {  	s3 =	simm.s32 $0x108;
	v0 =	vimm.s32 $0x0;
	[sflag:s1] =	ssyncpa.u1 $0x0  }
0x4: {  	[tilespmem:s3+$0x70] =	vst v0  }
0x5: {  	[tilespmem:s3+$0x60] =	vst v0  }
0x6: {  	[tilespmem:s3+$0x50] =	vst v0  }
0x7: {  	[tilespmem:s3+$0x40] =	vst v0  }
0x8: {  	[tilespmem:s3+$0x30] =	vst v0  }
0x9: {  	s1 =	sadd.s32 $0x45800, s0;
	s13 =	sadd.s32 $0x368400, s0;
	s6 =	sadd.s32 $0xCDB000, s0;
	[tilespmem:s3+$0x20] =	vst v0  }
0xa: {  	s12 =	sadd.s32 $0x371A00, s0;
	s2 =	sand.u32 $0x1, s2;
	s0 =	simm.s32 $0x40;
	[tilespmem:s3+$0x10] =	vst v0  }
.LBB2_1:
0xb: {  	s0 =	sadd.s32 $0x40, s0;
	[tilespmem:s3+$0x0] =	vst v0;
	s3 =	sadd.s32 $0x80, s3  }
0xc: {  	p0 =	slt.u32 s0, $0x3C40;
	[tilespmem:s3+$0x70] =	vst v0  }
0xd: {  	[tilespmem:s3+$0x60] =	vst v0  }
.Ltmp0:
0xe: {  	[tilespmem:s3+$0x50] =	vst v0;
	(pc) =	sbr.rel @p0 .LBB2_1-.Ltmp0, $4  }
0xf: {  	[tilespmem:s3+$0x40] =	vst v0  }
0x10: {  	[tilespmem:s3+$0x30] =	vst v0  }
0x11: {  	[tilespmem:s3+$0x20] =	vst v0  }
0x12: {  	[tilespmem:s3+$0x10] =	vst v0  }
0x13: {  	s7 =	simm.s32 $0x2;
	s30 =	stileid.u32  }
0x14: {  	s8 =	simm.s32 $0x9;
	s0 =	simm.s32 $0xA;
	s10 =	simm.s32 $0xB  }
0x15: {  	s31 =	smul.u32 $0x4B00, s2;
	s20 =	simm.s32 $0x0;
	p0 =	por $0x0, $0x0  }
.Ltmp1:
0x16: {  	s15 =	simm.s32 $0x1;
	s16 =	simm.s32 $0xC;
	(pc) =	sbr.rel .LBB2_3-.Ltmp1, $4  }
0x17: {  	[tilespmem:s3+$0x0] =	vst v0;
	v0 =	vimm.s32 $0xFFFFFFFF;
	s18 =	simm.s32 $0x0;
	s17 =	simm.s32 $0x0;
	[sflag:s7] =	ssyncpa.u1 $0x0  }
0x18: {  	s9 =	smul.u32 $0x2580, s30;
	s14 =	sshll.u32 s30, $0x8;
	[tilespmem:$0xF208] =	vst v0;
	[sflag:s8] =	ssyncpa.u1 $0x0  }
0x19: {  	s12 =	sadd.s32 s31, s12;
	s13 =	sadd.s32 s31, s13;
	[sflag:s0] =	ssyncpa.u1 $0x0  }
0x1a: {  	v0 =	vlaneseq.u32;
	s11 =	sadd.s32 $0x2580, s9;
	s19 =	smov.u32 s9;
	[sflag:s10] =	ssyncpa.u1 $0x0  }
.LBB2_18:
0x1b: {  	s0 =	sshrl.u32 s29, $0x2  }
.LBB2_20:
0x1c: {  	_ =	swait.ge [sflag:s16], s0  }
0x1d: {  	s31 =	ssub.s32 $0x0, s0;
	v1 =	vmov s23;
	vm0 =	veq.s32 v0, $0x0;
	[sflag:s16] =	ssyncset.done $0x0  }
0x1e: {  	vm15 =	veq.s32 v0, $0x2;
	v1 =	vsel vm0, s28, v1;
	[sflag:s16] =	ssyncadd.s32 s31  }
0x1f: {  	v1 =	vsel vm15, s20, v1;
	[sflag:s16] =	ssyncpa.u1 $0x1  }
0x20: {  	[tilespmem:$0xF208] =	vst v1  }
.LBB2_21:
0x21: {  	s0 =	sadd.s32 $0xF0, s19  }
0x22: {  	s3 =	smov.u32 s9;
	s17 =	sadd.s32 $0x1, s17;
	p1 =	slt.s32 s0, s11  }
0x23: {  	s3 =	smov.u32 @p1 s0;
	p1 =	sne.s32 s17, $0x2A  }
.Ltmp2:
0x24: {  	_ = 	snop;
	(pc) =	sbr.rel @!p1 .LBB2_22-.Ltmp2, $3  }
0x25: {  	_ =	sdelay $0x1  }
0x26: {  	s20 =	smov.u32 s18  }
0x27: {  	s18 =	smov.u32 s19;
	p0 =	por !p0, !p0;
	s19 =	smov.u32 s3  }
.LBB2_3:
0x28: {  	p1 =	sgt.u32 s17, $0x27  }
0x29: {  	s0 =	smul.u32 @!p1 $0xAB, s17;
	_ =	sdelay $0x1  }
0x2a: {  	s0 =	sshrl.u32 @!p1 s0, $0x9  }
0x2b: {  	s4 =	smov.u32 s19;
	p2 =	sgt.s32 @!p1 s19, $0x25710;
	s0 =	sand.u32 @!p1 $0x7F, s0  }
0x2c: {  	s5 =	sshra.s32 @!p1 s19, $0x1F;
	p2 =	por !p2, p1;
	s0 =	smul.u32 @!p1 $0x3, s0  }
0x2d: {  	s5 =	sand.u32 @!p1 s5, s19;
	s4 =	simm.s32 @p2 $0x25710  }
0x2e: {  	s4 =	ssub.s32 @!p1 s4, s5;
	s0 =	ssub.s32 @!p1 s17, s0  }
0x2f: {  	s4 =	sadd.s32 @!p1 $0xFFFDA8F0, s4;
	s0 =	sand.u32 @!p1 $0xFF, s0  }
0x30: {  	s5 =	sshll.u32 @!p1 s4, $0x2;
	p2 =	sgt.s32 @!p1 s4, $0xEF;
	s0 =	smul.u32 @!p1 $0x3C0, s0  }
0x31: {  	s21 =	sand.u32 @!p1 $0x7, s19;
	s4 =	ssub.s32 @!p1 $0x3C0, s5;
	p2 =	por !p2, p1  }
0x32: {  	s5 =	sshrl.u32 @!p1 s19, $0x3;
	s4 =	sshrl.u32 @!p1 s4, $0x2;
	s0 =	sshrl.u32 @!p1 s0, $0x2  }
0x33: {  	s5 =	sadd.s32 @!p1 s5, s12;
	s4 =	simm.s32 @!p2 $0x0;
	s0 =	sadd.s32 @!p1 $0x10248, s0  }
0x34: {  	[tilespmem:s0], [sflag:$0xA] =	stream.linear.gather @!p1 [hbm4b:s5+s21], s4, $0x38;
	[tilespmem:$0x1F6F8] =	vst v63  }
0x35: {  	s0 =	sadd.s32 $0xFFFFFFFF, s17  }
0x36: {  	p1 =	sgt.u32 s0, $0x27  }
0x37: {  	p2 =	sgt.s32 @!p1 s18, $0x25710  }
0x38: {  	s4 =	smov.u32 s18;
	s5 =	sshra.s32 @!p1 s18, $0x1F;
	p2 =	por !p2, p1  }
0x39: {  	s21 =	smul.u32 @!p1 $0xAB, s0;
	s5 =	sand.u32 @!p1 s5, s18;
	s4 =	simm.s32 @p2 $0x25710  }
0x3a: {  	s4 =	ssub.s32 @!p1 s4, s5  }
0x3b: {  	s5 =	sshrl.u32 @!p1 s21, $0x9;
	s4 =	sadd.s32 @!p1 $0xFFFDA8F0, s4  }
0x3c: {  	s22 =	sand.u32 @!p1 $0x1, s0;
	s5 =	sand.u32 @!p1 $0x7F, s5;
	s21 =	sshll.u32 @!p1 s4, $0x2  }
0x3d: {  	p2 =	sgt.s32 @!p1 s4, $0xEF;
	s5 =	smul.u32 @!p1 $0x3, s5;
	s4 =	ssub.s32 @!p1 $0x3C0, s21  }
0x3e: {  	s23 =	smul.u32 @!p1 $0x3C0, s22;
	p2 =	por !p2, p1;
	s4 =	sshrl.u32 @!p1 s4, $0x2  }
0x3f: {  	s21 =	simm.s32 @!p1 $0xA;
	s0 =	ssub.s32 @!p1 s0, s5;
	s4 =	simm.s32 @!p2 $0x0  }
0x40: {  	s22 =	smul.u32 @!p1 $0x1E000, s22;
	s0 =	sand.u32 @!p1 $0xFF, s0;
	_ =	swait.ge @!p1 [sflag:s21], s4  }
0x41: {  	s5 =	ssub.s32 @!p1 $0x0, s4;
	s0 =	smul.u32 @!p1 $0x3C0, s0;
	[sflag:s21] =	ssyncset.done @!p1 $0x0  }
0x42: {  	[sflag:s21] =	ssyncadd.s32 @!p1 s5;
	s5 =	sshrl.u32 @!p1 s18, $0x3;
	s21 =	sshrl.u32 @!p1 s23, $0x2  }
0x43: {  	s23 =	sand.u32 @!p1 $0x7, s18;
	s5 =	sadd.s32 @!p1 s5, s13;
	s21 =	sadd.s32 @!p1 $0x10518, s21  }
0x44: {  	[tilespmem:s21], [sflag:$0xB] =	stream.linear.gather @!p1 [hbm4b:s5+s23], s4, $0x38;
	[tilespmem:$0x1F6F8] =	vst v63  }
0x45: {  	s0 =	sshrl.u32 @!p1 s0, $0x2;
	s4 =	sshrl.u32 @!p1 s22, $0x2  }
0x46: {  	s0 =	sadd.s32 @!p1 $0x10248, s0;
	s5 =	simm.s32 @!p1 $0xF0;
	s4 =	sor.u32 @!p1 $0x106F8, s4  }
0x47: {  	[tilespmem:s4], [sflag:$0x9] =	stream.indirect.gather @!p1 [hbm4b:s6+s5], $0x80, s0, s5, $0xb8;
	[tilespmem:$0x1F6F8] =	vst v63  }
0x48: {  	p1 =	slt.u32 s17, $0x2  }
.Ltmp3:
0x49: {  	_ = 	snop;
	(pc) =	sbr.rel @p1 .LBB2_21-.Ltmp3, $1  }
0x4a: {  	_ =	sdelay $0x3  }
0x4b: {  	p1 =	sgt.s32 s20, $0x25710;
	s0 =	smov.u32 s20;
	s4 =	sshra.s32 s20, $0x1F  }
0x4c: {  	s0 =	simm.s32 @!p1 $0x25710;
	s4 =	sand.u32 s4, s20  }
0x4d: {  	s0 =	ssub.s32 s0, s4  }
0x4e: {  	s0 =	sadd.s32 $0xFFFDA8F0, s0  }
0x4f: {  	s30 =	sshll.u32 s0, $0x2  }
0x50: {  	_ =	swait.ge [sflag:s8], $0x7800;
	s4 =	ssub.s32 $0x3C0, s30  }
0x51: {  	[sflag:s8] =	ssyncset.done $0x0;
	p1 =	sgt.s32 s0, $0xEF;
	s0 =	sshrl.u32 s4, $0x2  }
0x52: {  	[sflag:s8] =	ssyncadd.s32 $0xFFFF8800;
	s0 =	simm.s32 @p1 $0x0  }
0x53: {  	_ =	swait.ge [sflag:s10], s0  }
0x54: {  	s0 =	ssub.s32 $0x0, s0;
	[sflag:s10] =	ssyncset.done $0x0  }
0x55: {  	[sflag:s10] =	ssyncadd.s32 s0  }
0x56: {  	v1 =	vld [tilespmem:$0xF208];
	_ =	sdelay $0x4  }
0x57: {  	(v2sf) =	vpush v1, $0x0  }
0x58: {  	(v2sf) =	vpush v1, $0x1  }
0x59: {  	(v2sf) =	vpush v1, $0x2;
	_ =	sdelay $0x3  }
0x5a: {  	s0 =	sadd.s32 $0xF0, s20  }
0x5b: {  	s4 =	ssub.s32 $0x4B000, s20;
	p1 =	slt.s32 s11, s0  }
0x5c: {  	s0 =	smov.u32 @p1 s11;
	p1 =	sgt.s32 s4, $0x0  }
0x5d: {  	s21 =	ssub.s32 s0, s20;
	s4 =	simm.s32 @!p1 $0x0  }
0x5e: {  	p1 =	slt.s32 s4, s21  }
0x5f: {  	s21 =	smov.u32 @p1 s4  }
0x60: {  	s24 =	simm.s32 $0x1;
	p1 =	slt.s32 s21, $0x1  }
.Ltmp4:
0x61: {  	s24 =	simm.s32 @!p0 $0x0;
	(pc) =	sbr.rel @p1 .LBB2_8-.Ltmp4, $4  }
0x62: {  	s31 =	smul.u32 $0x3C0, s24  }
0x63: {  	s25 =	spop (v2sf)  }
0x64: {  	s0 =	sshrl.u32 s31, $0x2;
	s28 =	spop (v2sf)  }
0x65: {  	s22 =	sadd.s32 $0x10518, s0;
	s20 =	spop (v2sf)  }
0x66: {  	s0 =	smin.u32 s21, $0x10  }
0x67: {  	v1 =	vmov s0  }
0x68: {  	p2 =	sgt.s32 s21, $0x10;
	vm1 =	vgt.u32 v1, v0  }
.Ltmp5:
0x69: {  	_ = 	snop;
	(pc) =	sbr.rel @!p2 .LBB2_7-.Ltmp5, $2  }
0x6a: {  	_ =	sdelay $0x2  }
0x6b: {  	s26 =	simm.s32 $0x10;
	s29 =	sadd.s32 $0xFFFFFFF0, s21;
	s23 =	smov.u32 s22;
	vm0 =	vmmov vm1  }
.LBB2_6:
0x6c: {  	s0 =	smin.u32 s29, $0x10;
	s26 =	sadd.s32 $0x10, s26;
	v1 =	vld.msk [tilespmem:s23+$0x0 ss:$0x1], vm1  }
0x6d: {  	v2 =	vmov s0;
	p2 =	slt.s32 s26, s21  }
0x6e: {  	vm1 =	vgt.u32 v2, v0  }
.Ltmp6:
0x6f: {  	(pc) =	sbr.rel @p2 .LBB2_6-.Ltmp6, $3  }
0x70: {  	_ =	sdelay $0x1  }
0x71: {  	v1 =	vshll.u32 v1, $0x4  }
0x72: {  	s29 =	sadd.s32 $0xFFFFFFF0, s29;
	[tilespmem:s23+$0x0] =	vst.msk vm0, v1;
	s23 =	sadd.s32 $0x10, s23;
	vm0 =	vmmov vm1  }
.LBB2_7:
0x73: {  	_ =	sdelay $0x4  }
0x74: {  	v1 =	vld.msk [tilespmem:s23+$0x0 ss:$0x1], vm1;
	_ =	sdelay $0x4  }
0x75: {  	v1 =	vshll.u32 v1, $0x4  }
0x76: {  	[tilespmem:s23+$0x0] =	vst.msk vm0, v1  }
.LBB2_8:
0x77: {  	s0 =	sand.u32 $0x1, s17  }
0x78: {  	s0 =	smul.u32 $0xF0, s0  }
0x79: {  	p2 =	sne.s32 s28, $0xFFFFFFFF  }
0x7a: {  	v1 =	vld.msk @!p2 [tilespmem:s0+$0x10518], $0x1;
	_ =	sdelay $0x4  }
0x7b: {  	(v2sf) =	vpush @!p2 v1, $0x0;
	_ =	sdelay $0xc  }
.Ltmp7:
0x7c: {  	_ = 	snop;
	(pc) =	sbr.rel @p1 .LBB2_19-.Ltmp7, $4  }
0x7d: {  	_ = 	snop  }
0x7e: {  	s26 =	spop @!p2 (v2sf)  }
0x7f: {  	s20 =	simm.s32 @!p2 $0x0;
	s23 =	smov.u32 s26  }
0x80: {  	[sflag:s16] =	ssyncpa.u1 $0x0;
	s26 =	smov.u32 @p2 s25;
	s23 =	smov.u32 @p2 s28  }
0x81: {  	v1 =	vld.msk [tilespmem:s22+$0x0], $0x1;
	_ =	sdelay $0x4  }
0x82: {  	(v2sf) =	vpush v1, $0x0;
	_ =	sdelay $0xe  }
0x83: {  	s0 =	smul.u32 $0x1E000, s24;
	s30 =	spop (v2sf)  }
0x84: {  	p1 =	seq.s32 s26, s30  }
0x85: {  	s28 =	sadd.s32 $0xFFFFFFFF, s21;
	s0 =	sshrl.u32 s0, $0x2;
	p2 =	sgt.s32 @!p1 s26, $0x0  }
0x86: {  	s24 =	sor.u32 $0x10738, s0;
	s0 =	smov.u32 s26;
	p2 =	por !p2, p1  }
0x87: {  	s0 =	simm.s32 @p2 $0x0;
	p2 =	sne.s32 s28, $0x0  }
.Ltmp8:
0x88: {  	_ = 	snop;
	(pc) =	sbr.rel @!p2 .LBB2_11-.Ltmp8, $4  }
0x89: {  	_ = 	snop  }
0x8a: {  	s25 =	simm.s32 $0x0;
	s31 =	simm.s32 @!p1 $0x1;
	s4 =	smin.u32 @!p1 s0, $0x757F0  }
0x8b: {  	s29 =	sadd.s32 $0x1, s22;
	s31 =	smov.u32 @p1 s25;
	s5 =	sand.u32 @!p1 $0x7FFF8, s4  }
0x8c: {  	s0 =	simm.s32 @!p1 $0x7988;
	s4 =	sand.u32 @!p1 $0x7, s4;
	s5 =	sadd.s32 @!p1 s1, s5  }
.LBB2_10:
0x8d: {  	s3 =	smov.u32 s31  }
0x8e: {  	[tilespmem:s0], [sflag:$0x2] =	stream.linear.gather @!p1 [hbm4b:s5+s4], $0x80, $0x38;
	[tilespmem:$0x1F6F8] =	vst v63  }
0x8f: {  	s28 =	sadd.s32 $0xFFFFFFFF, s28;
	s4 =	smov.u32 s30;
	v1 =	vld.msk [tilespmem:s29+$0x0], $0x1  }
0x90: {  	p2 =	sne.s32 s28, $0x0;
	_ =	sdelay $0x3  }
0x91: {  	(v2sf) =	vpush v1, $0x0;
	_ =	sdelay $0xe  }
0x92: {  	s30 =	spop (v2sf)  }
0x93: {  	p1 =	seq.s32 s4, s30  }
0x94: {  	p3 =	sgt.s32 @!p1 s4, $0x0;
	s0 =	sshll.u32 @!p1 s31, $0x9;
	s31 =	sadd.s32 @!p1 $0x1, s31  }
.Ltmp9:
0x95: {  	p3 =	por !p3, p1;
	s0 =	sshra.s32 @!p1 s0, $0x2;
	(pc) =	sbr.rel @p2 .LBB2_10-.Ltmp9, $4  }
0x96: {  	s31 =	smov.u32 @p1 s3;
	s4 =	simm.s32 @p3 $0x0;
	s0 =	sadd.s32 @!p1 $0x7988, s0  }
0x97: {  	s3 =	smin.u32 @!p1 s4, $0x757F0  }
0x98: {  	s5 =	sand.u32 @!p1 $0x7FFF8, s3;
	s4 =	sand.u32 @!p1 $0x7, s3  }
0x99: {  	s29 =	sadd.s32 $0x1, s29;
	s5 =	sadd.s32 @!p1 s1, s5  }
.LBB2_11:
0x9a: {  	[tilespmem:s0], [sflag:$0x2] =	stream.linear.gather @!p1 [hbm4b:s5+s4], $0x80, $0x38;
	[tilespmem:$0x1F6F8] =	vst v63  }
.Ltmp10:
0x9b: {  	s31 =	sshll.u32 s31, $0x7;
	(pc) =	sbr.rel .LBB2_12-.Ltmp10, $4  }
0x9c: {  	s0 =	sand.u32 $0x3FFFFF80, s31  }
0x9d: {  	_ =	swait.ge [sflag:s7], s0  }
0x9e: {  	s0 =	ssub.s32 $0x0, s0;
	[sflag:s7] =	ssyncset.done $0x0  }
0x9f: {  	s29 =	simm.s32 $0x0;
	[sflag:s7] =	ssyncadd.s32 s0  }
.LBB2_13:
0xa0: {  	v1 =	vld [tilespmem:s24+$0xFFFFFFC0];
	_ =	sdelay $0x3  }
0xa1: {  	s0 =	sshra.s32 s0, $0x2  }
0xa2: {  	[tilespmem:s0+$0x108] =	vst.add.f32.msk $0xffff, v1  }
0xa3: {  	v1 =	vld [tilespmem:s24+$0xFFFFFFD0];
	_ =	sdelay $0x4  }
0xa4: {  	[tilespmem:s0+$0x118] =	vst.add.f32.msk $0xffff, v1  }
0xa5: {  	v1 =	vld [tilespmem:s24+$0xFFFFFFE0];
	_ =	sdelay $0x4  }
0xa6: {  	[tilespmem:s0+$0x128] =	vst.add.f32.msk $0xffff, v1  }
0xa7: {  	v1 =	vld [tilespmem:s24+$0xFFFFFFF0];
	_ =	sdelay $0x4  }
0xa8: {  	[tilespmem:s0+$0x138] =	vst.add.f32.msk $0xffff, v1  }
0xa9: {  	v1 =	vld [tilespmem:s24+$0x0];
	_ =	sdelay $0x4  }
0xaa: {  	[tilespmem:s0+$0x148] =	vst.add.f32.msk $0xffff, v1  }
0xab: {  	v1 =	vld [tilespmem:s24+$0x10];
	_ =	sdelay $0x4  }
0xac: {  	[tilespmem:s0+$0x158] =	vst.add.f32.msk $0xffff, v1  }
0xad: {  	v1 =	vld [tilespmem:s24+$0x20];
	_ =	sdelay $0x4  }
0xae: {  	[tilespmem:s0+$0x168] =	vst.add.f32.msk $0xffff, v1  }
0xaf: {  	v1 =	vld [tilespmem:s24+$0x30];
	_ =	sdelay $0x4  }
0xb0: {  	[tilespmem:s0+$0x178] =	vst.add.f32.msk $0xffff, v1  }
.LBB2_17:
0xb1: {  	s21 =	sadd.s32 $0xFFFFFFFF, s21  }
0xb2: {  	p1 =	sne.s32 s21, $0x0  }
.Ltmp11:
0xb3: {  	_ = 	snop;
	(pc) =	sbr.rel @!p1 .LBB2_18-.Ltmp11, $2  }
0xb4: {  	_ =	sdelay $0x2  }
0xb5: {  	s22 =	sadd.s32 $0x1, s22;
	s24 =	sadd.s32 $0x80, s24;
	s26 =	smov.u32 s28  }
.LBB2_12:
0xb6: {  	v1 =	vld.msk [tilespmem:s22+$0x0], $0x1;
	_ =	sdelay $0x4  }
0xb7: {  	(v2sf) =	vpush v1, $0x0;
	_ =	sdelay $0xe  }
0xb8: {  	s28 =	spop (v2sf)  }
0xb9: {  	p1 =	sne.s32 s26, s28  }
.Ltmp12:
0xba: {  	_ = 	snop;
	(pc) =	sbr.rel @!p1 .LBB2_13-.Ltmp12, $2  }
0xbb: {  	_ =	sdelay $0x2  }
0xbc: {  	s0 =	sshll.u32 s20, $0x9  }
0xbd: {  	p1 =	seq.s32 s26, s23  }
.Ltmp13:
0xbe: {  	_ = 	snop;
	(pc) =	sbr.rel @!p1 .LBB2_15-.Ltmp13, $1  }
0xbf: {  	_ =	sdelay $0x3  }
0xc0: {  	s0 =	sshra.s32 s0, $0x2  }
.Ltmp14:
0xc1: {  	s0 =	sadd.s32 $0x108, s0;
	(pc) =	sbr.rel .LBB2_16-.Ltmp14, $4  }
0xc2: {  	[spmem:s14] =	stream.linear.scatter [tilespmem:s0], [sflag:$0x1], $0x80, $0x38;
	[tilespmem:$0x1F6F8] =	vst v63  }
0xc3: {  	_ =	swait.ge [sflag:s15], $0x80  }
0xc4: {  	[sflag:s15] =	ssyncset.done $0x0  }
0xc5: {  	[sflag:s15] =	ssyncadd.s32 $0xFFFFFF80  }
.LBB2_15:
0xc6: {  	s3 =	sshll.u32 s25, $0x9  }
0xc7: {  	s3 =	sshra.s32 s3, $0x2  }
0xc8: {  	v1 =	vld [tilespmem:s3+$0x7988];
	_ =	sdelay $0x3  }
0xc9: {  	s0 =	sshra.s32 s0, $0x2  }
0xca: {  	[tilespmem:s0+$0x108] =	vst.add.f32.msk $0xffff, v1  }
0xcb: {  	v1 =	vld [tilespmem:s3+$0x7998];
	_ =	sdelay $0x4  }
0xcc: {  	[tilespmem:s0+$0x118] =	vst.add.f32.msk $0xffff, v1  }
0xcd: {  	v1 =	vld [tilespmem:s3+$0x79A8];
	_ =	sdelay $0x4  }
0xce: {  	[tilespmem:s0+$0x128] =	vst.add.f32.msk $0xffff, v1  }
0xcf: {  	v1 =	vld [tilespmem:s3+$0x79B8];
	_ =	sdelay $0x4  }
0xd0: {  	[tilespmem:s0+$0x138] =	vst.add.f32.msk $0xffff, v1  }
0xd1: {  	v1 =	vld [tilespmem:s3+$0x79C8];
	_ =	sdelay $0x4  }
0xd2: {  	[tilespmem:s0+$0x148] =	vst.add.f32.msk $0xffff, v1  }
0xd3: {  	v1 =	vld [tilespmem:s3+$0x79D8];
	_ =	sdelay $0x4  }
0xd4: {  	[tilespmem:s0+$0x158] =	vst.add.f32.msk $0xffff, v1  }
0xd5: {  	v1 =	vld [tilespmem:s3+$0x79E8];
	_ =	sdelay $0x4  }
0xd6: {  	[tilespmem:s0+$0x168] =	vst.add.f32.msk $0xffff, v1  }
0xd7: {  	v1 =	vld [tilespmem:s3+$0x79F8];
	_ =	sdelay $0x2  }
0xd8: {  	p1 =	sgt.u32 s26, $0x757F0  }
0xd9: {  	s3 =	sand.u32 @!p1 $0x7FFF8, s26  }
0xda: {  	s4 =	sadd.s32 $0x108, s0;
	[tilespmem:s0+$0x178] =	vst.add.f32.msk $0xffff, v1;
	s0 =	sadd.s32 @!p1 s1, s3;
	s3 =	sand.u32 @!p1 $0x7, s26  }
0xdb: {  	[hbm4b:s0+s3] =	stream.linear.scatter @!p1 [tilespmem:s4], [sflag:$0xC], $0x80, $0x38;
	[tilespmem:$0x1F6F8] =	vst v63  }
0xdc: {  	s0 =	simm.s32 $0x0  }
0xdd: {  	s0 =	simm.s32 @!p1 $0x200  }
0xde: {  	s29 =	sadd.s32 s0, s29  }
.LBB2_16:
0xdf: {  	s0 =	sadd.s32 $0x1, s20  }
0xe0: {  	s3 =	smulhi.u32 $0x88888889, s0;
	_ =	sdelay $0x1  }
0xe1: {  	v1 =	vld [tilespmem:s24+$0xFFFFFFC0];
	s3 =	sshrl.u32 s3, $0x7  }
0xe2: {  	s3 =	smul.u32 $0xF0, s3;
	_ =	sdelay $0x1  }
0xe3: {  	s20 =	ssub.s32 s0, s3  }
0xe4: {  	s0 =	sshll.u32 s20, $0x7  }
0xe5: {  	[tilespmem:s0+$0x108] =	vst v1  }
0xe6: {  	v1 =	vld [tilespmem:s24+$0xFFFFFFD0];
	_ =	sdelay $0x4  }
0xe7: {  	[tilespmem:s0+$0x118] =	vst v1  }
0xe8: {  	v1 =	vld [tilespmem:s24+$0xFFFFFFE0];
	_ =	sdelay $0x4  }
0xe9: {  	[tilespmem:s0+$0x128] =	vst v1  }
0xea: {  	v1 =	vld [tilespmem:s24+$0xFFFFFFF0];
	_ =	sdelay $0x4  }
0xeb: {  	[tilespmem:s0+$0x138] =	vst v1  }
0xec: {  	v1 =	vld [tilespmem:s24+$0x0];
	_ =	sdelay $0x4  }
0xed: {  	[tilespmem:s0+$0x148] =	vst v1  }
0xee: {  	v1 =	vld [tilespmem:s24+$0x10];
	_ =	sdelay $0x4  }
0xef: {  	[tilespmem:s0+$0x158] =	vst v1  }
0xf0: {  	v1 =	vld [tilespmem:s24+$0x20];
	_ =	sdelay $0x4  }
0xf1: {  	[tilespmem:s0+$0x168] =	vst v1  }
0xf2: {  	v1 =	vld [tilespmem:s24+$0x30]  }
.Ltmp15:
0xf3: {  	_ = 	snop;
	(pc) =	sbr.rel .LBB2_17-.Ltmp15, $2  }
0xf4: {  	_ =	sdelay $0x2  }
0xf5: {  	s25 =	sadd.s32 $0x1, s25;
	[tilespmem:s0+$0x178] =	vst v1  }
.LBB2_19:
.Ltmp16:
0xf6: {  	(pc) =	sbr.rel .LBB2_20-.Ltmp16, $3  }
0xf7: {  	_ =	sdelay $0x1  }
0xf8: {  	_ =	swait.ge [sflag:s7], $0x0  }
0xf9: {  	s0 =	simm.s32 $0x0;
	s28 =	smov.u32 s26;
	[sflag:s7] =	ssyncset.done $0x0  }
.LBB2_22:
0xfa: {  	_ =	sfence.sel $0x180000  }
0xfb: {  	s0 =	simm.s32 $0x9;
	[bflag:$0x0] =	sbarrier.arrive $0xFFFF  }
0xfc: {  	s24 =	simm.s32 $0xA;
	[sflag:s0] =	ssyncpa.u1 $0x1  }
0xfd: {  	s25 =	simm.s32 $0xB;
	[sflag:s24] =	ssyncpa.u1 $0x1  }
0xfe: {  	s26 =	simm.s32 $0x2;
	[sflag:s25] =	ssyncpa.u1 $0x1  }
0xff: {  	[sflag:s26] =	ssyncpa.u1 $0x1  }
0x100: {  	v0 =	vld [tilespmem:$0xF208];
	_ =	sdelay $0x4  }
0x101: {  	(v2sf) =	vpush v0, $0x0  }
0x102: {  	(v2sf) =	vpush v0, $0x1;
	_ =	sdelay $0x1  }
0x103: {  	(v2sf) =	vpush v0, $0x2;
	_ =	sdelay $0xb  }
0x104: {  	s0 =	spop (v2sf)  }
0x105: {  	s3 =	spop (v2sf)  }
0x106: {  	s4 =	smov.u32 s0;
	p0 =	sne.s32 s0, s3  }
0x107: {  	s5 =	spop (v2sf);
	s4 =	simm.s32 @!p0 $0xFFFFFFFF  }
0x108: {  	v2 =	vimm.s32 $0x1;
	v3 =	vlaneseq.u32;
	p0 =	seq.s32 s5, $0xFFFFFFFF;
	v1 =	vmov s4  }
0x109: {  	s16 =	stileid.u32;
	v0 =	vperm.xlane v0, v2;
	p1 =	sne.s32 @!p0 s0, s3;
	v1 =	vperm.xlane v1, v3  }
0x10a: {  	vm0 =	vcmask $0x3F04;
	s7 =	simm.s32 $0xF208;
	s0 =	simm.s32 @!p0 $0x1;
	p1 =	por !p1, p0  }
0x10b: {  	s4 =	sshll.u32 s16, $0x1;
	s3 =	sshll.u32 @!p0 s5, $0x9;
	s0 =	simm.s32 @p1 $0x0;
	v0 =	vsel vm0, v1, v0  }
0x10c: {  	s6 =	sor.u32 $0x1000, s4;
	s3 =	sshra.s32 @!p0 s3, $0x2;
	s0 =	sor.u32 @!p0 s0, s4;
	[tilespmem:$0xF208] =	vst v0  }
0x10d: {  	[spmem:s6] =	stream.linear.scatter [tilespmem:s7], [sflag:$0x1], $0x2, $0x38;
	[tilespmem:$0x1F6F8] =	vst v63  }
0x10e: {  	s3 =	sadd.s32 @!p0 $0x108, s3;
	s0 =	sshll.u32 @!p0 s0, $0x7  }
0x10f: {  	[spmem:s0] =	stream.linear.scatter @!p0 [tilespmem:s3], [sflag:$0x1], $0x80, $0x38;
	[tilespmem:$0x1F6F8] =	vst v63  }
0x110: {  	s0 =	simm.s32 @!p0 $0x82  }
0x111: {  	s28 =	simm.s32 $0x1;
	s0 =	simm.s32 @p0 $0x2  }
0x112: {  	_ =	swait.ge [sflag:s28], s0  }
0x113: {  	s0 =	ssub.s32 $0x0, s0;
	[sflag:s28] =	ssyncset.done $0x0  }
0x114: {  	p0 =	sne.s32 s16, $0x0;
	[sflag:s28] =	ssyncadd.s32 s0  }
.Ltmp17:
0x115: {  	_ =	sfence.stream.spmem;
	(pc) =	sbr.rel @p0 .LBB2_39-.Ltmp17, $4  }
0x116: {  	s29 =	simm.s32 $0x3;
	[bflag:$0x0] =	sbarrier.arrive $0xFFFF  }
0x117: {  	s30 =	simm.s32 $0x4;
	[sflag:s29] =	ssyncpa.u1 $0x1  }
0x118: {  	s31 =	simm.s32 $0x3C;
	[sflag:s30] =	ssyncpa.u1 $0x1  }
0x119: {  	[sflag:s31] =	ssyncpa.u1 $0x1  }
0x11a: {  	_ =	sfence.stream.spmem;
	s0 =	simm.s32 $0x5  }
0x11b: {  	s3 =	simm.s32 $0x1000;
	s4 =	simm.s32 $0xF218;
	[sflag:s0] =	ssyncpa.u1 $0x0  }
0x11c: {  	[tilespmem:s4], [sflag:$0x5] =	stream.linear.gather [spmem:s3], $0x20, $0x38;
	[tilespmem:$0x1F6F8] =	vst v63  }
0x11d: {  	s26 =	simm.s32 $0x0;
	s28 =	simm.s32 $0xF238  }
0x11e: {  	[tilespmem:s28], [sflag:$0x5] =	stream.linear.gather [spmem:s26], $0x1000, $0x38;
	[tilespmem:$0x1F6F8] =	vst v63  }
0x11f: {  	_ =	swait.ge [sflag:s0], $0x1020  }
0x120: {  	[sflag:s0] =	ssyncset.done $0x0  }
0x121: {  	s29 =	simm.s32 $0x0;
	[sflag:s0] =	ssyncadd.s32 $0xFFFFEFE0  }
0x122: {  	v0 =	vld.msk [tilespmem:s29+$0xF218], $0x1;
	_ =	sdelay $0x1  }
0x123: {  	s30 =	simm.s32 $0x1  }
0x124: {  	v1 =	vld.msk [tilespmem:s30+$0xF218], $0x1;
	_ =	sdelay $0x1  }
0x125: {  	(v2sf) =	vpush v0, $0x0;
	_ =	sdelay $0x2  }
0x126: {  	(v2sf) =	vpush v1, $0x0;
	_ =	sdelay $0x2  }
0x127: {  	s31 =	simm.s32 $0x2  }
0x128: {  	v0 =	vld.msk [tilespmem:s31+$0xF218], $0x1;
	_ =	sdelay $0x2  }
0x129: {  	s6 =	simm.s32 $0xC;
	s7 =	simm.s32 $0xFFFFFFFF;
	s0 =	simm.s32 $0xFFFFFFFF  }
.LBB2_24:
0x12a: {  	s3 =	smov.u32 s7;
	s4 =	smov.u32 s0  }
0x12b: {  	s0 =	sshra.s32 s6, $0x2;
	p1 =	sne.s32 s6, $0x7C;
	s6 =	sadd.s32 $0x4, s6;
	(v2sf) =	vpush v0, $0x0  }
0x12c: {  	v0 =	vld.msk [tilespmem:s0+$0xF218], $0x1  }
.Ltmp18:
0x12d: {  	(pc) =	sbr.rel @p1 .LBB2_24-.Ltmp18, $4  }
0x12e: {  	s7 =	spop (v2sf)  }
0x12f: {  	p2 =	sne.s32 s4, $0xFFFFFFFF;
	s0 =	smov.u32 s7  }
0x130: {  	p3 =	seq.s32 s7, $0xFFFFFFFF;
	s0 =	smov.u32 @p2 s4  }
0x131: {  	s7 =	smov.u32 @p3 s3;
	s0 =	smov.u32 @p3 s4  }
0x132: {  	(v2sf) =	vpush v0, $0x0;
	_ =	sdelay $0x8  }
0x133: {  	s3 =	spop (v2sf)  }
0x134: {  	p1 =	sne.s32 s0, $0xFFFFFFFF;
	s4 =	smov.u32 s3  }
0x135: {  	s9 =	simm.s32 $0x6;
	p2 =	seq.s32 s3, $0xFFFFFFFF;
	s4 =	smov.u32 @p1 s0  }
0x136: {  	s6 =	simm.s32 $0x0;
	s4 =	smov.u32 @p2 s0;
	s0 =	spop (v2sf)  }
0x137: {  	s3 =	smov.u32 @p2 s7;
	p1 =	sne.s32 s4, $0xFFFFFFFF;
	s5 =	smov.u32 s0  }
.Ltmp19:
0x138: {  	p2 =	seq.s32 s0, $0xFFFFFFFF;
	s5 =	smov.u32 @p1 s4;
	(pc) =	sbr.rel .LBB2_26-.Ltmp19, $4  }
0x139: {  	s10 =	simm.s32 $0xF188;
	s5 =	smov.u32 @p2 s4;
	s7 =	spop (v2sf)  }
0x13a: {  	s11 =	simm.s32 $0x0;
	p1 =	sne.s32 s5, $0xFFFFFFFF;
	s8 =	smov.u32 s7  }
0x13b: {  	s0 =	smov.u32 @p2 s3;
	p2 =	seq.s32 s7, $0xFFFFFFFF;
	s8 =	smov.u32 @p1 s5  }
0x13c: {  	[sflag:s9] =	ssyncpa.u1 $0x0;
	s7 =	smov.u32 @p2 s0;
	s8 =	smov.u32 @p2 s5  }
.LBB2_32:
0x13d: {  	p1 =	sgt.u32 s12, $0x757F0  }
0x13e: {  	p2 =	seq.s32 @!p1 s12, s8  }
0x13f: {  	p1 =	por p1, p2  }
0x140: {  	p2 =	sne.s32 @!p1 s12, s7  }
0x141: {  	p1 =	por p1, !p2  }
0x142: {  	s0 =	sshll.u32 @p1 s11, $0x9  }
0x143: {  	s0 =	sand.u32 @!p1 $0x7FFF8, s12  }
0x144: {  	s3 =	sand.u32 @!p1 $0x7, s12;
	s0 =	sadd.s32 @!p1 s1, s0  }
0x145: {  	[tilespmem:s10], [sflag:$0x6] =	stream.linear.gather @!p1 [hbm4b:s0+s3], $0x80, $0x38;
	[tilespmem:$0x1F6F8] =	vst v63  }
0x146: {  	_ =	swait.ge @!p1 [sflag:s9], $0x80  }
0x147: {  	[sflag:s9] =	ssyncset.done @!p1 $0x0  }
0x148: {  	[sflag:s9] =	ssyncadd.s32 @!p1 $0xFFFFFF80  }
0x149: {  	v1 =	vld @!p1 [tilespmem:$0xF188];
	_ =	sdelay $0x2  }
0x14a: {  	s0 =	sshll.u32 @!p1 s11, $0x9  }
0x14b: {  	s3 =	sshrl.u32 @!p1 s0, $0x2  }
0x14c: {  	[tilespmem:s3+$0xF238] =	vst.add.f32.msk @!p1 $0xffff, v1  }
0x14d: {  	v1 =	vld @!p1 [tilespmem:$0xF198];
	_ =	sdelay $0x4  }
0x14e: {  	[tilespmem:s3+$0xF248] =	vst.add.f32.msk @!p1 $0xffff, v1  }
0x14f: {  	v1 =	vld @!p1 [tilespmem:$0xF1A8];
	_ =	sdelay $0x4  }
0x150: {  	[tilespmem:s3+$0xF258] =	vst.add.f32.msk @!p1 $0xffff, v1  }
0x151: {  	v1 =	vld @!p1 [tilespmem:$0xF1B8];
	_ =	sdelay $0x4  }
0x152: {  	[tilespmem:s3+$0xF268] =	vst.add.f32.msk @!p1 $0xffff, v1  }
0x153: {  	v1 =	vld @!p1 [tilespmem:$0xF1C8];
	_ =	sdelay $0x4  }
0x154: {  	[tilespmem:s3+$0xF278] =	vst.add.f32.msk @!p1 $0xffff, v1  }
0x155: {  	v1 =	vld @!p1 [tilespmem:$0xF1D8];
	_ =	sdelay $0x4  }
0x156: {  	[tilespmem:s3+$0xF288] =	vst.add.f32.msk @!p1 $0xffff, v1  }
0x157: {  	v1 =	vld @!p1 [tilespmem:$0xF1E8];
	_ =	sdelay $0x4  }
0x158: {  	[tilespmem:s3+$0xF298] =	vst.add.f32.msk @!p1 $0xffff, v1  }
0x159: {  	v1 =	vld @!p1 [tilespmem:$0xF1F8];
	_ =	sdelay $0x4  }
0x15a: {  	[tilespmem:s3+$0xF2A8] =	vst.add.f32.msk @!p1 $0xffff, v1  }
0x15b: {  	s0 =	sshrl.u32 s0, $0x2;
	[tilespmem:s6+$0xF218] =	vst.msk $0x1, v0  }
0x15c: {  	v0 =	vld [tilespmem:s0+$0xF238];
	_ =	sdelay $0x2  }
0x15d: {  	s31 =	sshll.u32 s6, $0x9  }
0x15e: {  	s3 =	sshra.s32 s31, $0x2  }
0x15f: {  	[tilespmem:s3+$0xF238] =	vst v0  }
0x160: {  	v0 =	vld [tilespmem:s0+$0xF248];
	_ =	sdelay $0x4  }
0x161: {  	[tilespmem:s3+$0xF248] =	vst v0  }
0x162: {  	v0 =	vld [tilespmem:s0+$0xF258];
	_ =	sdelay $0x4  }
0x163: {  	[tilespmem:s3+$0xF258] =	vst v0  }
0x164: {  	v0 =	vld [tilespmem:s0+$0xF268];
	_ =	sdelay $0x4  }
0x165: {  	[tilespmem:s3+$0xF268] =	vst v0  }
0x166: {  	v0 =	vld [tilespmem:s0+$0xF278];
	_ =	sdelay $0x4  }
0x167: {  	[tilespmem:s3+$0xF278] =	vst v0  }
0x168: {  	v0 =	vld [tilespmem:s0+$0xF288];
	_ =	sdelay $0x4  }
0x169: {  	[tilespmem:s3+$0xF288] =	vst v0  }
0x16a: {  	v0 =	vld [tilespmem:s0+$0xF298];
	_ =	sdelay $0x4  }
0x16b: {  	[tilespmem:s3+$0xF298] =	vst v0  }
0x16c: {  	v0 =	vld [tilespmem:s0+$0xF2A8];
	_ =	sdelay $0x4  }
0x16d: {  	s6 =	sadd.s32 $0x1, s6;
	[tilespmem:s3+$0xF2A8] =	vst v0  }
.LBB2_33:
0x16e: {  	s11 =	sadd.s32 $0x1, s11  }
0x16f: {  	p1 =	sne.s32 s11, $0x20  }
.Ltmp20:
0x170: {  	_ = 	snop;
	(pc) =	sbr.rel @!p1 .LBB2_34-.Ltmp20, $1  }
0x171: {  	_ =	sdelay $0x3  }
.LBB2_26:
0x172: {  	v0 =	vld.msk [tilespmem:s11+$0xF218], $0x1;
	_ =	sdelay $0x4  }
0x173: {  	(v2sf) =	vpush v0, $0x0;
	_ =	sdelay $0xe  }
0x174: {  	s12 =	spop (v2sf)  }
0x175: {  	p1 =	seq.s32 s12, $0xFFFFFFFF  }
.Ltmp21:
0x176: {  	_ = 	snop;
	(pc) =	sbr.rel @p1 .LBB2_33-.Ltmp21, $1  }
0x177: {  	_ =	sdelay $0x3  }
0x178: {  	p1 =	slt.s32 s6, $0x1  }
.Ltmp22:
0x179: {  	_ = 	snop;
	(pc) =	sbr.rel @p1 .LBB2_32-.Ltmp22, $1  }
0x17a: {  	_ =	sdelay $0x3  }
0x17b: {  	s13 =	simm.s32 $0xF218;
	p1 =	por $0x0, $0x0  }
0x17c: {  	v1 =	vld.msk @!p1 [tilespmem:s13+$0x0], $0x1;
	_ =	sdelay $0x4  }
0x17d: {  	(v2sf) =	vpush @!p1 v1, $0x0;
	_ =	sdelay $0xd  }
0x17e: {  	p3 =	sne.s32 s6, $0x1  }
.Ltmp23:
0x17f: {  	s0 =	spop @!p1 (v2sf);
	(pc) =	sbr.rel @!p3 .LBB2_30-.Ltmp23, $4  }
0x180: {  	p2 =	seq.s32 @!p1 s12, s0  }
0x181: {  	s14 =	simm.s32 $0x0;
	p2 =	por !p2, p1  }
0x182: {  	s0 =	simm.s32 $0xFFFFFFFF;
	s14 =	simm.s32 @p2 $0xFFFFFFFF  }
0x183: {  	s15 =	simm.s32 $0x1;
	s14 =	smov.u32 @p1 s0  }
.LBB2_29:
0x184: {  	s0 =	smov.u32 s14;
	p1 =	sne.s32 s14, $0xFFFFFFFF  }
0x185: {  	s13 =	sadd.s32 $0x1, s13;
	s14 =	smov.u32 s15;
	s15 =	sadd.s32 $0x1, s15  }
0x186: {  	p2 =	sne.s32 s6, s15;
	v1 =	vld.msk @!p1 [tilespmem:s13+$0x0], $0x1;
	_ =	sdelay $0x4  }
0x187: {  	(v2sf) =	vpush @!p1 v1, $0x0;
	_ =	sdelay $0xe  }
.Ltmp24:
0x188: {  	s3 =	spop @!p1 (v2sf);
	(pc) =	sbr.rel @p2 .LBB2_29-.Ltmp24, $4  }
0x189: {  	p3 =	seq.s32 @!p1 s12, s3  }
0x18a: {  	p3 =	por !p3, p1  }
0x18b: {  	s14 =	simm.s32 @p3 $0xFFFFFFFF  }
0x18c: {  	s14 =	smov.u32 @p1 s0  }
.LBB2_30:
0x18d: {  	p1 =	seq.s32 s14, $0xFFFFFFFF  }
.Ltmp25:
0x18e: {  	_ = 	snop;
	(pc) =	sbr.rel @p1 .LBB2_32-.Ltmp25, $1  }
0x18f: {  	_ =	sdelay $0x3  }
0x190: {  	s0 =	sshll.u32 s11, $0x7  }
0x191: {  	s0 =	sand.u32 $0x3FFFFF80, s0  }
0x192: {  	v0 =	vld [tilespmem:s0+$0xF238];
	_ =	sdelay $0x2  }
0x193: {  	s3 =	sshll.u32 s14, $0x9  }
0x194: {  	s3 =	sshra.s32 s3, $0x2  }
0x195: {  	[tilespmem:s3+$0xF238] =	vst.add.f32.msk $0xffff, v0  }
0x196: {  	v0 =	vld [tilespmem:s0+$0xF248];
	_ =	sdelay $0x4  }
0x197: {  	[tilespmem:s3+$0xF248] =	vst.add.f32.msk $0xffff, v0  }
0x198: {  	v0 =	vld [tilespmem:s0+$0xF258];
	_ =	sdelay $0x4  }
0x199: {  	[tilespmem:s3+$0xF258] =	vst.add.f32.msk $0xffff, v0  }
0x19a: {  	v0 =	vld [tilespmem:s0+$0xF268];
	_ =	sdelay $0x4  }
0x19b: {  	[tilespmem:s3+$0xF268] =	vst.add.f32.msk $0xffff, v0  }
0x19c: {  	v0 =	vld [tilespmem:s0+$0xF278];
	_ =	sdelay $0x4  }
0x19d: {  	[tilespmem:s3+$0xF278] =	vst.add.f32.msk $0xffff, v0  }
0x19e: {  	v0 =	vld [tilespmem:s0+$0xF288];
	_ =	sdelay $0x4  }
0x19f: {  	[tilespmem:s3+$0xF288] =	vst.add.f32.msk $0xffff, v0  }
0x1a0: {  	v0 =	vld [tilespmem:s0+$0xF298];
	_ =	sdelay $0x4  }
0x1a1: {  	[tilespmem:s3+$0xF298] =	vst.add.f32.msk $0xffff, v0  }
0x1a2: {  	v0 =	vld [tilespmem:s0+$0xF2A8]  }
.Ltmp26:
0x1a3: {  	_ = 	snop;
	(pc) =	sbr.rel .LBB2_33-.Ltmp26, $2  }
0x1a4: {  	_ =	sdelay $0x2  }
0x1a5: {  	[tilespmem:s3+$0xF2A8] =	vst.add.f32.msk $0xffff, v0  }
.LBB2_34:
0x1a6: {  	s0 =	simm.s32 $0x6;
	p1 =	seq.s32 s6, $0x0  }
0x1a7: {  	[sflag:s0] =	ssyncpa.u1 $0x1;
	v0 =	vimm.s32 @p1 $0xFFFFFFFF  }
0x1a8: {  	s9 =	sadd.s32 $0xFFFFFFFF, s6;
	[tilespmem:$0x10238] =	vst @p1 v0  }
0x1a9: {  	v0 =	vld.msk @!p1 [tilespmem:s9+$0xF218], $0x1;
	_ =	sdelay $0x1  }
0x1aa: {  	v1 =	vld.msk @!p1 [tilespmem:$0xF218], $0x1;
	_ =	sdelay $0x2  }
0x1ab: {  	p2 =	seq.s32 @!p1 s9, $0x0;
	v0 =	vbroadcast @!p1 v0, $0x0  }
0x1ac: {  	vm0 =	vmmov @!p1 $0x1;
	p2 =	por !p2, p1  }
0x1ad: {  	v1 =	vnsel @!p1 vm0, $0xFFFFFFFF, v1;
	vm0 =	vcmask @!p1 $0x308;
	v0 =	vpsel !p2, $0xFFFFFFFF, v0  }
0x1ae: {  	p2 =	sne.s32 @!p1 s8, s7;
	v0 =	vsel @!p1 vm0, v1, v0  }
0x1af: {  	s0 =	simm.s32 @!p1 $0xF238;
	s3 =	simm.s32 @!p1 $0x0;
	p3 =	por !p2, p1;
	[tilespmem:$0x10238] =	vst @!p1 v0  }
0x1b0: {  	[spmem:s3] =	stream.linear.scatter @!p1 [tilespmem:s0], [sflag:$0x1], $0x80, $0x38;
	[tilespmem:$0x1F6F8] =	vst v63  }
0x1b1: {  	s0 =	sshll.u32 @!p3 s9, $0x9  }
0x1b2: {  	s0 =	sshra.s32 @!p3 s0, $0x2  }
0x1b3: {  	s3 =	simm.s32 @!p3 $0x80;
	s0 =	sadd.s32 @!p3 $0xF238, s0  }
0x1b4: {  	[spmem:s3] =	stream.linear.scatter @!p3 [tilespmem:s0], [sflag:$0x1], $0x80, $0x38;
	[tilespmem:$0x1F6F8] =	vst v63  }
0x1b5: {  	s0 =	simm.s32 @!p3 $0x1  }
0x1b6: {  	_ =	swait.ge @!p3 [sflag:s0], $0x100  }
0x1b7: {  	p1 =	por p2, p1;
	[sflag:s0] =	ssyncset.done @!p3 $0x0  }
0x1b8: {  	[sflag:s0] =	ssyncadd.s32 @!p3 $0xFFFFFF00;
	s0 =	simm.s32 @!p1 $0x1  }
0x1b9: {  	_ =	swait.ge @!p1 [sflag:s0], $0x80  }
0x1ba: {  	s29 =	simm.s32 $0x10238;
	[sflag:s0] =	ssyncset.done @!p1 $0x0  }
0x1bb: {  	s30 =	simm.s32 $0x1000;
	s31 =	simm.s32 $0x1;
	[sflag:s0] =	ssyncadd.s32 @!p1 $0xFFFFFF80  }
0x1bc: {  	[spmem:s30] =	stream.linear.scatter [tilespmem:s29], [sflag:$0x1], $0x10, $0x38;
	[tilespmem:$0x1F6F8] =	vst v63  }
0x1bd: {  	_ =	swait.ge [sflag:s31], $0x10  }
0x1be: {  	[sflag:s31] =	ssyncset.done $0x0  }
0x1bf: {  	p1 =	seq.s32 s2, $0x0;
	s10 =	rddreg [dreg:$0x1];
	[sflag:s31] =	ssyncadd.s32 $0xFFFFFFF0  }
0x1c0: {  	s3 =	sshll.u32 @p1 s10, $0xE;
	s8 =	rddreg [dreg:$0x2]  }
0x1c1: {  	s0 =	sadd.s32 @p1 $0x15C3C, s3;
	s3 =	sshll.u32 @p1 s8, $0x11  }
0x1c2: {  	_ =	sfence.stream.spmem;
	s0 =	sor.u32 @p1 s3, s0  }
0x1c3: {  	[sflag:s0] =	ssyncadd.remote.s32 @p1 $0x1;
	s0 =	simm.s32 @p1 $0x4  }
0x1c4: {  	s4 =	simm.s32 @!p1 $0x3C;
	s3 =	sand.u32 $0xFFFFFFFE, s10;
	_ =	swait.ge @p1 [sflag:s0], $0x22  }
0x1c5: {  	s5 =	simm.s32 @!p1 $0x0;
	s3 =	sadd.s32 @!p1 $0x4, s3;
	[sflag:s0] =	ssyncset.done @p1 $0x0  }
0x1c6: {  	s7 =	simm.s32 @!p1 $0x100;
	[sflag:s0] =	ssyncadd.s32 @p1 $0xFFFFFFDE;
	s0 =	sshll.u32 @!p1 s3, $0x1A  }
0x1c7: {  	s3 =	sshll.u32 @!p1 s3, $0xD;
	s0 =	sor.u32 @!p1 s0, s8;
	_ =	swait.eq @!p1 [sflag:s4], $0x1  }
0x1c8: {  	s3 =	sor.u32 @!p1 $0x1C04, s3;
	s4 =	simm.s32 @!p1 $0x1C03;
	s0 =	sor.u32 @!p1 $0x80004000, s0  }
0x1c9: {  	[spmem:s7], [sflag:s3] =	dma.general @!p1 [spmem:s5], [sflag:s4], length:$0x20, [dreg:$0x0], stride_count:$0x0, ici_dest:s0, dma_misc:DstOpCode:WRITE  }
0x1ca: {  	p2 =	slt.s32 s9, $0x2;
	s5 =	simm.s32 @!p1 $0x200;
	s7 =	simm.s32 @!p1 $0x202  }
0x1cb: {  	[spmem:s7], [sflag:s3] =	dma.general @!p1 [spmem:s5], [sflag:s4], length:$0x2, [dreg:$0x0], stride_count:$0x0, ici_dest:s0, dma_misc:DstOpCode:WRITE  }
.Ltmp27:
0x1cc: {  	s0 =	simm.s32 @!p1 $0x3;
	(pc) =	sbr.rel @p2 .LBB2_38-.Ltmp27, $4  }
0x1cd: {  	s3 =	sshll.u32 @!p1 s10, $0xE;
	_ =	swait.ge @!p1 [sflag:s0], $0x22  }
0x1ce: {  	s4 =	sshll.u32 @!p1 s8, $0x11;
	s3 =	sadd.s32 @!p1 $0x11C3C, s3;
	[sflag:s0] =	ssyncset.done @!p1 $0x0  }
0x1cf: {  	[sflag:s0] =	ssyncadd.s32 @!p1 $0xFFFFFFDE;
	s0 =	sor.u32 @!p1 s4, s3  }
0x1d0: {  	[sflag:s0] =	ssyncadd.remote.s32 @!p1 $0xFFFFFFFF;
	s0 =	simm.s32 $0x0  }
0x1d1: {  	s0 =	simm.s32 $0xF219  }
0x1d2: {  	v0 =	vld.msk [tilespmem:s0+$0x0], $0x1;
	_ =	sdelay $0x4  }
0x1d3: {  	(v2sf) =	vpush v0, $0x0;
	_ =	sdelay $0xd  }
0x1d4: {  	s3 =	sadd.s32 $0xFFFFFFFE, s6  }
0x1d5: {  	s5 =	sadd.s32 $0xFFFFFFFF, s3;
	s0 =	spop (v2sf)  }
0x1d6: {  	p2 =	sne.s32 s5, $0x0;
	p1 =	sgt.u32 s0, $0x757F0  }
.Ltmp28:
0x1d7: {  	s6 =	sand.u32 @!p1 $0x7FFF8, s0;
	(pc) =	sbr.rel @!p2 .LBB2_37-.Ltmp28, $4  }
0x1d8: {  	s4 =	simm.s32 $0xF2B8;
	s0 =	sand.u32 @!p1 $0x7, s0;
	s3 =	sadd.s32 @!p1 s1, s6  }
0x1d9: {  	[hbm4b:s3+s0] =	stream.linear.scatter @!p1 [tilespmem:s4], [sflag:$0x5], $0x80, $0x38;
	[tilespmem:$0x1F6F8] =	vst v63  }
0x1da: {  	s0 =	simm.s32 $0x0  }
0x1db: {  	s7 =	simm.s32 $0xF21A;
	s6 =	simm.s32 $0x0;
	s0 =	simm.s32 @!p1 $0x200  }
.LBB2_36:
0x1dc: {  	v0 =	vld.msk [tilespmem:s7+$0x0], $0x1;
	s5 =	sadd.s32 $0xFFFFFFFF, s5;
	s6 =	sadd.s32 s6, s0  }
0x1dd: {  	p1 =	sne.s32 s5, $0x0;
	_ =	sdelay $0x3  }
0x1de: {  	(v2sf) =	vpush v0, $0x0;
	_ =	sdelay $0xe  }
.Ltmp29:
0x1df: {  	s3 =	spop (v2sf);
	(pc) =	sbr.rel @p1 .LBB2_36-.Ltmp29, $4  }
0x1e0: {  	s0 =	simm.s32 $0x0;
	p2 =	sgt.u32 s3, $0x757F0  }
0x1e1: {  	s4 =	sadd.s32 $0x80, s4;
	s0 =	simm.s32 @!p2 $0x200;
	s8 =	sand.u32 @!p2 $0x7FFF8, s3  }
0x1e2: {  	s7 =	sadd.s32 $0x1, s7;
	s3 =	sand.u32 @!p2 $0x7, s3;
	s8 =	sadd.s32 @!p2 s1, s8  }
0x1e3: {  	[hbm4b:s8+s3] =	stream.linear.scatter @!p2 [tilespmem:s4], [sflag:$0x5], $0x80, $0x38;
	[tilespmem:$0x1F6F8] =	vst v63  }
.LBB2_37:
0x1e4: {  	s0 =	sadd.s32 s6, s0  }
0x1e5: {  	s0 =	sshrl.u32 s0, $0x2  }
.LBB2_38:
0x1e6: {  	s3 =	simm.s32 $0x5  }
0x1e7: {  	_ =	swait.ge [sflag:s3], s0  }
0x1e8: {  	s31 =	ssub.s32 $0x0, s0;
	[sflag:s3] =	ssyncset.done $0x0  }
0x1e9: {  	[sflag:s3] =	ssyncadd.s32 s31  }
0x1ea: {  	[sflag:s3] =	ssyncpa.u1 $0x1  }
.LBB2_39:
0x1eb: {  	s0 =	sor.u32 s2, s16  }
0x1ec: {  	p1 =	sne.s32 s0, $0x0  }
.Ltmp30:
0x1ed: {  	_ = 	snop;
	(pc) =	sbr.rel @p1 .LBB2_54-.Ltmp30, $3  }
0x1ee: {  	_ =	sdelay $0x1  }
0x1ef: {  	[bflag:$0x0] =	sbarrier.arrive $0xFFFF  }
0x1f0: {  	_ =	sfence  }
0x1f1: {  	s0 =	simm.s32 $0x7  }
0x1f2: {  	s2 =	simm.s32 $0x1000;
	s3 =	simm.s32 $0xF218;
	[sflag:s0] =	ssyncpa.u1 $0x0  }
0x1f3: {  	[tilespmem:s3], [sflag:$0x7] =	stream.linear.gather [spmem:s2], $0x20, $0x38;
	[tilespmem:$0x1F6F8] =	vst v63  }
0x1f4: {  	s30 =	simm.s32 $0xF238;
	s2 =	simm.s32 $0x0  }
0x1f5: {  	[tilespmem:s30], [sflag:$0x7] =	stream.linear.gather [spmem:s2], $0x1000, $0x38;
	[tilespmem:$0x1F6F8] =	vst v63  }
.Ltmp31:
0x1f6: {  	_ = 	snop;
	(pc) =	sbr.rel .LBB2_41-.Ltmp31, $4  }
0x1f7: {  	_ =	swait.ge [sflag:s0], $0x1020  }
0x1f8: {  	[sflag:s0] =	ssyncset.done $0x0  }
0x1f9: {  	s31 =	simm.s32 $0x8;
	[sflag:s0] =	ssyncadd.s32 $0xFFFFEFE0  }
0x1fa: {  	s3 =	simm.s32 $0x0;
	[sflag:s31] =	ssyncpa.u1 $0x0  }
.LBB2_47:
0x1fb: {  	p1 =	slt.u32 s4, $0x757F1  }
0x1fc: {  	s0 =	sand.u32 @p1 $0x7FFF8, s4  }
0x1fd: {  	s4 =	sand.u32 @p1 $0x7, s4;
	s5 =	simm.s32 @p1 $0xF188;
	s0 =	sadd.s32 @p1 s1, s0  }
0x1fe: {  	[tilespmem:s5], [sflag:$0x8] =	stream.linear.gather @p1 [hbm4b:s0+s4], $0x80, $0x38;
	[tilespmem:$0x1F6F8] =	vst v63  }
0x1ff: {  	s0 =	simm.s32 @p1 $0x8  }
0x200: {  	_ =	swait.ge @p1 [sflag:s0], $0x80  }
0x201: {  	[sflag:s0] =	ssyncset.done @p1 $0x0  }
0x202: {  	[sflag:s0] =	ssyncadd.s32 @p1 $0xFFFFFF80  }
0x203: {  	v1 =	vld @p1 [tilespmem:$0xF188];
	_ =	sdelay $0x2  }
0x204: {  	s0 =	sshll.u32 @p1 s3, $0x9  }
0x205: {  	s4 =	sshrl.u32 @p1 s0, $0x2  }
0x206: {  	[tilespmem:s4+$0xF238] =	vst.add.f32.msk @p1 $0xffff, v1  }
0x207: {  	v1 =	vld @p1 [tilespmem:$0xF198];
	_ =	sdelay $0x4  }
0x208: {  	[tilespmem:s4+$0xF248] =	vst.add.f32.msk @p1 $0xffff, v1  }
0x209: {  	v1 =	vld @p1 [tilespmem:$0xF1A8];
	_ =	sdelay $0x4  }
0x20a: {  	[tilespmem:s4+$0xF258] =	vst.add.f32.msk @p1 $0xffff, v1  }
0x20b: {  	v1 =	vld @p1 [tilespmem:$0xF1B8];
	_ =	sdelay $0x4  }
0x20c: {  	[tilespmem:s4+$0xF268] =	vst.add.f32.msk @p1 $0xffff, v1  }
0x20d: {  	v1 =	vld @p1 [tilespmem:$0xF1C8];
	_ =	sdelay $0x4  }
0x20e: {  	[tilespmem:s4+$0xF278] =	vst.add.f32.msk @p1 $0xffff, v1  }
0x20f: {  	v1 =	vld @p1 [tilespmem:$0xF1D8];
	_ =	sdelay $0x4  }
0x210: {  	[tilespmem:s4+$0xF288] =	vst.add.f32.msk @p1 $0xffff, v1  }
0x211: {  	v1 =	vld @p1 [tilespmem:$0xF1E8];
	_ =	sdelay $0x4  }
0x212: {  	[tilespmem:s4+$0xF298] =	vst.add.f32.msk @p1 $0xffff, v1  }
0x213: {  	v1 =	vld @p1 [tilespmem:$0xF1F8];
	_ =	sdelay $0x3  }
0x214: {  	s5 =	sshll.u32 @!p1 s3, $0x9  }
0x215: {  	s5 =	smov.u32 @p1 s0;
	[tilespmem:s4+$0xF2A8] =	vst.add.f32.msk @p1 $0xffff, v1  }
0x216: {  	s0 =	sshrl.u32 s5, $0x2;
	[tilespmem:s2+$0xF218] =	vst.msk $0x1, v0  }
0x217: {  	v0 =	vld [tilespmem:s0+$0xF238];
	_ =	sdelay $0x2  }
0x218: {  	s31 =	sshll.u32 s2, $0x9  }
0x219: {  	s4 =	sshra.s32 s31, $0x2  }
0x21a: {  	[tilespmem:s4+$0xF238] =	vst v0  }
0x21b: {  	v0 =	vld [tilespmem:s0+$0xF248];
	_ =	sdelay $0x4  }
0x21c: {  	[tilespmem:s4+$0xF248] =	vst v0  }
0x21d: {  	v0 =	vld [tilespmem:s0+$0xF258];
	_ =	sdelay $0x4  }
0x21e: {  	[tilespmem:s4+$0xF258] =	vst v0  }
0x21f: {  	v0 =	vld [tilespmem:s0+$0xF268];
	_ =	sdelay $0x4  }
0x220: {  	[tilespmem:s4+$0xF268] =	vst v0  }
0x221: {  	v0 =	vld [tilespmem:s0+$0xF278];
	_ =	sdelay $0x4  }
0x222: {  	[tilespmem:s4+$0xF278] =	vst v0  }
0x223: {  	v0 =	vld [tilespmem:s0+$0xF288];
	_ =	sdelay $0x4  }
0x224: {  	[tilespmem:s4+$0xF288] =	vst v0  }
0x225: {  	v0 =	vld [tilespmem:s0+$0xF298];
	_ =	sdelay $0x4  }
0x226: {  	[tilespmem:s4+$0xF298] =	vst v0  }
0x227: {  	v0 =	vld [tilespmem:s0+$0xF2A8];
	_ =	sdelay $0x4  }
0x228: {  	s2 =	sadd.s32 $0x1, s2;
	[tilespmem:s4+$0xF2A8] =	vst v0  }
.LBB2_48:
0x229: {  	s3 =	sadd.s32 $0x1, s3  }
0x22a: {  	p1 =	sne.s32 s3, $0x20  }
.Ltmp32:
0x22b: {  	_ = 	snop;
	(pc) =	sbr.rel @!p1 .LBB2_49-.Ltmp32, $1  }
0x22c: {  	_ =	sdelay $0x3  }
.LBB2_41:
0x22d: {  	v0 =	vld.msk [tilespmem:s3+$0xF218], $0x1;
	_ =	sdelay $0x4  }
0x22e: {  	(v2sf) =	vpush v0, $0x0;
	_ =	sdelay $0xe  }
0x22f: {  	s4 =	spop (v2sf)  }
0x230: {  	p1 =	seq.s32 s4, $0xFFFFFFFF  }
.Ltmp33:
0x231: {  	_ = 	snop;
	(pc) =	sbr.rel @p1 .LBB2_48-.Ltmp33, $1  }
0x232: {  	_ =	sdelay $0x3  }
0x233: {  	p1 =	slt.s32 s2, $0x1  }
.Ltmp34:
0x234: {  	_ = 	snop;
	(pc) =	sbr.rel @p1 .LBB2_47-.Ltmp34, $1  }
0x235: {  	_ =	sdelay $0x3  }
0x236: {  	s5 =	simm.s32 $0xF218;
	p1 =	por $0x0, $0x0  }
0x237: {  	v1 =	vld.msk @!p1 [tilespmem:s5+$0x0], $0x1;
	_ =	sdelay $0x4  }
0x238: {  	(v2sf) =	vpush @!p1 v1, $0x0;
	_ =	sdelay $0xd  }
0x239: {  	p3 =	sne.s32 s2, $0x1  }
.Ltmp35:
0x23a: {  	s0 =	spop @!p1 (v2sf);
	(pc) =	sbr.rel @!p3 .LBB2_45-.Ltmp35, $4  }
0x23b: {  	p2 =	seq.s32 @!p1 s4, s0  }
0x23c: {  	s6 =	simm.s32 $0x0;
	p2 =	por !p2, p1  }
0x23d: {  	s0 =	simm.s32 $0xFFFFFFFF;
	s6 =	simm.s32 @p2 $0xFFFFFFFF  }
0x23e: {  	s7 =	simm.s32 $0x1;
	s6 =	smov.u32 @p1 s0  }
.LBB2_44:
0x23f: {  	s0 =	smov.u32 s6;
	p1 =	sne.s32 s6, $0xFFFFFFFF  }
0x240: {  	s5 =	sadd.s32 $0x1, s5;
	s6 =	smov.u32 s7;
	s7 =	sadd.s32 $0x1, s7  }
0x241: {  	p2 =	sne.s32 s2, s7;
	v1 =	vld.msk @!p1 [tilespmem:s5+$0x0], $0x1;
	_ =	sdelay $0x4  }
0x242: {  	(v2sf) =	vpush @!p1 v1, $0x0;
	_ =	sdelay $0xe  }
.Ltmp36:
0x243: {  	s8 =	spop @!p1 (v2sf);
	(pc) =	sbr.rel @p2 .LBB2_44-.Ltmp36, $4  }
0x244: {  	p3 =	seq.s32 @!p1 s4, s8  }
0x245: {  	p3 =	por !p3, p1  }
0x246: {  	s6 =	simm.s32 @p3 $0xFFFFFFFF  }
0x247: {  	s6 =	smov.u32 @p1 s0  }
.LBB2_45:
0x248: {  	p1 =	seq.s32 s6, $0xFFFFFFFF  }
.Ltmp37:
0x249: {  	_ = 	snop;
	(pc) =	sbr.rel @p1 .LBB2_47-.Ltmp37, $1  }
0x24a: {  	_ =	sdelay $0x3  }
0x24b: {  	s0 =	sshll.u32 s3, $0x7  }
0x24c: {  	s0 =	sand.u32 $0x3FFFFF80, s0  }
0x24d: {  	v0 =	vld [tilespmem:s0+$0xF238];
	_ =	sdelay $0x2  }
0x24e: {  	s4 =	sshll.u32 s6, $0x9  }
0x24f: {  	s4 =	sshra.s32 s4, $0x2  }
0x250: {  	[tilespmem:s4+$0xF238] =	vst.add.f32.msk $0xffff, v0  }
0x251: {  	v0 =	vld [tilespmem:s0+$0xF248];
	_ =	sdelay $0x4  }
0x252: {  	[tilespmem:s4+$0xF248] =	vst.add.f32.msk $0xffff, v0  }
0x253: {  	v0 =	vld [tilespmem:s0+$0xF258];
	_ =	sdelay $0x4  }
0x254: {  	[tilespmem:s4+$0xF258] =	vst.add.f32.msk $0xffff, v0  }
0x255: {  	v0 =	vld [tilespmem:s0+$0xF268];
	_ =	sdelay $0x4  }
0x256: {  	[tilespmem:s4+$0xF268] =	vst.add.f32.msk $0xffff, v0  }
0x257: {  	v0 =	vld [tilespmem:s0+$0xF278];
	_ =	sdelay $0x4  }
0x258: {  	[tilespmem:s4+$0xF278] =	vst.add.f32.msk $0xffff, v0  }
0x259: {  	v0 =	vld [tilespmem:s0+$0xF288];
	_ =	sdelay $0x4  }
0x25a: {  	[tilespmem:s4+$0xF288] =	vst.add.f32.msk $0xffff, v0  }
0x25b: {  	v0 =	vld [tilespmem:s0+$0xF298];
	_ =	sdelay $0x4  }
0x25c: {  	[tilespmem:s4+$0xF298] =	vst.add.f32.msk $0xffff, v0  }
0x25d: {  	v0 =	vld [tilespmem:s0+$0xF2A8]  }
.Ltmp38:
0x25e: {  	_ = 	snop;
	(pc) =	sbr.rel .LBB2_48-.Ltmp38, $2  }
0x25f: {  	_ =	sdelay $0x2  }
0x260: {  	[tilespmem:s4+$0xF2A8] =	vst.add.f32.msk $0xffff, v0  }
.LBB2_49:
0x261: {  	p1 =	slt.s32 s2, $0x1  }
.Ltmp39:
0x262: {  	_ = 	snop;
	(pc) =	sbr.rel @p1 .LBB2_53-.Ltmp39, $3  }
0x263: {  	_ =	sdelay $0x1  }
0x264: {  	s0 =	simm.s32 $0x8  }
0x265: {  	s3 =	simm.s32 $0x0;
	[sflag:s0] =	ssyncpa.u1 $0x1  }
0x266: {  	s0 =	simm.s32 $0xF218  }
0x267: {  	v0 =	vld.msk [tilespmem:s0+$0x0], $0x1;
	_ =	sdelay $0x4  }
0x268: {  	(v2sf) =	vpush v0, $0x0;
	_ =	sdelay $0xe  }
0x269: {  	s2 =	sadd.s32 $0xFFFFFFFF, s2;
	s0 =	spop (v2sf)  }
0x26a: {  	p2 =	sne.s32 s2, $0x0;
	p1 =	sgt.u32 s0, $0x757F0  }
.Ltmp40:
0x26b: {  	s5 =	sand.u32 @!p1 $0x7FFF8, s0;
	(pc) =	sbr.rel @!p2 .LBB2_52-.Ltmp40, $4  }
0x26c: {  	s4 =	simm.s32 $0xF238;
	s0 =	sand.u32 @!p1 $0x7, s0;
	s5 =	sadd.s32 @!p1 s1, s5  }
0x26d: {  	[hbm4b:s5+s0] =	stream.linear.scatter @!p1 [tilespmem:s4], [sflag:$0x7], $0x80, $0x38;
	[tilespmem:$0x1F6F8] =	vst v63  }
0x26e: {  	s0 =	simm.s32 $0x0  }
0x26f: {  	s5 =	simm.s32 $0xF219;
	s0 =	simm.s32 @!p1 $0x200  }
.LBB2_51:
0x270: {  	v0 =	vld.msk [tilespmem:s5+$0x0], $0x1;
	s2 =	sadd.s32 $0xFFFFFFFF, s2;
	s3 =	sadd.s32 s3, s0  }
0x271: {  	p1 =	sne.s32 s2, $0x0;
	_ =	sdelay $0x3  }
0x272: {  	(v2sf) =	vpush v0, $0x0;
	_ =	sdelay $0xe  }
.Ltmp41:
0x273: {  	s6 =	spop (v2sf);
	(pc) =	sbr.rel @p1 .LBB2_51-.Ltmp41, $4  }
0x274: {  	s0 =	simm.s32 $0x0;
	p2 =	sgt.u32 s6, $0x757F0  }
0x275: {  	s4 =	sadd.s32 $0x80, s4;
	s0 =	simm.s32 @!p2 $0x200;
	s7 =	sand.u32 @!p2 $0x7FFF8, s6  }
0x276: {  	s5 =	sadd.s32 $0x1, s5;
	s6 =	sand.u32 @!p2 $0x7, s6;
	s7 =	sadd.s32 @!p2 s1, s7  }
0x277: {  	[hbm4b:s7+s6] =	stream.linear.scatter @!p2 [tilespmem:s4], [sflag:$0x7], $0x80, $0x38;
	[tilespmem:$0x1F6F8] =	vst v63  }
.LBB2_52:
0x278: {  	s0 =	sadd.s32 s3, s0  }
0x279: {  	s3 =	sshrl.u32 s0, $0x2  }
.LBB2_53:
0x27a: {  	s0 =	simm.s32 $0x7  }
0x27b: {  	_ =	swait.ge [sflag:s0], s3  }
0x27c: {  	s1 =	ssub.s32 $0x0, s3;
	[sflag:s0] =	ssyncset.done $0x0  }
0x27d: {  	[sflag:s0] =	ssyncadd.s32 s1  }
0x27e: {  	[sflag:s0] =	ssyncpa.u1 $0x1  }
.LBB2_54:
0x27f: {  	_ =	sfence;
	s0 =	simm.s32 $0x1  }
0x280: {  	[sflag:s0] =	ssyncpa.u1 $0x1  }
0x281: {  	_ =	strace $0x90000050  }
0x282: {  	[bflag:$0x2] =	sbarrier.arrive $0xFFFF  }
0x283: {  	s0 =	rddreg [dreg:$0x3]  }
0x284: {  	s0 =	sadd.s32 @!p0 $0x100000, s0  }
0x285: {  	[sflag:s0] =	ssyncadd.tile.s32 @!p0 $0x1;
	_ =	shalt  }
.Lfunc_end2:
_tile_overlayer_lowered:
.L_overlay_start_2:
0x286: {  	(tag) =	ssettag $0x2  }
0x287: {  	s0 =	rddreg [dreg:$0x0];
	s2 =	stileid.u32  }
0x288: {  	s1 =	rddreg [dreg:$0x1];
	p0 =	sne.s32 s2, $0x0  }
0x289: {  	s3 =	rddreg [dreg:$0x2];
	[bflag:$0x3] =	sbarrier.arrive $0xFFFF;
	s2 =	simm.s32 @!p0 $0x1C01  }
0x28a: {  	[timem:s3], [sflag:s2] =	dma.local @!p0 [hbm:s0], s1  }
0x28b: {  	s0 =	simm.s32 @!p0 $0x1  }
0x28c: {  	_ =	swait.ge @!p0 [sflag:s0], s1  }
0x28d: {  	s1 =	ssub.s32 @!p0 $0x0, s1;
	[sflag:s0] =	ssyncset.done @!p0 $0x0  }
0x28e: {  	[sflag:s0] =	ssyncadd.s32 @!p0 s1  }
0x28f: {  	[bflag:$0x3] =	sbarrier.arrive $0xFFFF  }
0x290: {  	_ =	shalt  }

</sc_bundles>
